<compile_context>
chip_gen: v7x
topology: tpu7x:2x2x1
jax: 0.10.2.dev20260603
libtpu: 0.0.44.dev20260713+nightly
codegen_flags: <defaults>
</compile_context>

<pallas_src>
import functools

import jax
import jax.numpy as jnp
from jax import lax
from jax.experimental import pallas as pl
from jax.experimental.pallas import tpu as pltpu
from jax.experimental.pallas import tpu_sc as plsc

_EB = 4


def _make_sc_gather(S, D, N):
    info = plsc.get_sparse_core_info()
    NC, NS = info.num_cores, info.num_subcores
    NW = NC * NS
    b_per_w = N // NW
    mesh = plsc.VectorSubcoreMesh(core_axis_name="c", subcore_axis_name="s")

    @functools.partial(
        pl.kernel, mesh=mesh,
        out_type=jax.ShapeDtypeStruct((N, D), jnp.float32),
        scratch_types=[
            pltpu.VMEM((b_per_w,), jnp.int32),
            pltpu.VMEM((b_per_w, D), jnp.float32),
            pltpu.SemaphoreType.DMA,
        ],
    )
    def sc_gather(table_hbm, idx_hbm, out_hbm, idx_v, rows_v, sem):
        wid = lax.axis_index("s") * NC + lax.axis_index("c")
        base = wid * b_per_w
        pltpu.sync_copy(idx_hbm.at[pl.ds(base, b_per_w)], idx_v)
        pltpu.async_copy(table_hbm.at[idx_v], rows_v, sem).wait()
        pltpu.sync_copy(rows_v, out_hbm.at[pl.ds(base, b_per_w)])

    return sc_gather


def _router_kernel(x_ref, wg_ref, bg_ref, wc1_ref, bc1_ref, wc2_ref, bc2_ref,
                   cap_ref, gate_ref, idx_ref, ones_ref):
    S, D = x_ref.shape
    G = wg_ref.shape[0]
    E = wg_ref.shape[2]
    K = gate_ref.shape[0]
    xf = x_ref[...]

    h = jnp.dot(xf, wc1_ref[...], preferred_element_type=jnp.float32)
    h = h + bc1_ref[...]
    h = h * (1.0 / (1.0 + jnp.exp(-h)))
    cap = jnp.dot(h, wc2_ref[...], preferred_element_type=jnp.float32)
    cap_ref[...] = cap + bc2_ref[...]

    acc = jnp.zeros((S, E), jnp.float32)
    for g in range(G):
        acc = acc + (jnp.dot(xf, wg_ref[g], preferred_element_type=jnp.float32)
                     + bg_ref[g:g + 1, :])
    logits = acc * (1.0 / G)

    mx = jnp.max(logits, axis=1, keepdims=True)
    ex = jnp.exp(logits - mx)
    sc = ex / jnp.sum(ex, axis=1, keepdims=True)

    iota_s = lax.broadcasted_iota(jnp.int32, (S, E), 0)
    iota_k = lax.broadcasted_iota(jnp.int32, (K, E), 0)

    def body(i, carry):
        work, gate, idx = carry
        m = jnp.max(work, axis=0, keepdims=True)
        cand = jnp.where(work == m, iota_s, S)
        sel = jnp.min(cand, axis=0, keepdims=True)
        work = jnp.where(iota_s == sel, -1.0, work)
        gate = jnp.where(iota_k == i, jnp.broadcast_to(m, (K, E)), gate)
        idx = jnp.where(iota_k == i, jnp.broadcast_to(sel, (K, E)), idx)
        return work, gate, idx

    carry = (sc, jnp.zeros((K, E), jnp.float32), jnp.zeros((K, E), jnp.int32))
    for i in range(K):
        carry = body(i, carry)
    work, gate, idx = carry
    gate_ref[...] = gate
    idx_ref[...] = idx
    ones_ref[...] = jnp.where(work < 0.0, 1.0, 0.0)


def _expert_kernel(idx_sref, gate_sref, xg_ref, we_ref, be_ref, out_ref):
    S, D = out_ref.shape
    K = xg_ref.shape[0] // _EB
    eb = pl.program_id(0)

    @pl.when(eb == 0)
    def _():
        out_ref[...] = jnp.zeros_like(out_ref)

    for s in range(_EB):
        e = eb * _EB + s
        y = jnp.dot(xg_ref[s * K:(s + 1) * K, :], we_ref[s],
                    preferred_element_type=jnp.float32)
        y = y + be_ref[s]

        for j in range(K):
            tok = idx_sref[j, e]
            g = gate_sref[j, e]
            out_ref[pl.ds(tok, 1), :] += y[j:j + 1, :] * g


def kernel(x, Wg, bg, Wc1, bc1, Wc2, bc2, We, be):
    B, SEQ, D = x.shape
    G, _, E = Wg.shape
    S = B * SEQ
    K = (S // E)

    xf = x.reshape(S, D)

    cap, gate, idx, ones = pl.pallas_call(
        _router_kernel,
        out_shape=(
            jax.ShapeDtypeStruct((S, E), jnp.float32),
            jax.ShapeDtypeStruct((K, E), jnp.float32),
            jax.ShapeDtypeStruct((K, E), jnp.int32),
            jax.ShapeDtypeStruct((S, E), jnp.float32),
        ),
    )(xf, Wg, bg, Wc1, bc1.reshape(1, D), Wc2, bc2.reshape(1, E))

    idx_flat = idx.T.reshape(E * K)
    xg = _make_sc_gather(S, D, E * K)(xf, idx_flat)

    out = pl.pallas_call(
        _expert_kernel,
        grid_spec=pltpu.PrefetchScalarGridSpec(
            num_scalar_prefetch=2,
            grid=(E // _EB,),
            in_specs=[
                pl.BlockSpec((_EB * K, D), lambda e, *_: (e, 0)),
                pl.BlockSpec((_EB, D, D), lambda e, *_: (e, 0, 0)),
                pl.BlockSpec((_EB, 1, D), lambda e, *_: (e, 0, 0)),
            ],
            out_specs=pl.BlockSpec((S, D), lambda e, *_: (0, 0)),
        ),
        out_shape=jax.ShapeDtypeStruct((S, D), jnp.float32),
        compiler_params=pltpu.CompilerParams(
            dimension_semantics=("arbitrary",),
        ),
    )(idx, gate, xg, We, be.reshape(E, 1, D))

    return (out.reshape(B, SEQ, D), ones.reshape(B, SEQ, E),
            cap.reshape(B, SEQ, E))

# --- scband reference (transcript-rebuilt; emitter-appended) ---
"""Pipeline reference for scband-sparse-mo-eblock-9328668967116 (READ-ONLY COPY).

The authoritative reference and input builder live on the scoring server;
editing this copy changes nothing except your own understanding.
"""

import jax, jax.numpy as jnp
import numpy as np

B, SEQ, D, E, G = 1, 2048, 768, 64, 4
CAPACITY = 1

def setup_inputs(seed: int = 0):
    key = jax.random.key(seed)
    ks = jax.random.split(key, 8)
    x = jax.random.normal(ks[0], (B, SEQ, D), dtype=jnp.float32)
    Wg = jax.random.normal(ks[1], (G, D, E), dtype=jnp.float32) * 0.02
    bg = jnp.zeros((G, E), dtype=jnp.float32)
    Wc1 = jax.random.normal(ks[2], (D, D), dtype=jnp.float32) * 0.02
    bc1 = jnp.zeros((D,), dtype=jnp.float32)
    Wc2 = jax.random.normal(ks[3], (D, E), dtype=jnp.float32) * 0.02
    bc2 = jnp.zeros((E,), dtype=jnp.float32)
    We = jax.random.normal(ks[4], (E, D, D), dtype=jnp.float32) * 0.02
    be = jnp.zeros((E, D), dtype=jnp.float32)
    return {"x": x, "Wg": Wg, "bg": bg, "Wc1": Wc1, "bc1": bc1, "Wc2": Wc2, "bc2": bc2, "We": We, "be": be}


def reference(x, Wg, bg, Wc1, bc1, Wc2, bc2, We, be):
    # Faithful translation of SparseMoEBlock.forward_train (module default is training mode).
    Bq, sq, Dq = x.shape
    xf = x.reshape(-1, Dq)
    S = xf.shape[0]
    Eq = We.shape[0]
    k = (S // Eq) * CAPACITY
    # capacity predictor on detached input
    xd = jax.lax.stop_gradient(xf)
    h = jax.nn.silu(xd @ Wc1 + bc1)
    capacity_pred = h @ Wc2 + bc2  # [S, E]
    # multi-head gating: mean over G gate heads
    gate_logits = jnp.einsum('sd,gde->gse', xf, Wg) + bg[:, None, :]  # [G, S, E]
    logits = gate_logits.mean(axis=0)  # [S, E]
    scores = jax.nn.softmax(logits, axis=-1).T  # [E, S]
    # expert-choice routing: each expert picks top-k tokens
    gating, index = jax.lax.top_k(scores, k)  # [E, k]
    mask = jnp.zeros((Eq, S), dtype=x.dtype).at[jnp.arange(Eq)[:, None], index].set(1.0)
    expert_inputs = xf[index]  # gather [E, k, D]
    expert_outputs = jnp.einsum('ekd,edf->ekf', expert_inputs, We) + be[:, None, :]  # per-expert Linear(D,D)
    gated = gating[..., None] * expert_outputs  # [E, k, D]
    # scatter (overwrite) into per-expert slabs, then reduce over experts
    offset = jnp.arange(Eq)[:, None] * S
    idx_flat = (index + offset).reshape(-1)
    y = jnp.zeros((S * Eq, Dq), dtype=x.dtype).at[idx_flat].set(gated.reshape(-1, Dq))
    y = y.reshape(Eq, S, Dq).sum(axis=0)  # [S, D]
    x_out = y.reshape(Bq, sq, Dq)
    ones = mask.T.reshape(Bq, sq, Eq)
    cap = capacity_pred.reshape(Bq, sq, Eq)
    return (x_out, ones, cap)

if __name__ == "__main__":
    import jax
    _d = setup_inputs()
    print(jax.jit(kernel)(*tuple(_d.values())))

</pallas_src>

<mosaic_0001>
#map = affine_map<(d0, d1) -> (0, 0)>
#map1 = affine_map<(d0, d1) -> (0)>
module attributes {stable_mosaic.version = 14 : i64} {
  func.func @sc_gather(%arg0: i32, %arg1: i32, %arg2: memref<2048x768xf32, #tpu.memory_space<hbm>>, %arg3: memref<2048xi32, #tpu.memory_space<hbm>>, %arg4: memref<2048x768xf32, #tpu.memory_space<hbm>>, %arg5: memref<64xi32, #tpu.memory_space<vmem>>, %arg6: memref<64x768xf32, #tpu.memory_space<vmem>>, %arg7: memref<!tpu.dma_semaphore, #tpu.memory_space<semaphore_mem>>) attributes {dimension_semantics = [#tpu.dimension_semantics<core_parallel>, #tpu.dimension_semantics<subcore_parallel>], iteration_bounds = array<i64: 2, 16>, scalar_prefetch = 0 : i64, scratch_operands = 3 : i64, tpu.core_type = #tpu.core_type<sc_vector_subcore>, window_params = [{transform_indices = #map}, {transform_indices = #map1}, {transform_indices = #map}]} {
    %mul3A = arith.constant 2 : i32
    %mul3A_0 = arith.muli %arg1, %mul3A : i32
    %add3A = arith.addi %mul3A_0, %arg0 : i32
    %mul3A_1 = arith.constant 64 : i32
    %mul3A_2 = arith.muli %add3A, %mul3A_1 : i32
    "tpu.region"() ({
      %run_scoped3A = tpu.sem_alloc : memref<!tpu.dma_semaphore, #tpu.memory_space<semaphore_mem>>
      %dma_start3A_7 = tpu.memref_slice %arg3[%mul3A_2] : memref<2048xi32, #tpu.memory_space<hbm>> -> memref<64xi32, #tpu.memory_space<hbm>>
      %dma_start3A_8 = tpu.memref_slice %arg3[%mul3A_2] : memref<2048xi32, #tpu.memory_space<hbm>> -> memref<64xi32, #tpu.memory_space<hbm>>
      tpu.enqueue_dma source(%dma_start3A_8 : memref<64xi32, #tpu.memory_space<hbm>>) target(%arg5 : memref<64xi32, #tpu.memory_space<vmem>>) target_semaphore(%run_scoped3A : memref<!tpu.dma_semaphore, #tpu.memory_space<semaphore_mem>>)
      %dma_wait3A_9 = tpu.memref_slice %arg3[%mul3A_2] : memref<2048xi32, #tpu.memory_space<hbm>> -> memref<64xi32, #tpu.memory_space<hbm>>
      %dma_wait3A_10 = tpu.memref_slice %arg3[%mul3A_2] : memref<2048xi32, #tpu.memory_space<hbm>> -> memref<64xi32, #tpu.memory_space<hbm>>
      tpu.wait_dma2 semaphore(%run_scoped3A : memref<!tpu.dma_semaphore, #tpu.memory_space<semaphore_mem>>) src(%dma_wait3A_10 : memref<64xi32, #tpu.memory_space<hbm>>) dst(%arg5 : memref<64xi32, #tpu.memory_space<vmem>>)
      tpu.yield
    }) : () -> ()
    %dma_start3A = arith.constant 0 : i32
    %dma_start3A_3 = arith.constant 0 : i32
    %dma_start3A_4 = tpu.memref_slice %arg2[%dma_start3A, %dma_start3A_3] : memref<2048x768xf32, #tpu.memory_space<hbm>> -> memref<2048x768xf32, #tpu.memory_space<hbm>>
    tpu.enqueue_indirect_dma source(%dma_start3A_4 : memref<2048x768xf32, #tpu.memory_space<hbm>>) target(%arg6 : memref<64x768xf32, #tpu.memory_space<vmem>>) offsets(%arg5 : memref<64xi32, #tpu.memory_space<vmem>>) semaphore(%arg7 : memref<!tpu.dma_semaphore, #tpu.memory_space<semaphore_mem>>)
    %dma_wait3A = arith.constant 0 : i32
    %dma_wait3A_5 = arith.constant 0 : i32
    %dma_wait3A_6 = tpu.memref_slice %arg2[%dma_wait3A, %dma_wait3A_5] : memref<2048x768xf32, #tpu.memory_space<hbm>> -> memref<2048x768xf32, #tpu.memory_space<hbm>>
    tpu.wait_indirect_dma semaphore(%arg7 : memref<!tpu.dma_semaphore, #tpu.memory_space<semaphore_mem>>) src(%dma_wait3A_6 : memref<2048x768xf32, #tpu.memory_space<hbm>>) dst(%arg6 : memref<64x768xf32, #tpu.memory_space<vmem>>)
    "tpu.region"() ({
      %run_scoped3A = tpu.sem_alloc : memref<!tpu.dma_semaphore, #tpu.memory_space<semaphore_mem>>
      %dma_start3A_7 = arith.constant 0 : i32
      %dma_start3A_8 = tpu.memref_slice %arg4[%mul3A_2, %dma_start3A_7] : memref<2048x768xf32, #tpu.memory_space<hbm>> -> memref<64x768xf32, #tpu.memory_space<hbm>>
      %dma_start3A_9 = arith.constant 0 : i32
      %dma_start3A_10 = tpu.memref_slice %arg4[%mul3A_2, %dma_start3A_9] : memref<2048x768xf32, #tpu.memory_space<hbm>> -> memref<64x768xf32, #tpu.memory_space<hbm>>
      tpu.enqueue_dma source(%arg6 : memref<64x768xf32, #tpu.memory_space<vmem>>) target(%dma_start3A_10 : memref<64x768xf32, #tpu.memory_space<hbm>>) target_semaphore(%run_scoped3A : memref<!tpu.dma_semaphore, #tpu.memory_space<semaphore_mem>>)
      %dma_wait3A_11 = arith.constant 0 : i32
      %dma_wait3A_12 = tpu.memref_slice %arg4[%mul3A_2, %dma_wait3A_11] : memref<2048x768xf32, #tpu.memory_space<hbm>> -> memref<64x768xf32, #tpu.memory_space<hbm>>
      %dma_wait3A_13 = arith.constant 0 : i32
      %dma_wait3A_14 = tpu.memref_slice %arg4[%mul3A_2, %dma_wait3A_13] : memref<2048x768xf32, #tpu.memory_space<hbm>> -> memref<64x768xf32, #tpu.memory_space<hbm>>
      tpu.wait_dma2 semaphore(%run_scoped3A : memref<!tpu.dma_semaphore, #tpu.memory_space<semaphore_mem>>) src(%arg6 : memref<64x768xf32, #tpu.memory_space<vmem>>) dst(%dma_wait3A_14 : memref<64x768xf32, #tpu.memory_space<hbm>>)
      tpu.yield
    }) : () -> ()
    return
  }
}

module attributes {stable_mosaic.version = 14 : i64} {
  func.func @_router_kernel(%arg0: memref<2048x768xf32, #tpu.memory_space<vmem>>, %arg1: memref<4x768x64xf32, #tpu.memory_space<vmem>>, %arg2: memref<4x64xf32, #tpu.memory_space<vmem>>, %arg3: memref<768x768xf32, #tpu.memory_space<vmem>>, %arg4: memref<1x768xf32, #tpu.memory_space<vmem>>, %arg5: memref<768x64xf32, #tpu.memory_space<vmem>>, %arg6: memref<1x64xf32, #tpu.memory_space<vmem>>, %arg7: memref<2048x64xf32, #tpu.memory_space<vmem>>, %arg8: memref<32x64xf32, #tpu.memory_space<vmem>>, %arg9: memref<32x64xi32, #tpu.memory_space<vmem>>, %arg10: memref<2048x64xf32, #tpu.memory_space<vmem>>) attributes {dimension_semantics = [], scalar_prefetch = 0 : i64, scratch_operands = 0 : i64, tpu.core_type = #tpu.core_type<tc>} {
    %get3A = arith.constant 0 : index
    %get3A_0 = arith.constant 0 : index
    %get3A_1 = vector.load %arg0[%get3A, %get3A_0] : memref<2048x768xf32, #tpu.memory_space<vmem>>, vector<2048x768xf32>
    %get3A_2 = arith.constant 0 : index
    %get3A_3 = arith.constant 0 : index
    %get3A_4 = vector.load %arg3[%get3A_2, %get3A_3] : memref<768x768xf32, #tpu.memory_space<vmem>>, vector<768x768xf32>
    %dot_general3A = arith.constant dense<0.000000e+00> : vector<2048x768xf32>
    %dot_general3A_5 = tpu.matmul %get3A_1, %get3A_4, %dot_general3A {dimension_numbers = #tpu.dot_dimension_numbers<[1], [0], [0], [1], [0, 0, 1, 1], [], []>, transpose_lhs_hint = false} : vector<2048x768xf32>, vector<768x768xf32>, vector<2048x768xf32> -> vector<2048x768xf32>
    %get3A_6 = arith.constant 0 : index
    %get3A_7 = arith.constant 0 : index
    %get3A_8 = vector.load %arg4[%get3A_6, %get3A_7] : memref<1x768xf32, #tpu.memory_space<vmem>>, vector<1x768xf32>
    %add3A = vector.broadcast %get3A_8 : vector<1x768xf32> to vector<2048x768xf32>
    %add3A_9 = arith.addf %dot_general3A_5, %add3A : vector<2048x768xf32>
    %neg3A = arith.constant 0.000000e+00 : f32
    %neg3A_10 = vector.broadcast %neg3A : f32 to vector<2048x768xf32>
    %neg3A_11 = arith.subf %neg3A_10, %add3A_9 : vector<2048x768xf32>
    %exp3A = math.exp %neg3A_11 : vector<2048x768xf32>
    %add3A_12 = arith.constant 1.000000e+00 : f32
    %add3A_13 = vector.broadcast %add3A_12 : f32 to vector<2048x768xf32>
    %add3A_14 = arith.addf %add3A_13, %exp3A : vector<2048x768xf32>
    %div3A = arith.constant 1.000000e+00 : f32
    %div3A_15 = vector.broadcast %div3A : f32 to vector<2048x768xf32>
    %div3A_16 = arith.divf %div3A_15, %add3A_14 : vector<2048x768xf32>
    %mul3A = arith.mulf %add3A_9, %div3A_16 : vector<2048x768xf32>
    %get3A_17 = arith.constant 0 : index
    %get3A_18 = arith.constant 0 : index
    %get3A_19 = vector.load %arg5[%get3A_17, %get3A_18] : memref<768x64xf32, #tpu.memory_space<vmem>>, vector<768x64xf32>
    %dot_general3A_20 = arith.constant dense<0.000000e+00> : vector<2048x64xf32>
    %dot_general3A_21 = tpu.matmul %mul3A, %get3A_19, %dot_general3A_20 {dimension_numbers = #tpu.dot_dimension_numbers<[1], [0], [0], [1], [0, 0, 1, 1], [], []>, transpose_lhs_hint = false} : vector<2048x768xf32>, vector<768x64xf32>, vector<2048x64xf32> -> vector<2048x64xf32>
    %get3A_22 = arith.constant 0 : index
    %get3A_23 = arith.constant 0 : index
    %get3A_24 = vector.load %arg6[%get3A_22, %get3A_23] : memref<1x64xf32, #tpu.memory_space<vmem>>, vector<1x64xf32>
    %add3A_25 = vector.broadcast %get3A_24 : vector<1x64xf32> to vector<2048x64xf32>
    %add3A_26 = arith.addf %dot_general3A_21, %add3A_25 : vector<2048x64xf32>
    %swap3A = arith.constant 0 : index
    %swap3A_27 = arith.constant 0 : index
    %swap3A_28 = vector.load %arg7[%swap3A, %swap3A_27] : memref<2048x64xf32, #tpu.memory_space<vmem>>, vector<2048x64xf32>
    tpu.vector_store %arg7[%swap3A, %swap3A_27], %add3A_26 {strides = array<i32>} : memref<2048x64xf32, #tpu.memory_space<vmem>>, vector<2048x64xf32>,
    %broadcast_in_dim3A = arith.constant 0.000000e+00 : f32
    %broadcast_in_dim3A_29 = vector.broadcast %broadcast_in_dim3A : f32 to vector<2048x64xf32>
    %get3A_30 = arith.constant 0 : index
    %get3A_31 = arith.constant 0 : index
    %get3A_32 = arith.constant 0 : index
    %get3A_33 = vector.load %arg1[%get3A_30, %get3A_31, %get3A_32] : memref<4x768x64xf32, #tpu.memory_space<vmem>>, vector<1x768x64xf32>
    %get3A_34 = vector.shape_cast %get3A_33 : vector<1x768x64xf32> to vector<768x64xf32>
    %dot_general3A_35 = arith.constant dense<0.000000e+00> : vector<2048x64xf32>
    %dot_general3A_36 = tpu.matmul %get3A_1, %get3A_34, %dot_general3A_35 {dimension_numbers = #tpu.dot_dimension_numbers<[1], [0], [0], [1], [0, 0, 1, 1], [], []>, transpose_lhs_hint = false} : vector<2048x768xf32>, vector<768x64xf32>, vector<2048x64xf32> -> vector<2048x64xf32>
    %get3A_37 = arith.constant 0 : index
    %get3A_38 = arith.constant 0 : index
    %get3A_39 = vector.load %arg2[%get3A_37, %get3A_38] : memref<4x64xf32, #tpu.memory_space<vmem>>, vector<1x64xf32>
    %add3A_40 = vector.broadcast %get3A_39 : vector<1x64xf32> to vector<2048x64xf32>
    %add3A_41 = arith.addf %dot_general3A_36, %add3A_40 : vector<2048x64xf32>
    %add3A_42 = arith.addf %broadcast_in_dim3A_29, %add3A_41 : vector<2048x64xf32>
    %get3A_43 = arith.constant 1 : index
    %get3A_44 = arith.constant 0 : index
    %get3A_45 = arith.constant 0 : index
    %get3A_46 = vector.load %arg1[%get3A_43, %get3A_44, %get3A_45] : memref<4x768x64xf32, #tpu.memory_space<vmem>>, vector<1x768x64xf32>
    %get3A_47 = vector.shape_cast %get3A_46 : vector<1x768x64xf32> to vector<768x64xf32>
    %dot_general3A_48 = arith.constant dense<0.000000e+00> : vector<2048x64xf32>
    %dot_general3A_49 = tpu.matmul %get3A_1, %get3A_47, %dot_general3A_48 {dimension_numbers = #tpu.dot_dimension_numbers<[1], [0], [0], [1], [0, 0, 1, 1], [], []>, transpose_lhs_hint = false} : vector<2048x768xf32>, vector<768x64xf32>, vector<2048x64xf32> -> vector<2048x64xf32>
    %get3A_50 = arith.constant 1 : index
    %get3A_51 = arith.constant 0 : index
    %get3A_52 = vector.load %arg2[%get3A_50, %get3A_51] : memref<4x64xf32, #tpu.memory_space<vmem>>, vector<1x64xf32>
    %add3A_53 = vector.broadcast %get3A_52 : vector<1x64xf32> to vector<2048x64xf32>
    %add3A_54 = arith.addf %dot_general3A_49, %add3A_53 : vector<2048x64xf32>
    %add3A_55 = arith.addf %add3A_42, %add3A_54 : vector<2048x64xf32>
    %get3A_56 = arith.constant 2 : index
    %get3A_57 = arith.constant 0 : index
    %get3A_58 = arith.constant 0 : index
    %get3A_59 = vector.load %arg1[%get3A_56, %get3A_57, %get3A_58] : memref<4x768x64xf32, #tpu.memory_space<vmem>>, vector<1x768x64xf32>
    %get3A_60 = vector.shape_cast %get3A_59 : vector<1x768x64xf32> to vector<768x64xf32>
    %dot_general3A_61 = arith.constant dense<0.000000e+00> : vector<2048x64xf32>
    %dot_general3A_62 = tpu.matmul %get3A_1, %get3A_60, %dot_general3A_61 {dimension_numbers = #tpu.dot_dimension_numbers<[1], [0], [0], [1], [0, 0, 1, 1], [], []>, transpose_lhs_hint = false} : vector<2048x768xf32>, vector<768x64xf32>, vector<2048x64xf32> -> vector<2048x64xf32>
    %get3A_63 = arith.constant 2 : index
    %get3A_64 = arith.constant 0 : index
    %get3A_65 = vector.load %arg2[%get3A_63, %get3A_64] : memref<4x64xf32, #tpu.memory_space<vmem>>, vector<1x64xf32>
    %add3A_66 = vector.broadcast %get3A_65 : vector<1x64xf32> to vector<2048x64xf32>
    %add3A_67 = arith.addf %dot_general3A_62, %add3A_66 : vector<2048x64xf32>
    %add3A_68 = arith.addf %add3A_55, %add3A_67 : vector<2048x64xf32>
    %get3A_69 = arith.constant 3 : index
    %get3A_70 = arith.constant 0 : index
    %get3A_71 = arith.constant 0 : index
    %get3A_72 = vector.load %arg1[%get3A_69, %get3A_70, %get3A_71] : memref<4x768x64xf32, #tpu.memory_space<vmem>>, vector<1x768x64xf32>
    %get3A_73 = vector.shape_cast %get3A_72 : vector<1x768x64xf32> to vector<768x64xf32>
    %dot_general3A_74 = arith.constant dense<0.000000e+00> : vector<2048x64xf32>
    %dot_general3A_75 = tpu.matmul %get3A_1, %get3A_73, %dot_general3A_74 {dimension_numbers = #tpu.dot_dimension_numbers<[1], [0], [0], [1], [0, 0, 1, 1], [], []>, transpose_lhs_hint = false} : vector<2048x768xf32>, vector<768x64xf32>, vector<2048x64xf32> -> vector<2048x64xf32>
    %get3A_76 = arith.constant 3 : index
    %get3A_77 = arith.constant 0 : index
    %get3A_78 = vector.load %arg2[%get3A_76, %get3A_77] : memref<4x64xf32, #tpu.memory_space<vmem>>, vector<1x64xf32>
    %add3A_79 = vector.broadcast %get3A_78 : vector<1x64xf32> to vector<2048x64xf32>
    %add3A_80 = arith.addf %dot_general3A_75, %add3A_79 : vector<2048x64xf32>
    %add3A_81 = arith.addf %add3A_68, %add3A_80 : vector<2048x64xf32>
    %mul3A_82 = arith.constant 2.500000e-01 : f32
    %mul3A_83 = vector.broadcast %mul3A_82 : f32 to vector<2048x64xf32>
    %mul3A_84 = arith.mulf %add3A_81, %mul3A_83 : vector<2048x64xf32>
    %reduce_max3A = arith.constant dense<0xFF800000> : vector<2048xf32>
    %reduce_max3A_85 = vector.multi_reduction <maximumf>, %mul3A_84, %reduce_max3A [1] : vector<2048x64xf32> to vector<2048xf32>
    %broadcast_in_dim3A_86 = vector.shape_cast %reduce_max3A_85 : vector<2048xf32> to vector<2048x1xf32>
    %sub3A = vector.broadcast %broadcast_in_dim3A_86 : vector<2048x1xf32> to vector<2048x64xf32>
    %sub3A_87 = arith.subf %mul3A_84, %sub3A : vector<2048x64xf32>
    %exp3A_88 = math.exp %sub3A_87 : vector<2048x64xf32>
    %reduce_sum3A = arith.constant dense<0.000000e+00> : vector<2048xf32>
    %reduce_sum3A_89 = vector.multi_reduction <add>, %exp3A_88, %reduce_sum3A [1] : vector<2048x64xf32> to vector<2048xf32>
    %broadcast_in_dim3A_90 = vector.shape_cast %reduce_sum3A_89 : vector<2048xf32> to vector<2048x1xf32>
    %div3A_91 = vector.broadcast %broadcast_in_dim3A_90 : vector<2048x1xf32> to vector<2048x64xf32>
    %div3A_92 = arith.divf %exp3A_88, %div3A_91 : vector<2048x64xf32>
    %iota3A = tpu.iota {dimensions = array<i32: 0>} : vector<2048x64xi32>
    %iota3A_93 = tpu.iota {dimensions = array<i32: 0>} : vector<32x64xi32>
    %broadcast_in_dim3A_94 = arith.constant 0.000000e+00 : f32
    %broadcast_in_dim3A_95 = vector.broadcast %broadcast_in_dim3A_94 : f32 to vector<32x64xf32>
    %broadcast_in_dim3A_96 = arith.constant 0 : i32
    %broadcast_in_dim3A_97 = vector.broadcast %broadcast_in_dim3A_96 : i32 to vector<32x64xi32>
    %reduce_max3A_98 = arith.constant dense<0xFF800000> : vector<64xf32>
    %reduce_max3A_99 = vector.multi_reduction <maximumf>, %div3A_92, %reduce_max3A_98 [0] : vector<2048x64xf32> to vector<64xf32>
    %broadcast_in_dim3A_100 = vector.shape_cast %reduce_max3A_99 : vector<64xf32> to vector<1x64xf32>
    %eq3A = vector.broadcast %broadcast_in_dim3A_100 : vector<1x64xf32> to vector<2048x64xf32>
    %eq3A_101 = arith.cmpf oeq, %div3A_92, %eq3A : vector<2048x64xf32>
    %jit3A = arith.constant 2048 : i32
    %broadcast_in_dim3A_102 = vector.broadcast %jit3A : i32 to vector<2048x64xi32>
    %select_n3A = arith.select %eq3A_101, %iota3A, %broadcast_in_dim3A_102 : vector<2048x64xi1>, vector<2048x64xi32>
    %reduce_min3A = arith.constant dense<2147483647> : vector<64xi32>
    %reduce_min3A_103 = vector.multi_reduction <minsi>, %select_n3A, %reduce_min3A [0] : vector<2048x64xi32> to vector<64xi32>
    %broadcast_in_dim3A_104 = vector.shape_cast %reduce_min3A_103 : vector<64xi32> to vector<1x64xi32>
    %eq3A_105 = vector.broadcast %broadcast_in_dim3A_104 : vector<1x64xi32> to vector<2048x64xi32>
    %eq3A_106 = arith.cmpi eq, %iota3A, %eq3A_105 : vector<2048x64xi32>
    %jit3A_107 = arith.constant -1.000000e+00 : f32
    %broadcast_in_dim3A_108 = vector.broadcast %jit3A_107 : f32 to vector<2048x64xf32>
    %select_n3A_109 = arith.select %eq3A_106, %broadcast_in_dim3A_108, %div3A_92 : vector<2048x64xi1>, vector<2048x64xf32>
    %eq3A_110 = arith.constant 0 : i32
    %eq3A_111 = vector.broadcast %eq3A_110 : i32 to vector<32x64xi32>
    %eq3A_112 = arith.cmpi eq, %iota3A_93, %eq3A_111 : vector<32x64xi32>
    %broadcast_in_dim3A_113 = vector.shape_cast %broadcast_in_dim3A_100 : vector<1x64xf32> to vector<1x64xf32>
    %broadcast_in_dim3A_114 = vector.broadcast %broadcast_in_dim3A_113 : vector<1x64xf32> to vector<32x64xf32>
    %select_n3A_115 = arith.select %eq3A_112, %broadcast_in_dim3A_114, %broadcast_in_dim3A_95 : vector<32x64xi1>, vector<32x64xf32>
    %eq3A_116 = arith.constant 0 : i32
    %eq3A_117 = vector.broadcast %eq3A_116 : i32 to vector<32x64xi32>
    %eq3A_118 = arith.cmpi eq, %iota3A_93, %eq3A_117 : vector<32x64xi32>
    %broadcast_in_dim3A_119 = vector.shape_cast %broadcast_in_dim3A_104 : vector<1x64xi32> to vector<1x64xi32>
    %broadcast_in_dim3A_120 = vector.broadcast %broadcast_in_dim3A_119 : vector<1x64xi32> to vector<32x64xi32>
    %select_n3A_121 = arith.select %eq3A_118, %broadcast_in_dim3A_120, %broadcast_in_dim3A_97 : vector<32x64xi1>, vector<32x64xi32>
    %reduce_max3A_122 = arith.constant dense<0xFF800000> : vector<64xf32>
    %reduce_max3A_123 = vector.multi_reduction <maximumf>, %select_n3A_109, %reduce_max3A_122 [0] : vector<2048x64xf32> to vector<64xf32>
    %broadcast_in_dim3A_124 = vector.shape_cast %reduce_max3A_123 : vector<64xf32> to vector<1x64xf32>
    %eq3A_125 = vector.broadcast %broadcast_in_dim3A_124 : vector<1x64xf32> to vector<2048x64xf32>
    %eq3A_126 = arith.cmpf oeq, %select_n3A_109, %eq3A_125 : vector<2048x64xf32>
    %jit3A_127 = arith.constant 2048 : i32
    %broadcast_in_dim3A_128 = vector.broadcast %jit3A_127 : i32 to vector<2048x64xi32>
    %select_n3A_129 = arith.select %eq3A_126, %iota3A, %broadcast_in_dim3A_128 : vector<2048x64xi1>, vector<2048x64xi32>
    %reduce_min3A_130 = arith.constant dense<2147483647> : vector<64xi32>
    %reduce_min3A_131 = vector.multi_reduction <minsi>, %select_n3A_129, %reduce_min3A_130 [0] : vector<2048x64xi32> to vector<64xi32>
    %broadcast_in_dim3A_132 = vector.shape_cast %reduce_min3A_131 : vector<64xi32> to vector<1x64xi32>
    %eq3A_133 = vector.broadcast %broadcast_in_dim3A_132 : vector<1x64xi32> to vector<2048x64xi32>
    %eq3A_134 = arith.cmpi eq, %iota3A, %eq3A_133 : vector<2048x64xi32>
    %jit3A_135 = arith.constant -1.000000e+00 : f32
    %broadcast_in_dim3A_136 = vector.broadcast %jit3A_135 : f32 to vector<2048x64xf32>
    %select_n3A_137 = arith.select %eq3A_134, %broadcast_in_dim3A_136, %select_n3A_109 : vector<2048x64xi1>, vector<2048x64xf32>
    %eq3A_138 = arith.constant 1 : i32
    %eq3A_139 = vector.broadcast %eq3A_138 : i32 to vector<32x64xi32>
    %eq3A_140 = arith.cmpi eq, %iota3A_93, %eq3A_139 : vector<32x64xi32>
    %broadcast_in_dim3A_141 = vector.shape_cast %broadcast_in_dim3A_124 : vector<1x64xf32> to vector<1x64xf32>
    %broadcast_in_dim3A_142 = vector.broadcast %broadcast_in_dim3A_141 : vector<1x64xf32> to vector<32x64xf32>
    %select_n3A_143 = arith.select %eq3A_140, %broadcast_in_dim3A_142, %select_n3A_115 : vector<32x64xi1>, vector<32x64xf32>
    %eq3A_144 = arith.constant 1 : i32
    %eq3A_145 = vector.broadcast %eq3A_144 : i32 to vector<32x64xi32>
    %eq3A_146 = arith.cmpi eq, %iota3A_93, %eq3A_145 : vector<32x64xi32>
    %broadcast_in_dim3A_147 = vector.shape_cast %broadcast_in_dim3A_132 : vector<1x64xi32> to vector<1x64xi32>
    %broadcast_in_dim3A_148 = vector.broadcast %broadcast_in_dim3A_147 : vector<1x64xi32> to vector<32x64xi32>
    %select_n3A_149 = arith.select %eq3A_146, %broadcast_in_dim3A_148, %select_n3A_121 : vector<32x64xi1>, vector<32x64xi32>
    %reduce_max3A_150 = arith.constant dense<0xFF800000> : vector<64xf32>
    %reduce_max3A_151 = vector.multi_reduction <maximumf>, %select_n3A_137, %reduce_max3A_150 [0] : vector<2048x64xf32> to vector<64xf32>
    %broadcast_in_dim3A_152 = vector.shape_cast %reduce_max3A_151 : vector<64xf32> to vector<1x64xf32>
    %eq3A_153 = vector.broadcast %broadcast_in_dim3A_152 : vector<1x64xf32> to vector<2048x64xf32>
    %eq3A_154 = arith.cmpf oeq, %select_n3A_137, %eq3A_153 : vector<2048x64xf32>
    %jit3A_155 = arith.constant 2048 : i32
    %broadcast_in_dim3A_156 = vector.broadcast %jit3A_155 : i32 to vector<2048x64xi32>
    %select_n3A_157 = arith.select %eq3A_154, %iota3A, %broadcast_in_dim3A_156 : vector<2048x64xi1>, vector<2048x64xi32>
    %reduce_min3A_158 = arith.constant dense<2147483647> : vector<64xi32>
    %reduce_min3A_159 = vector.multi_reduction <minsi>, %select_n3A_157, %reduce_min3A_158 [0] : vector<2048x64xi32> to vector<64xi32>
    %broadcast_in_dim3A_160 = vector.shape_cast %reduce_min3A_159 : vector<64xi32> to vector<1x64xi32>
    %eq3A_161 = vector.broadcast %broadcast_in_dim3A_160 : vector<1x64xi32> to vector<2048x64xi32>
    %eq3A_162 = arith.cmpi eq, %iota3A, %eq3A_161 : vector<2048x64xi32>
    %jit3A_163 = arith.constant -1.000000e+00 : f32
    %broadcast_in_dim3A_164 = vector.broadcast %jit3A_163 : f32 to vector<2048x64xf32>
    %select_n3A_165 = arith.select %eq3A_162, %broadcast_in_dim3A_164, %select_n3A_137 : vector<2048x64xi1>, vector<2048x64xf32>
    %eq3A_166 = arith.constant 2 : i32
    %eq3A_167 = vector.broadcast %eq3A_166 : i32 to vector<32x64xi32>
    %eq3A_168 = arith.cmpi eq, %iota3A_93, %eq3A_167 : vector<32x64xi32>
    %broadcast_in_dim3A_169 = vector.shape_cast %broadcast_in_dim3A_152 : vector<1x64xf32> to vector<1x64xf32>
    %broadcast_in_dim3A_170 = vector.broadcast %broadcast_in_dim3A_169 : vector<1x64xf32> to vector<32x64xf32>
    %select_n3A_171 = arith.select %eq3A_168, %broadcast_in_dim3A_170, %select_n3A_143 : vector<32x64xi1>, vector<32x64xf32>
    %eq3A_172 = arith.constant 2 : i32
    %eq3A_173 = vector.broadcast %eq3A_172 : i32 to vector<32x64xi32>
    %eq3A_174 = arith.cmpi eq, %iota3A_93, %eq3A_173 : vector<32x64xi32>
    %broadcast_in_dim3A_175 = vector.shape_cast %broadcast_in_dim3A_160 : vector<1x64xi32> to vector<1x64xi32>
    %broadcast_in_dim3A_176 = vector.broadcast %broadcast_in_dim3A_175 : vector<1x64xi32> to vector<32x64xi32>
    %select_n3A_177 = arith.select %eq3A_174, %broadcast_in_dim3A_176, %select_n3A_149 : vector<32x64xi1>, vector<32x64xi32>
    %reduce_max3A_178 = arith.constant dense<0xFF800000> : vector<64xf32>
    %reduce_max3A_179 = vector.multi_reduction <maximumf>, %select_n3A_165, %reduce_max3A_178 [0] : vector<2048x64xf32> to vector<64xf32>
    %broadcast_in_dim3A_180 = vector.shape_cast %reduce_max3A_179 : vector<64xf32> to vector<1x64xf32>
    %eq3A_181 = vector.broadcast %broadcast_in_dim3A_180 : vector<1x64xf32> to vector<2048x64xf32>
    %eq3A_182 = arith.cmpf oeq, %select_n3A_165, %eq3A_181 : vector<2048x64xf32>
    %jit3A_183 = arith.constant 2048 : i32
    %broadcast_in_dim3A_184 = vector.broadcast %jit3A_183 : i32 to vector<2048x64xi32>
    %select_n3A_185 = arith.select %eq3A_182, %iota3A, %broadcast_in_dim3A_184 : vector<2048x64xi1>, vector<2048x64xi32>
    %reduce_min3A_186 = arith.constant dense<2147483647> : vector<64xi32>
    %reduce_min3A_187 = vector.multi_reduction <minsi>, %select_n3A_185, %reduce_min3A_186 [0] : vector<2048x64xi32> to vector<64xi32>
    %broadcast_in_dim3A_188 = vector.shape_cast %reduce_min3A_187 : vector<64xi32> to vector<1x64xi32>
    %eq3A_189 = vector.broadcast %broadcast_in_dim3A_188 : vector<1x64xi32> to vector<2048x64xi32>
    %eq3A_190 = arith.cmpi eq, %iota3A, %eq3A_189 : vector<2048x64xi32>
    %jit3A_191 = arith.constant -1.000000e+00 : f32
    %broadcast_in_dim3A_192 = vector.broadcast %jit3A_191 : f32 to vector<2048x64xf32>
    %select_n3A_193 = arith.select %eq3A_190, %broadcast_in_dim3A_192, %select_n3A_165 : vector<2048x64xi1>, vector<2048x64xf32>
    %eq3A_194 = arith.constant 3 : i32
    %eq3A_195 = vector.broadcast %eq3A_194 : i32 to vector<32x64xi32>
    %eq3A_196 = arith.cmpi eq, %iota3A_93, %eq3A_195 : vector<32x64xi32>
    %broadcast_in_dim3A_197 = vector.shape_cast %broadcast_in_dim3A_180 : vector<1x64xf32> to vector<1x64xf32>
    %broadcast_in_dim3A_198 = vector.broadcast %broadcast_in_dim3A_197 : vector<1x64xf32> to vector<32x64xf32>
    %select_n3A_199 = arith.select %eq3A_196, %broadcast_in_dim3A_198, %select_n3A_171 : vector<32x64xi1>, vector<32x64xf32>
    %eq3A_200 = arith.constant 3 : i32
    %eq3A_201 = vector.broadcast %eq3A_200 : i32 to vector<32x64xi32>
    %eq3A_202 = arith.cmpi eq, %iota3A_93, %eq3A_201 : vector<32x64xi32>
    %broadcast_in_dim3A_203 = vector.shape_cast %broadcast_in_dim3A_188 : vector<1x64xi32> to vector<1x64xi32>
    %broadcast_in_dim3A_204 = vector.broadcast %broadcast_in_dim3A_203 : vector<1x64xi32> to vector<32x64xi32>
    %select_n3A_205 = arith.select %eq3A_202, %broadcast_in_dim3A_204, %select_n3A_177 : vector<32x64xi1>, vector<32x64xi32>
    %reduce_max3A_206 = arith.constant dense<0xFF800000> : vector<64xf32>
    %reduce_max3A_207 = vector.multi_reduction <maximumf>, %select_n3A_193, %reduce_max3A_206 [0] : vector<2048x64xf32> to vector<64xf32>
    %broadcast_in_dim3A_208 = vector.shape_cast %reduce_max3A_207 : vector<64xf32> to vector<1x64xf32>
    %eq3A_209 = vector.broadcast %broadcast_in_dim3A_208 : vector<1x64xf32> to vector<2048x64xf32>
    %eq3A_210 = arith.cmpf oeq, %select_n3A_193, %eq3A_209 : vector<2048x64xf32>
    %jit3A_211 = arith.constant 2048 : i32
    %broadcast_in_dim3A_212 = vector.broadcast %jit3A_211 : i32 to vector<2048x64xi32>
    %select_n3A_213 = arith.select %eq3A_210, %iota3A, %broadcast_in_dim3A_212 : vector<2048x64xi1>, vector<2048x64xi32>
    %reduce_min3A_214 = arith.constant dense<2147483647> : vector<64xi32>
    %reduce_min3A_215 = vector.multi_reduction <minsi>, %select_n3A_213, %reduce_min3A_214 [0] : vector<2048x64xi32> to vector<64xi32>
    %broadcast_in_dim3A_216 = vector.shape_cast %reduce_min3A_215 : vector<64xi32> to vector<1x64xi32>
    %eq3A_217 = vector.broadcast %broadcast_in_dim3A_216 : vector<1x64xi32> to vector<2048x64xi32>
    %eq3A_218 = arith.cmpi eq, %iota3A, %eq3A_217 : vector<2048x64xi32>
    %jit3A_219 = arith.constant -1.000000e+00 : f32
    %broadcast_in_dim3A_220 = vector.broadcast %jit3A_219 : f32 to vector<2048x64xf32>
    %select_n3A_221 = arith.select %eq3A_218, %broadcast_in_dim3A_220, %select_n3A_193 : vector<2048x64xi1>, vector<2048x64xf32>
    %eq3A_222 = arith.constant 4 : i32
    %eq3A_223 = vector.broadcast %eq3A_222 : i32 to vector<32x64xi32>
    %eq3A_224 = arith.cmpi eq, %iota3A_93, %eq3A_223 : vector<32x64xi32>
    %broadcast_in_dim3A_225 = vector.shape_cast %broadcast_in_dim3A_208 : vector<1x64xf32> to vector<1x64xf32>
    %broadcast_in_dim3A_226 = vector.broadcast %broadcast_in_dim3A_225 : vector<1x64xf32> to vector<32x64xf32>
    %select_n3A_227 = arith.select %eq3A_224, %broadcast_in_dim3A_226, %select_n3A_199 : vector<32x64xi1>, vector<32x64xf32>
    %eq3A_228 = arith.constant 4 : i32
    %eq3A_229 = vector.broadcast %eq3A_228 : i32 to vector<32x64xi32>
    %eq3A_230 = arith.cmpi eq, %iota3A_93, %eq3A_229 : vector<32x64xi32>
    %broadcast_in_dim3A_231 = vector.shape_cast %broadcast_in_dim3A_216 : vector<1x64xi32> to vector<1x64xi32>
    %broadcast_in_dim3A_232 = vector.broadcast %broadcast_in_dim3A_231 : vector<1x64xi32> to vector<32x64xi32>
    %select_n3A_233 = arith.select %eq3A_230, %broadcast_in_dim3A_232, %select_n3A_205 : vector<32x64xi1>, vector<32x64xi32>
    %reduce_max3A_234 = arith.constant dense<0xFF800000> : vector<64xf32>
    %reduce_max3A_235 = vector.multi_reduction <maximumf>, %select_n3A_221, %reduce_max3A_234 [0] : vector<2048x64xf32> to vector<64xf32>
    %broadcast_in_dim3A_236 = vector.shape_cast %reduce_max3A_235 : vector<64xf32> to vector<1x64xf32>
    %eq3A_237 = vector.broadcast %broadcast_in_dim3A_236 : vector<1x64xf32> to vector<2048x64xf32>
    %eq3A_238 = arith.cmpf oeq, %select_n3A_221, %eq3A_237 : vector<2048x64xf32>
    %jit3A_239 = arith.constant 2048 : i32
    %broadcast_in_dim3A_240 = vector.broadcast %jit3A_239 : i32 to vector<2048x64xi32>
    %select_n3A_241 = arith.select %eq3A_238, %iota3A, %broadcast_in_dim3A_240 : vector<2048x64xi1>, vector<2048x64xi32>
    %reduce_min3A_242 = arith.constant dense<2147483647> : vector<64xi32>
    %reduce_min3A_243 = vector.multi_reduction <minsi>, %select_n3A_241, %reduce_min3A_242 [0] : vector<2048x64xi32> to vector<64xi32>
    %broadcast_in_dim3A_244 = vector.shape_cast %reduce_min3A_243 : vector<64xi32> to vector<1x64xi32>
    %eq3A_245 = vector.broadcast %broadcast_in_dim3A_244 : vector<1x64xi32> to vector<2048x64xi32>
    %eq3A_246 = arith.cmpi eq, %iota3A, %eq3A_245 : vector<2048x64xi32>
    %jit3A_247 = arith.constant -1.000000e+00 : f32
    %broadcast_in_dim3A_248 = vector.broadcast %jit3A_247 : f32 to vector<2048x64xf32>
    %select_n3A_249 = arith.select %eq3A_246, %broadcast_in_dim3A_248, %select_n3A_221 : vector<2048x64xi1>, vector<2048x64xf32>
    %eq3A_250 = arith.constant 5 : i32
    %eq3A_251 = vector.broadcast %eq3A_250 : i32 to vector<32x64xi32>
    %eq3A_252 = arith.cmpi eq, %iota3A_93, %eq3A_251 : vector<32x64xi32>
    %broadcast_in_dim3A_253 = vector.shape_cast %broadcast_in_dim3A_236 : vector<1x64xf32> to vector<1x64xf32>
    %broadcast_in_dim3A_254 = vector.broadcast %broadcast_in_dim3A_253 : vector<1x64xf32> to vector<32x64xf32>
    %select_n3A_255 = arith.select %eq3A_252, %broadcast_in_dim3A_254, %select_n3A_227 : vector<32x64xi1>, vector<32x64xf32>
    %eq3A_256 = arith.constant 5 : i32
    %eq3A_257 = vector.broadcast %eq3A_256 : i32 to vector<32x64xi32>
    %eq3A_258 = arith.cmpi eq, %iota3A_93, %eq3A_257 : vector<32x64xi32>
    %broadcast_in_dim3A_259 = vector.shape_cast %broadcast_in_dim3A_244 : vector<1x64xi32> to vector<1x64xi32>
    %broadcast_in_dim3A_260 = vector.broadcast %broadcast_in_dim3A_259 : vector<1x64xi32> to vector<32x64xi32>
    %select_n3A_261 = arith.select %eq3A_258, %broadcast_in_dim3A_260, %select_n3A_233 : vector<32x64xi1>, vector<32x64xi32>
    %reduce_max3A_262 = arith.constant dense<0xFF800000> : vector<64xf32>
    %reduce_max3A_263 = vector.multi_reduction <maximumf>, %select_n3A_249, %reduce_max3A_262 [0] : vector<2048x64xf32> to vector<64xf32>
    %broadcast_in_dim3A_264 = vector.shape_cast %reduce_max3A_263 : vector<64xf32> to vector<1x64xf32>
    %eq3A_265 = vector.broadcast %broadcast_in_dim3A_264 : vector<1x64xf32> to vector<2048x64xf32>
    %eq3A_266 = arith.cmpf oeq, %select_n3A_249, %eq3A_265 : vector<2048x64xf32>
    %jit3A_267 = arith.constant 2048 : i32
    %broadcast_in_dim3A_268 = vector.broadcast %jit3A_267 : i32 to vector<2048x64xi32>
    %select_n3A_269 = arith.select %eq3A_266, %iota3A, %broadcast_in_dim3A_268 : vector<2048x64xi1>, vector<2048x64xi32>
    %reduce_min3A_270 = arith.constant dense<2147483647> : vector<64xi32>
    %reduce_min3A_271 = vector.multi_reduction <minsi>, %select_n3A_269, %reduce_min3A_270 [0] : vector<2048x64xi32> to vector<64xi32>
    %broadcast_in_dim3A_272 = vector.shape_cast %reduce_min3A_271 : vector<64xi32> to vector<1x64xi32>
    %eq3A_273 = vector.broadcast %broadcast_in_dim3A_272 : vector<1x64xi32> to vector<2048x64xi32>
    %eq3A_274 = arith.cmpi eq, %iota3A, %eq3A_273 : vector<2048x64xi32>
    %jit3A_275 = arith.constant -1.000000e+00 : f32
    %broadcast_in_dim3A_276 = vector.broadcast %jit3A_275 : f32 to vector<2048x64xf32>
    %select_n3A_277 = arith.select %eq3A_274, %broadcast_in_dim3A_276, %select_n3A_249 : vector<2048x64xi1>, vector<2048x64xf32>
    %eq3A_278 = arith.constant 6 : i32
    %eq3A_279 = vector.broadcast %eq3A_278 : i32 to vector<32x64xi32>
    %eq3A_280 = arith.cmpi eq, %iota3A_93, %eq3A_279 : vector<32x64xi32>
    %broadcast_in_dim3A_281 = vector.shape_cast %broadcast_in_dim3A_264 : vector<1x64xf32> to vector<1x64xf32>
    %broadcast_in_dim3A_282 = vector.broadcast %broadcast_in_dim3A_281 : vector<1x64xf32> to vector<32x64xf32>
    %select_n3A_283 = arith.select %eq3A_280, %broadcast_in_dim3A_282, %select_n3A_255 : vector<32x64xi1>, vector<32x64xf32>
    %eq3A_284 = arith.constant 6 : i32
    %eq3A_285 = vector.broadcast %eq3A_284 : i32 to vector<32x64xi32>
    %eq3A_286 = arith.cmpi eq, %iota3A_93, %eq3A_285 : vector<32x64xi32>
    %broadcast_in_dim3A_287 = vector.shape_cast %broadcast_in_dim3A_272 : vector<1x64xi32> to vector<1x64xi32>
    %broadcast_in_dim3A_288 = vector.broadcast %broadcast_in_dim3A_287 : vector<1x64xi32> to vector<32x64xi32>
    %select_n3A_289 = arith.select %eq3A_286, %broadcast_in_dim3A_288, %select_n3A_261 : vector<32x64xi1>, vector<32x64xi32>
    %reduce_max3A_290 = arith.constant dense<0xFF800000> : vector<64xf32>
    %reduce_max3A_291 = vector.multi_reduction <maximumf>, %select_n3A_277, %reduce_max3A_290 [0] : vector<2048x64xf32> to vector<64xf32>
    %broadcast_in_dim3A_292 = vector.shape_cast %reduce_max3A_291 : vector<64xf32> to vector<1x64xf32>
    %eq3A_293 = vector.broadcast %broadcast_in_dim3A_292 : vector<1x64xf32> to vector<2048x64xf32>
    %eq3A_294 = arith.cmpf oeq, %select_n3A_277, %eq3A_293 : vector<2048x64xf32>
    %jit3A_295 = arith.constant 2048 : i32
    %broadcast_in_dim3A_296 = vector.broadcast %jit3A_295 : i32 to vector<2048x64xi32>
    %select_n3A_297 = arith.select %eq3A_294, %iota3A, %broadcast_in_dim3A_296 : vector<2048x64xi1>, vector<2048x64xi32>
    %reduce_min3A_298 = arith.constant dense<2147483647> : vector<64xi32>
    %reduce_min3A_299 = vector.multi_reduction <minsi>, %select_n3A_297, %reduce_min3A_298 [0] : vector<2048x64xi32> to vector<64xi32>
    %broadcast_in_dim3A_300 = vector.shape_cast %reduce_min3A_299 : vector<64xi32> to vector<1x64xi32>
    %eq3A_301 = vector.broadcast %broadcast_in_dim3A_300 : vector<1x64xi32> to vector<2048x64xi32>
    %eq3A_302 = arith.cmpi eq, %iota3A, %eq3A_301 : vector<2048x64xi32>
    %jit3A_303 = arith.constant -1.000000e+00 : f32
    %broadcast_in_dim3A_304 = vector.broadcast %jit3A_303 : f32 to vector<2048x64xf32>
    %select_n3A_305 = arith.select %eq3A_302, %broadcast_in_dim3A_304, %select_n3A_277 : vector<2048x64xi1>, vector<2048x64xf32>
    %eq3A_306 = arith.constant 7 : i32
    %eq3A_307 = vector.broadcast %eq3A_306 : i32 to vector<32x64xi32>
    %eq3A_308 = arith.cmpi eq, %iota3A_93, %eq3A_307 : vector<32x64xi32>
    %broadcast_in_dim3A_309 = vector.shape_cast %broadcast_in_dim3A_292 : vector<1x64xf32> to vector<1x64xf32>
    %broadcast_in_dim3A_310 = vector.broadcast %broadcast_in_dim3A_309 : vector<1x64xf32> to vector<32x64xf32>
    %select_n3A_311 = arith.select %eq3A_308, %broadcast_in_dim3A_310, %select_n3A_283 : vector<32x64xi1>, vector<32x64xf32>
    %eq3A_312 = arith.constant 7 : i32
    %eq3A_313 = vector.broadcast %eq3A_312 : i32 to vector<32x64xi32>
    %eq3A_314 = arith.cmpi eq, %iota3A_93, %eq3A_313 : vector<32x64xi32>
    %broadcast_in_dim3A_315 = vector.shape_cast %broadcast_in_dim3A_300 : vector<1x64xi32> to vector<1x64xi32>
    %broadcast_in_dim3A_316 = vector.broadcast %broadcast_in_dim3A_315 : vector<1x64xi32> to vector<32x64xi32>
    %select_n3A_317 = arith.select %eq3A_314, %broadcast_in_dim3A_316, %select_n3A_289 : vector<32x64xi1>, vector<32x64xi32>
    %reduce_max3A_318 = arith.constant dense<0xFF800000> : vector<64xf32>
    %reduce_max3A_319 = vector.multi_reduction <maximumf>, %select_n3A_305, %reduce_max3A_318 [0] : vector<2048x64xf32> to vector<64xf32>
    %broadcast_in_dim3A_320 = vector.shape_cast %reduce_max3A_319 : vector<64xf32> to vector<1x64xf32>
    %eq3A_321 = vector.broadcast %broadcast_in_dim3A_320 : vector<1x64xf32> to vector<2048x64xf32>
    %eq3A_322 = arith.cmpf oeq, %select_n3A_305, %eq3A_321 : vector<2048x64xf32>
    %jit3A_323 = arith.constant 2048 : i32
    %broadcast_in_dim3A_324 = vector.broadcast %jit3A_323 : i32 to vector<2048x64xi32>
    %select_n3A_325 = arith.select %eq3A_322, %iota3A, %broadcast_in_dim3A_324 : vector<2048x64xi1>, vector<2048x64xi32>
    %reduce_min3A_326 = arith.constant dense<2147483647> : vector<64xi32>
    %reduce_min3A_327 = vector.multi_reduction <minsi>, %select_n3A_325, %reduce_min3A_326 [0] : vector<2048x64xi32> to vector<64xi32>
    %broadcast_in_dim3A_328 = vector.shape_cast %reduce_min3A_327 : vector<64xi32> to vector<1x64xi32>
    %eq3A_329 = vector.broadcast %broadcast_in_dim3A_328 : vector<1x64xi32> to vector<2048x64xi32>
    %eq3A_330 = arith.cmpi eq, %iota3A, %eq3A_329 : vector<2048x64xi32>
    %jit3A_331 = arith.constant -1.000000e+00 : f32
    %broadcast_in_dim3A_332 = vector.broadcast %jit3A_331 : f32 to vector<2048x64xf32>
    %select_n3A_333 = arith.select %eq3A_330, %broadcast_in_dim3A_332, %select_n3A_305 : vector<2048x64xi1>, vector<2048x64xf32>
    %eq3A_334 = arith.constant 8 : i32
    %eq3A_335 = vector.broadcast %eq3A_334 : i32 to vector<32x64xi32>
    %eq3A_336 = arith.cmpi eq, %iota3A_93, %eq3A_335 : vector<32x64xi32>
    %broadcast_in_dim3A_337 = vector.shape_cast %broadcast_in_dim3A_320 : vector<1x64xf32> to vector<1x64xf32>
    %broadcast_in_dim3A_338 = vector.broadcast %broadcast_in_dim3A_337 : vector<1x64xf32> to vector<32x64xf32>
    %select_n3A_339 = arith.select %eq3A_336, %broadcast_in_dim3A_338, %select_n3A_311 : vector<32x64xi1>, vector<32x64xf32>
    %eq3A_340 = arith.constant 8 : i32
    %eq3A_341 = vector.broadcast %eq3A_340 : i32 to vector<32x64xi32>
    %eq3A_342 = arith.cmpi eq, %iota3A_93, %eq3A_341 : vector<32x64xi32>
    %broadcast_in_dim3A_343 = vector.shape_cast %broadcast_in_dim3A_328 : vector<1x64xi32> to vector<1x64xi32>
    %broadcast_in_dim3A_344 = vector.broadcast %broadcast_in_dim3A_343 : vector<1x64xi32> to vector<32x64xi32>
    %select_n3A_345 = arith.select %eq3A_342, %broadcast_in_dim3A_344, %select_n3A_317 : vector<32x64xi1>, vector<32x64xi32>
    %reduce_max3A_346 = arith.constant dense<0xFF800000> : vector<64xf32>
    %reduce_max3A_347 = vector.multi_reduction <maximumf>, %select_n3A_333, %reduce_max3A_346 [0] : vector<2048x64xf32> to vector<64xf32>
    %broadcast_in_dim3A_348 = vector.shape_cast %reduce_max3A_347 : vector<64xf32> to vector<1x64xf32>
    %eq3A_349 = vector.broadcast %broadcast_in_dim3A_348 : vector<1x64xf32> to vector<2048x64xf32>
    %eq3A_350 = arith.cmpf oeq, %select_n3A_333, %eq3A_349 : vector<2048x64xf32>
    %jit3A_351 = arith.constant 2048 : i32
    %broadcast_in_dim3A_352 = vector.broadcast %jit3A_351 : i32 to vector<2048x64xi32>
    %select_n3A_353 = arith.select %eq3A_350, %iota3A, %broadcast_in_dim3A_352 : vector<2048x64xi1>, vector<2048x64xi32>
    %reduce_min3A_354 = arith.constant dense<2147483647> : vector<64xi32>
    %reduce_min3A_355 = vector.multi_reduction <minsi>, %select_n3A_353, %reduce_min3A_354 [0] : vector<2048x64xi32> to vector<64xi32>
    %broadcast_in_dim3A_356 = vector.shape_cast %reduce_min3A_355 : vector<64xi32> to vector<1x64xi32>
    %eq3A_357 = vector.broadcast %broadcast_in_dim3A_356 : vector<1x64xi32> to vector<2048x64xi32>
    %eq3A_358 = arith.cmpi eq, %iota3A, %eq3A_357 : vector<2048x64xi32>
    %jit3A_359 = arith.constant -1.000000e+00 : f32
    %broadcast_in_dim3A_360 = vector.broadcast %jit3A_359 : f32 to vector<2048x64xf32>
    %select_n3A_361 = arith.select %eq3A_358, %broadcast_in_dim3A_360, %select_n3A_333 : vector<2048x64xi1>, vector<2048x64xf32>
    %eq3A_362 = arith.constant 9 : i32
    %eq3A_363 = vector.broadcast %eq3A_362 : i32 to vector<32x64xi32>
    %eq3A_364 = arith.cmpi eq, %iota3A_93, %eq3A_363 : vector<32x64xi32>
    %broadcast_in_dim3A_365 = vector.shape_cast %broadcast_in_dim3A_348 : vector<1x64xf32> to vector<1x64xf32>
    %broadcast_in_dim3A_366 = vector.broadcast %broadcast_in_dim3A_365 : vector<1x64xf32> to vector<32x64xf32>
    %select_n3A_367 = arith.select %eq3A_364, %broadcast_in_dim3A_366, %select_n3A_339 : vector<32x64xi1>, vector<32x64xf32>
    %eq3A_368 = arith.constant 9 : i32
    %eq3A_369 = vector.broadcast %eq3A_368 : i32 to vector<32x64xi32>
    %eq3A_370 = arith.cmpi eq, %iota3A_93, %eq3A_369 : vector<32x64xi32>
    %broadcast_in_dim3A_371 = vector.shape_cast %broadcast_in_dim3A_356 : vector<1x64xi32> to vector<1x64xi32>
    %broadcast_in_dim3A_372 = vector.broadcast %broadcast_in_dim3A_371 : vector<1x64xi32> to vector<32x64xi32>
    %select_n3A_373 = arith.select %eq3A_370, %broadcast_in_dim3A_372, %select_n3A_345 : vector<32x64xi1>, vector<32x64xi32>
    %reduce_max3A_374 = arith.constant dense<0xFF800000> : vector<64xf32>
    %reduce_max3A_375 = vector.multi_reduction <maximumf>, %select_n3A_361, %reduce_max3A_374 [0] : vector<2048x64xf32> to vector<64xf32>
    %broadcast_in_dim3A_376 = vector.shape_cast %reduce_max3A_375 : vector<64xf32> to vector<1x64xf32>
    %eq3A_377 = vector.broadcast %broadcast_in_dim3A_376 : vector<1x64xf32> to vector<2048x64xf32>
    %eq3A_378 = arith.cmpf oeq, %select_n3A_361, %eq3A_377 : vector<2048x64xf32>
    %jit3A_379 = arith.constant 2048 : i32
    %broadcast_in_dim3A_380 = vector.broadcast %jit3A_379 : i32 to vector<2048x64xi32>
    %select_n3A_381 = arith.select %eq3A_378, %iota3A, %broadcast_in_dim3A_380 : vector<2048x64xi1>, vector<2048x64xi32>
    %reduce_min3A_382 = arith.constant dense<2147483647> : vector<64xi32>
    %reduce_min3A_383 = vector.multi_reduction <minsi>, %select_n3A_381, %reduce_min3A_382 [0] : vector<2048x64xi32> to vector<64xi32>
    %broadcast_in_dim3A_384 = vector.shape_cast %reduce_min3A_383 : vector<64xi32> to vector<1x64xi32>
    %eq3A_385 = vector.broadcast %broadcast_in_dim3A_384 : vector<1x64xi32> to vector<2048x64xi32>
    %eq3A_386 = arith.cmpi eq, %iota3A, %eq3A_385 : vector<2048x64xi32>
    %jit3A_387 = arith.constant -1.000000e+00 : f32
    %broadcast_in_dim3A_388 = vector.broadcast %jit3A_387 : f32 to vector<2048x64xf32>
    %select_n3A_389 = arith.select %eq3A_386, %broadcast_in_dim3A_388, %select_n3A_361 : vector<2048x64xi1>, vector<2048x64xf32>
    %eq3A_390 = arith.constant 10 : i32
    %eq3A_391 = vector.broadcast %eq3A_390 : i32 to vector<32x64xi32>
    %eq3A_392 = arith.cmpi eq, %iota3A_93, %eq3A_391 : vector<32x64xi32>
    %broadcast_in_dim3A_393 = vector.shape_cast %broadcast_in_dim3A_376 : vector<1x64xf32> to vector<1x64xf32>
    %broadcast_in_dim3A_394 = vector.broadcast %broadcast_in_dim3A_393 : vector<1x64xf32> to vector<32x64xf32>
    %select_n3A_395 = arith.select %eq3A_392, %broadcast_in_dim3A_394, %select_n3A_367 : vector<32x64xi1>, vector<32x64xf32>
    %eq3A_396 = arith.constant 10 : i32
    %eq3A_397 = vector.broadcast %eq3A_396 : i32 to vector<32x64xi32>
    %eq3A_398 = arith.cmpi eq, %iota3A_93, %eq3A_397 : vector<32x64xi32>
    %broadcast_in_dim3A_399 = vector.shape_cast %broadcast_in_dim3A_384 : vector<1x64xi32> to vector<1x64xi32>
    %broadcast_in_dim3A_400 = vector.broadcast %broadcast_in_dim3A_399 : vector<1x64xi32> to vector<32x64xi32>
    %select_n3A_401 = arith.select %eq3A_398, %broadcast_in_dim3A_400, %select_n3A_373 : vector<32x64xi1>, vector<32x64xi32>
    %reduce_max3A_402 = arith.constant dense<0xFF800000> : vector<64xf32>
    %reduce_max3A_403 = vector.multi_reduction <maximumf>, %select_n3A_389, %reduce_max3A_402 [0] : vector<2048x64xf32> to vector<64xf32>
    %broadcast_in_dim3A_404 = vector.shape_cast %reduce_max3A_403 : vector<64xf32> to vector<1x64xf32>
    %eq3A_405 = vector.broadcast %broadcast_in_dim3A_404 : vector<1x64xf32> to vector<2048x64xf32>
    %eq3A_406 = arith.cmpf oeq, %select_n3A_389, %eq3A_405 : vector<2048x64xf32>
    %jit3A_407 = arith.constant 2048 : i32
    %broadcast_in_dim3A_408 = vector.broadcast %jit3A_407 : i32 to vector<2048x64xi32>
    %select_n3A_409 = arith.select %eq3A_406, %iota3A, %broadcast_in_dim3A_408 : vector<2048x64xi1>, vector<2048x64xi32>
    %reduce_min3A_410 = arith.constant dense<2147483647> : vector<64xi32>
    %reduce_min3A_411 = vector.multi_reduction <minsi>, %select_n3A_409, %reduce_min3A_410 [0] : vector<2048x64xi32> to vector<64xi32>
    %broadcast_in_dim3A_412 = vector.shape_cast %reduce_min3A_411 : vector<64xi32> to vector<1x64xi32>
    %eq3A_413 = vector.broadcast %broadcast_in_dim3A_412 : vector<1x64xi32> to vector<2048x64xi32>
    %eq3A_414 = arith.cmpi eq, %iota3A, %eq3A_413 : vector<2048x64xi32>
    %jit3A_415 = arith.constant -1.000000e+00 : f32
    %broadcast_in_dim3A_416 = vector.broadcast %jit3A_415 : f32 to vector<2048x64xf32>
    %select_n3A_417 = arith.select %eq3A_414, %broadcast_in_dim3A_416, %select_n3A_389 : vector<2048x64xi1>, vector<2048x64xf32>
    %eq3A_418 = arith.constant 11 : i32
    %eq3A_419 = vector.broadcast %eq3A_418 : i32 to vector<32x64xi32>
    %eq3A_420 = arith.cmpi eq, %iota3A_93, %eq3A_419 : vector<32x64xi32>
    %broadcast_in_dim3A_421 = vector.shape_cast %broadcast_in_dim3A_404 : vector<1x64xf32> to vector<1x64xf32>
    %broadcast_in_dim3A_422 = vector.broadcast %broadcast_in_dim3A_421 : vector<1x64xf32> to vector<32x64xf32>
    %select_n3A_423 = arith.select %eq3A_420, %broadcast_in_dim3A_422, %select_n3A_395 : vector<32x64xi1>, vector<32x64xf32>
    %eq3A_424 = arith.constant 11 : i32
    %eq3A_425 = vector.broadcast %eq3A_424 : i32 to vector<32x64xi32>
    %eq3A_426 = arith.cmpi eq, %iota3A_93, %eq3A_425 : vector<32x64xi32>
    %broadcast_in_dim3A_427 = vector.shape_cast %broadcast_in_dim3A_412 : vector<1x64xi32> to vector<1x64xi32>
    %broadcast_in_dim3A_428 = vector.broadcast %broadcast_in_dim3A_427 : vector<1x64xi32> to vector<32x64xi32>
    %select_n3A_429 = arith.select %eq3A_426, %broadcast_in_dim3A_428, %select_n3A_401 : vector<32x64xi1>, vector<32x64xi32>
    %reduce_max3A_430 = arith.constant dense<0xFF800000> : vector<64xf32>
    %reduce_max3A_431 = vector.multi_reduction <maximumf>, %select_n3A_417, %reduce_max3A_430 [0] : vector<2048x64xf32> to vector<64xf32>
    %broadcast_in_dim3A_432 = vector.shape_cast %reduce_max3A_431 : vector<64xf32> to vector<1x64xf32>
    %eq3A_433 = vector.broadcast %broadcast_in_dim3A_432 : vector<1x64xf32> to vector<2048x64xf32>
    %eq3A_434 = arith.cmpf oeq, %select_n3A_417, %eq3A_433 : vector<2048x64xf32>
    %jit3A_435 = arith.constant 2048 : i32
    %broadcast_in_dim3A_436 = vector.broadcast %jit3A_435 : i32 to vector<2048x64xi32>
    %select_n3A_437 = arith.select %eq3A_434, %iota3A, %broadcast_in_dim3A_436 : vector<2048x64xi1>, vector<2048x64xi32>
    %reduce_min3A_438 = arith.constant dense<2147483647> : vector<64xi32>
    %reduce_min3A_439 = vector.multi_reduction <minsi>, %select_n3A_437, %reduce_min3A_438 [0] : vector<2048x64xi32> to vector<64xi32>
    %broadcast_in_dim3A_440 = vector.shape_cast %reduce_min3A_439 : vector<64xi32> to vector<1x64xi32>
    %eq3A_441 = vector.broadcast %broadcast_in_dim3A_440 : vector<1x64xi32> to vector<2048x64xi32>
    %eq3A_442 = arith.cmpi eq, %iota3A, %eq3A_441 : vector<2048x64xi32>
    %jit3A_443 = arith.constant -1.000000e+00 : f32
    %broadcast_in_dim3A_444 = vector.broadcast %jit3A_443 : f32 to vector<2048x64xf32>
    %select_n3A_445 = arith.select %eq3A_442, %broadcast_in_dim3A_444, %select_n3A_417 : vector<2048x64xi1>, vector<2048x64xf32>
    %eq3A_446 = arith.constant 12 : i32
    %eq3A_447 = vector.broadcast %eq3A_446 : i32 to vector<32x64xi32>
    %eq3A_448 = arith.cmpi eq, %iota3A_93, %eq3A_447 : vector<32x64xi32>
    %broadcast_in_dim3A_449 = vector.shape_cast %broadcast_in_dim3A_432 : vector<1x64xf32> to vector<1x64xf32>
    %broadcast_in_dim3A_450 = vector.broadcast %broadcast_in_dim3A_449 : vector<1x64xf32> to vector<32x64xf32>
    %select_n3A_451 = arith.select %eq3A_448, %broadcast_in_dim3A_450, %select_n3A_423 : vector<32x64xi1>, vector<32x64xf32>
    %eq3A_452 = arith.constant 12 : i32
    %eq3A_453 = vector.broadcast %eq3A_452 : i32 to vector<32x64xi32>
    %eq3A_454 = arith.cmpi eq, %iota3A_93, %eq3A_453 : vector<32x64xi32>
    %broadcast_in_dim3A_455 = vector.shape_cast %broadcast_in_dim3A_440 : vector<1x64xi32> to vector<1x64xi32>
    %broadcast_in_dim3A_456 = vector.broadcast %broadcast_in_dim3A_455 : vector<1x64xi32> to vector<32x64xi32>
    %select_n3A_457 = arith.select %eq3A_454, %broadcast_in_dim3A_456, %select_n3A_429 : vector<32x64xi1>, vector<32x64xi32>
    %reduce_max3A_458 = arith.constant dense<0xFF800000> : vector<64xf32>
    %reduce_max3A_459 = vector.multi_reduction <maximumf>, %select_n3A_445, %reduce_max3A_458 [0] : vector<2048x64xf32> to vector<64xf32>
    %broadcast_in_dim3A_460 = vector.shape_cast %reduce_max3A_459 : vector<64xf32> to vector<1x64xf32>
    %eq3A_461 = vector.broadcast %broadcast_in_dim3A_460 : vector<1x64xf32> to vector<2048x64xf32>
    %eq3A_462 = arith.cmpf oeq, %select_n3A_445, %eq3A_461 : vector<2048x64xf32>
    %jit3A_463 = arith.constant 2048 : i32
    %broadcast_in_dim3A_464 = vector.broadcast %jit3A_463 : i32 to vector<2048x64xi32>
    %select_n3A_465 = arith.select %eq3A_462, %iota3A, %broadcast_in_dim3A_464 : vector<2048x64xi1>, vector<2048x64xi32>
    %reduce_min3A_466 = arith.constant dense<2147483647> : vector<64xi32>
    %reduce_min3A_467 = vector.multi_reduction <minsi>, %select_n3A_465, %reduce_min3A_466 [0] : vector<2048x64xi32> to vector<64xi32>
    %broadcast_in_dim3A_468 = vector.shape_cast %reduce_min3A_467 : vector<64xi32> to vector<1x64xi32>
    %eq3A_469 = vector.broadcast %broadcast_in_dim3A_468 : vector<1x64xi32> to vector<2048x64xi32>
    %eq3A_470 = arith.cmpi eq, %iota3A, %eq3A_469 : vector<2048x64xi32>
    %jit3A_471 = arith.constant -1.000000e+00 : f32
    %broadcast_in_dim3A_472 = vector.broadcast %jit3A_471 : f32 to vector<2048x64xf32>
    %select_n3A_473 = arith.select %eq3A_470, %broadcast_in_dim3A_472, %select_n3A_445 : vector<2048x64xi1>, vector<2048x64xf32>
    %eq3A_474 = arith.constant 13 : i32
    %eq3A_475 = vector.broadcast %eq3A_474 : i32 to vector<32x64xi32>
    %eq3A_476 = arith.cmpi eq, %iota3A_93, %eq3A_475 : vector<32x64xi32>
    %broadcast_in_dim3A_477 = vector.shape_cast %broadcast_in_dim3A_460 : vector<1x64xf32> to vector<1x64xf32>
    %broadcast_in_dim3A_478 = vector.broadcast %broadcast_in_dim3A_477 : vector<1x64xf32> to vector<32x64xf32>
    %select_n3A_479 = arith.select %eq3A_476, %broadcast_in_dim3A_478, %select_n3A_451 : vector<32x64xi1>, vector<32x64xf32>
    %eq3A_480 = arith.constant 13 : i32
    %eq3A_481 = vector.broadcast %eq3A_480 : i32 to vector<32x64xi32>
    %eq3A_482 = arith.cmpi eq, %iota3A_93, %eq3A_481 : vector<32x64xi32>
    %broadcast_in_dim3A_483 = vector.shape_cast %broadcast_in_dim3A_468 : vector<1x64xi32> to vector<1x64xi32>
    %broadcast_in_dim3A_484 = vector.broadcast %broadcast_in_dim3A_483 : vector<1x64xi32> to vector<32x64xi32>
    %select_n3A_485 = arith.select %eq3A_482, %broadcast_in_dim3A_484, %select_n3A_457 : vector<32x64xi1>, vector<32x64xi32>
    %reduce_max3A_486 = arith.constant dense<0xFF800000> : vector<64xf32>
    %reduce_max3A_487 = vector.multi_reduction <maximumf>, %select_n3A_473, %reduce_max3A_486 [0] : vector<2048x64xf32> to vector<64xf32>
    %broadcast_in_dim3A_488 = vector.shape_cast %reduce_max3A_487 : vector<64xf32> to vector<1x64xf32>
    %eq3A_489 = vector.broadcast %broadcast_in_dim3A_488 : vector<1x64xf32> to vector<2048x64xf32>
    %eq3A_490 = arith.cmpf oeq, %select_n3A_473, %eq3A_489 : vector<2048x64xf32>
    %jit3A_491 = arith.constant 2048 : i32
    %broadcast_in_dim3A_492 = vector.broadcast %jit3A_491 : i32 to vector<2048x64xi32>
    %select_n3A_493 = arith.select %eq3A_490, %iota3A, %broadcast_in_dim3A_492 : vector<2048x64xi1>, vector<2048x64xi32>
    %reduce_min3A_494 = arith.constant dense<2147483647> : vector<64xi32>
    %reduce_min3A_495 = vector.multi_reduction <minsi>, %select_n3A_493, %reduce_min3A_494 [0] : vector<2048x64xi32> to vector<64xi32>
    %broadcast_in_dim3A_496 = vector.shape_cast %reduce_min3A_495 : vector<64xi32> to vector<1x64xi32>
    %eq3A_497 = vector.broadcast %broadcast_in_dim3A_496 : vector<1x64xi32> to vector<2048x64xi32>
    %eq3A_498 = arith.cmpi eq, %iota3A, %eq3A_497 : vector<2048x64xi32>
    %jit3A_499 = arith.constant -1.000000e+00 : f32
    %broadcast_in_dim3A_500 = vector.broadcast %jit3A_499 : f32 to vector<2048x64xf32>
    %select_n3A_501 = arith.select %eq3A_498, %broadcast_in_dim3A_500, %select_n3A_473 : vector<2048x64xi1>, vector<2048x64xf32>
    %eq3A_502 = arith.constant 14 : i32
    %eq3A_503 = vector.broadcast %eq3A_502 : i32 to vector<32x64xi32>
    %eq3A_504 = arith.cmpi eq, %iota3A_93, %eq3A_503 : vector<32x64xi32>
    %broadcast_in_dim3A_505 = vector.shape_cast %broadcast_in_dim3A_488 : vector<1x64xf32> to vector<1x64xf32>
    %broadcast_in_dim3A_506 = vector.broadcast %broadcast_in_dim3A_505 : vector<1x64xf32> to vector<32x64xf32>
    %select_n3A_507 = arith.select %eq3A_504, %broadcast_in_dim3A_506, %select_n3A_479 : vector<32x64xi1>, vector<32x64xf32>
    %eq3A_508 = arith.constant 14 : i32
    %eq3A_509 = vector.broadcast %eq3A_508 : i32 to vector<32x64xi32>
    %eq3A_510 = arith.cmpi eq, %iota3A_93, %eq3A_509 : vector<32x64xi32>
    %broadcast_in_dim3A_511 = vector.shape_cast %broadcast_in_dim3A_496 : vector<1x64xi32> to vector<1x64xi32>
    %broadcast_in_dim3A_512 = vector.broadcast %broadcast_in_dim3A_511 : vector<1x64xi32> to vector<32x64xi32>
    %select_n3A_513 = arith.select %eq3A_510, %broadcast_in_dim3A_512, %select_n3A_485 : vector<32x64xi1>, vector<32x64xi32>
    %reduce_max3A_514 = arith.constant dense<0xFF800000> : vector<64xf32>
    %reduce_max3A_515 = vector.multi_reduction <maximumf>, %select_n3A_501, %reduce_max3A_514 [0] : vector<2048x64xf32> to vector<64xf32>
    %broadcast_in_dim3A_516 = vector.shape_cast %reduce_max3A_515 : vector<64xf32> to vector<1x64xf32>
    %eq3A_517 = vector.broadcast %broadcast_in_dim3A_516 : vector<1x64xf32> to vector<2048x64xf32>
    %eq3A_518 = arith.cmpf oeq, %select_n3A_501, %eq3A_517 : vector<2048x64xf32>
    %jit3A_519 = arith.constant 2048 : i32
    %broadcast_in_dim3A_520 = vector.broadcast %jit3A_519 : i32 to vector<2048x64xi32>
    %select_n3A_521 = arith.select %eq3A_518, %iota3A, %broadcast_in_dim3A_520 : vector<2048x64xi1>, vector<2048x64xi32>
    %reduce_min3A_522 = arith.constant dense<2147483647> : vector<64xi32>
    %reduce_min3A_523 = vector.multi_reduction <minsi>, %select_n3A_521, %reduce_min3A_522 [0] : vector<2048x64xi32> to vector<64xi32>
    %broadcast_in_dim3A_524 = vector.shape_cast %reduce_min3A_523 : vector<64xi32> to vector<1x64xi32>
    %eq3A_525 = vector.broadcast %broadcast_in_dim3A_524 : vector<1x64xi32> to vector<2048x64xi32>
    %eq3A_526 = arith.cmpi eq, %iota3A, %eq3A_525 : vector<2048x64xi32>
    %jit3A_527 = arith.constant -1.000000e+00 : f32
    %broadcast_in_dim3A_528 = vector.broadcast %jit3A_527 : f32 to vector<2048x64xf32>
    %select_n3A_529 = arith.select %eq3A_526, %broadcast_in_dim3A_528, %select_n3A_501 : vector<2048x64xi1>, vector<2048x64xf32>
    %eq3A_530 = arith.constant 15 : i32
    %eq3A_531 = vector.broadcast %eq3A_530 : i32 to vector<32x64xi32>
    %eq3A_532 = arith.cmpi eq, %iota3A_93, %eq3A_531 : vector<32x64xi32>
    %broadcast_in_dim3A_533 = vector.shape_cast %broadcast_in_dim3A_516 : vector<1x64xf32> to vector<1x64xf32>
    %broadcast_in_dim3A_534 = vector.broadcast %broadcast_in_dim3A_533 : vector<1x64xf32> to vector<32x64xf32>
    %select_n3A_535 = arith.select %eq3A_532, %broadcast_in_dim3A_534, %select_n3A_507 : vector<32x64xi1>, vector<32x64xf32>
    %eq3A_536 = arith.constant 15 : i32
    %eq3A_537 = vector.broadcast %eq3A_536 : i32 to vector<32x64xi32>
    %eq3A_538 = arith.cmpi eq, %iota3A_93, %eq3A_537 : vector<32x64xi32>
    %broadcast_in_dim3A_539 = vector.shape_cast %broadcast_in_dim3A_524 : vector<1x64xi32> to vector<1x64xi32>
    %broadcast_in_dim3A_540 = vector.broadcast %broadcast_in_dim3A_539 : vector<1x64xi32> to vector<32x64xi32>
    %select_n3A_541 = arith.select %eq3A_538, %broadcast_in_dim3A_540, %select_n3A_513 : vector<32x64xi1>, vector<32x64xi32>
    %reduce_max3A_542 = arith.constant dense<0xFF800000> : vector<64xf32>
    %reduce_max3A_543 = vector.multi_reduction <maximumf>, %select_n3A_529, %reduce_max3A_542 [0] : vector<2048x64xf32> to vector<64xf32>
    %broadcast_in_dim3A_544 = vector.shape_cast %reduce_max3A_543 : vector<64xf32> to vector<1x64xf32>
    %eq3A_545 = vector.broadcast %broadcast_in_dim3A_544 : vector<1x64xf32> to vector<2048x64xf32>
    %eq3A_546 = arith.cmpf oeq, %select_n3A_529, %eq3A_545 : vector<2048x64xf32>
    %jit3A_547 = arith.constant 2048 : i32
    %broadcast_in_dim3A_548 = vector.broadcast %jit3A_547 : i32 to vector<2048x64xi32>
    %select_n3A_549 = arith.select %eq3A_546, %iota3A, %broadcast_in_dim3A_548 : vector<2048x64xi1>, vector<2048x64xi32>
    %reduce_min3A_550 = arith.constant dense<2147483647> : vector<64xi32>
    %reduce_min3A_551 = vector.multi_reduction <minsi>, %select_n3A_549, %reduce_min3A_550 [0] : vector<2048x64xi32> to vector<64xi32>
    %broadcast_in_dim3A_552 = vector.shape_cast %reduce_min3A_551 : vector<64xi32> to vector<1x64xi32>
    %eq3A_553 = vector.broadcast %broadcast_in_dim3A_552 : vector<1x64xi32> to vector<2048x64xi32>
    %eq3A_554 = arith.cmpi eq, %iota3A, %eq3A_553 : vector<2048x64xi32>
    %jit3A_555 = arith.constant -1.000000e+00 : f32
    %broadcast_in_dim3A_556 = vector.broadcast %jit3A_555 : f32 to vector<2048x64xf32>
    %select_n3A_557 = arith.select %eq3A_554, %broadcast_in_dim3A_556, %select_n3A_529 : vector<2048x64xi1>, vector<2048x64xf32>
    %eq3A_558 = arith.constant 16 : i32
    %eq3A_559 = vector.broadcast %eq3A_558 : i32 to vector<32x64xi32>
    %eq3A_560 = arith.cmpi eq, %iota3A_93, %eq3A_559 : vector<32x64xi32>
    %broadcast_in_dim3A_561 = vector.shape_cast %broadcast_in_dim3A_544 : vector<1x64xf32> to vector<1x64xf32>
    %broadcast_in_dim3A_562 = vector.broadcast %broadcast_in_dim3A_561 : vector<1x64xf32> to vector<32x64xf32>
    %select_n3A_563 = arith.select %eq3A_560, %broadcast_in_dim3A_562, %select_n3A_535 : vector<32x64xi1>, vector<32x64xf32>
    %eq3A_564 = arith.constant 16 : i32
    %eq3A_565 = vector.broadcast %eq3A_564 : i32 to vector<32x64xi32>
    %eq3A_566 = arith.cmpi eq, %iota3A_93, %eq3A_565 : vector<32x64xi32>
    %broadcast_in_dim3A_567 = vector.shape_cast %broadcast_in_dim3A_552 : vector<1x64xi32> to vector<1x64xi32>
    %broadcast_in_dim3A_568 = vector.broadcast %broadcast_in_dim3A_567 : vector<1x64xi32> to vector<32x64xi32>
    %select_n3A_569 = arith.select %eq3A_566, %broadcast_in_dim3A_568, %select_n3A_541 : vector<32x64xi1>, vector<32x64xi32>
    %reduce_max3A_570 = arith.constant dense<0xFF800000> : vector<64xf32>
    %reduce_max3A_571 = vector.multi_reduction <maximumf>, %select_n3A_557, %reduce_max3A_570 [0] : vector<2048x64xf32> to vector<64xf32>
    %broadcast_in_dim3A_572 = vector.shape_cast %reduce_max3A_571 : vector<64xf32> to vector<1x64xf32>
    %eq3A_573 = vector.broadcast %broadcast_in_dim3A_572 : vector<1x64xf32> to vector<2048x64xf32>
    %eq3A_574 = arith.cmpf oeq, %select_n3A_557, %eq3A_573 : vector<2048x64xf32>
    %jit3A_575 = arith.constant 2048 : i32
    %broadcast_in_dim3A_576 = vector.broadcast %jit3A_575 : i32 to vector<2048x64xi32>
    %select_n3A_577 = arith.select %eq3A_574, %iota3A, %broadcast_in_dim3A_576 : vector<2048x64xi1>, vector<2048x64xi32>
    %reduce_min3A_578 = arith.constant dense<2147483647> : vector<64xi32>
    %reduce_min3A_579 = vector.multi_reduction <minsi>, %select_n3A_577, %reduce_min3A_578 [0] : vector<2048x64xi32> to vector<64xi32>
    %broadcast_in_dim3A_580 = vector.shape_cast %reduce_min3A_579 : vector<64xi32> to vector<1x64xi32>
    %eq3A_581 = vector.broadcast %broadcast_in_dim3A_580 : vector<1x64xi32> to vector<2048x64xi32>
    %eq3A_582 = arith.cmpi eq, %iota3A, %eq3A_581 : vector<2048x64xi32>
    %jit3A_583 = arith.constant -1.000000e+00 : f32
    %broadcast_in_dim3A_584 = vector.broadcast %jit3A_583 : f32 to vector<2048x64xf32>
    %select_n3A_585 = arith.select %eq3A_582, %broadcast_in_dim3A_584, %select_n3A_557 : vector<2048x64xi1>, vector<2048x64xf32>
    %eq3A_586 = arith.constant 17 : i32
    %eq3A_587 = vector.broadcast %eq3A_586 : i32 to vector<32x64xi32>
    %eq3A_588 = arith.cmpi eq, %iota3A_93, %eq3A_587 : vector<32x64xi32>
    %broadcast_in_dim3A_589 = vector.shape_cast %broadcast_in_dim3A_572 : vector<1x64xf32> to vector<1x64xf32>
    %broadcast_in_dim3A_590 = vector.broadcast %broadcast_in_dim3A_589 : vector<1x64xf32> to vector<32x64xf32>
    %select_n3A_591 = arith.select %eq3A_588, %broadcast_in_dim3A_590, %select_n3A_563 : vector<32x64xi1>, vector<32x64xf32>
    %eq3A_592 = arith.constant 17 : i32
    %eq3A_593 = vector.broadcast %eq3A_592 : i32 to vector<32x64xi32>
    %eq3A_594 = arith.cmpi eq, %iota3A_93, %eq3A_593 : vector<32x64xi32>
    %broadcast_in_dim3A_595 = vector.shape_cast %broadcast_in_dim3A_580 : vector<1x64xi32> to vector<1x64xi32>
    %broadcast_in_dim3A_596 = vector.broadcast %broadcast_in_dim3A_595 : vector<1x64xi32> to vector<32x64xi32>
    %select_n3A_597 = arith.select %eq3A_594, %broadcast_in_dim3A_596, %select_n3A_569 : vector<32x64xi1>, vector<32x64xi32>
    %reduce_max3A_598 = arith.constant dense<0xFF800000> : vector<64xf32>
    %reduce_max3A_599 = vector.multi_reduction <maximumf>, %select_n3A_585, %reduce_max3A_598 [0] : vector<2048x64xf32> to vector<64xf32>
    %broadcast_in_dim3A_600 = vector.shape_cast %reduce_max3A_599 : vector<64xf32> to vector<1x64xf32>
    %eq3A_601 = vector.broadcast %broadcast_in_dim3A_600 : vector<1x64xf32> to vector<2048x64xf32>
    %eq3A_602 = arith.cmpf oeq, %select_n3A_585, %eq3A_601 : vector<2048x64xf32>
    %jit3A_603 = arith.constant 2048 : i32
    %broadcast_in_dim3A_604 = vector.broadcast %jit3A_603 : i32 to vector<2048x64xi32>
    %select_n3A_605 = arith.select %eq3A_602, %iota3A, %broadcast_in_dim3A_604 : vector<2048x64xi1>, vector<2048x64xi32>
    %reduce_min3A_606 = arith.constant dense<2147483647> : vector<64xi32>
    %reduce_min3A_607 = vector.multi_reduction <minsi>, %select_n3A_605, %reduce_min3A_606 [0] : vector<2048x64xi32> to vector<64xi32>
    %broadcast_in_dim3A_608 = vector.shape_cast %reduce_min3A_607 : vector<64xi32> to vector<1x64xi32>
    %eq3A_609 = vector.broadcast %broadcast_in_dim3A_608 : vector<1x64xi32> to vector<2048x64xi32>
    %eq3A_610 = arith.cmpi eq, %iota3A, %eq3A_609 : vector<2048x64xi32>
    %jit3A_611 = arith.constant -1.000000e+00 : f32
    %broadcast_in_dim3A_612 = vector.broadcast %jit3A_611 : f32 to vector<2048x64xf32>
    %select_n3A_613 = arith.select %eq3A_610, %broadcast_in_dim3A_612, %select_n3A_585 : vector<2048x64xi1>, vector<2048x64xf32>
    %eq3A_614 = arith.constant 18 : i32
    %eq3A_615 = vector.broadcast %eq3A_614 : i32 to vector<32x64xi32>
    %eq3A_616 = arith.cmpi eq, %iota3A_93, %eq3A_615 : vector<32x64xi32>
    %broadcast_in_dim3A_617 = vector.shape_cast %broadcast_in_dim3A_600 : vector<1x64xf32> to vector<1x64xf32>
    %broadcast_in_dim3A_618 = vector.broadcast %broadcast_in_dim3A_617 : vector<1x64xf32> to vector<32x64xf32>
    %select_n3A_619 = arith.select %eq3A_616, %broadcast_in_dim3A_618, %select_n3A_591 : vector<32x64xi1>, vector<32x64xf32>
    %eq3A_620 = arith.constant 18 : i32
    %eq3A_621 = vector.broadcast %eq3A_620 : i32 to vector<32x64xi32>
    %eq3A_622 = arith.cmpi eq, %iota3A_93, %eq3A_621 : vector<32x64xi32>
    %broadcast_in_dim3A_623 = vector.shape_cast %broadcast_in_dim3A_608 : vector<1x64xi32> to vector<1x64xi32>
    %broadcast_in_dim3A_624 = vector.broadcast %broadcast_in_dim3A_623 : vector<1x64xi32> to vector<32x64xi32>
    %select_n3A_625 = arith.select %eq3A_622, %broadcast_in_dim3A_624, %select_n3A_597 : vector<32x64xi1>, vector<32x64xi32>
    %reduce_max3A_626 = arith.constant dense<0xFF800000> : vector<64xf32>
    %reduce_max3A_627 = vector.multi_reduction <maximumf>, %select_n3A_613, %reduce_max3A_626 [0] : vector<2048x64xf32> to vector<64xf32>
    %broadcast_in_dim3A_628 = vector.shape_cast %reduce_max3A_627 : vector<64xf32> to vector<1x64xf32>
    %eq3A_629 = vector.broadcast %broadcast_in_dim3A_628 : vector<1x64xf32> to vector<2048x64xf32>
    %eq3A_630 = arith.cmpf oeq, %select_n3A_613, %eq3A_629 : vector<2048x64xf32>
    %jit3A_631 = arith.constant 2048 : i32
    %broadcast_in_dim3A_632 = vector.broadcast %jit3A_631 : i32 to vector<2048x64xi32>
    %select_n3A_633 = arith.select %eq3A_630, %iota3A, %broadcast_in_dim3A_632 : vector<2048x64xi1>, vector<2048x64xi32>
    %reduce_min3A_634 = arith.constant dense<2147483647> : vector<64xi32>
    %reduce_min3A_635 = vector.multi_reduction <minsi>, %select_n3A_633, %reduce_min3A_634 [0] : vector<2048x64xi32> to vector<64xi32>
    %broadcast_in_dim3A_636 = vector.shape_cast %reduce_min3A_635 : vector<64xi32> to vector<1x64xi32>
    %eq3A_637 = vector.broadcast %broadcast_in_dim3A_636 : vector<1x64xi32> to vector<2048x64xi32>
    %eq3A_638 = arith.cmpi eq, %iota3A, %eq3A_637 : vector<2048x64xi32>
    %jit3A_639 = arith.constant -1.000000e+00 : f32
    %broadcast_in_dim3A_640 = vector.broadcast %jit3A_639 : f32 to vector<2048x64xf32>
    %select_n3A_641 = arith.select %eq3A_638, %broadcast_in_dim3A_640, %select_n3A_613 : vector<2048x64xi1>, vector<2048x64xf32>
    %eq3A_642 = arith.constant 19 : i32
    %eq3A_643 = vector.broadcast %eq3A_642 : i32 to vector<32x64xi32>
    %eq3A_644 = arith.cmpi eq, %iota3A_93, %eq3A_643 : vector<32x64xi32>
    %broadcast_in_dim3A_645 = vector.shape_cast %broadcast_in_dim3A_628 : vector<1x64xf32> to vector<1x64xf32>
    %broadcast_in_dim3A_646 = vector.broadcast %broadcast_in_dim3A_645 : vector<1x64xf32> to vector<32x64xf32>
    %select_n3A_647 = arith.select %eq3A_644, %broadcast_in_dim3A_646, %select_n3A_619 : vector<32x64xi1>, vector<32x64xf32>
    %eq3A_648 = arith.constant 19 : i32
    %eq3A_649 = vector.broadcast %eq3A_648 : i32 to vector<32x64xi32>
    %eq3A_650 = arith.cmpi eq, %iota3A_93, %eq3A_649 : vector<32x64xi32>
    %broadcast_in_dim3A_651 = vector.shape_cast %broadcast_in_dim3A_636 : vector<1x64xi32> to vector<1x64xi32>
    %broadcast_in_dim3A_652 = vector.broadcast %broadcast_in_dim3A_651 : vector<1x64xi32> to vector<32x64xi32>
    %select_n3A_653 = arith.select %eq3A_650, %broadcast_in_dim3A_652, %select_n3A_625 : vector<32x64xi1>, vector<32x64xi32>
    %reduce_max3A_654 = arith.constant dense<0xFF800000> : vector<64xf32>
    %reduce_max3A_655 = vector.multi_reduction <maximumf>, %select_n3A_641, %reduce_max3A_654 [0] : vector<2048x64xf32> to vector<64xf32>
    %broadcast_in_dim3A_656 = vector.shape_cast %reduce_max3A_655 : vector<64xf32> to vector<1x64xf32>
    %eq3A_657 = vector.broadcast %broadcast_in_dim3A_656 : vector<1x64xf32> to vector<2048x64xf32>
    %eq3A_658 = arith.cmpf oeq, %select_n3A_641, %eq3A_657 : vector<2048x64xf32>
    %jit3A_659 = arith.constant 2048 : i32
    %broadcast_in_dim3A_660 = vector.broadcast %jit3A_659 : i32 to vector<2048x64xi32>
    %select_n3A_661 = arith.select %eq3A_658, %iota3A, %broadcast_in_dim3A_660 : vector<2048x64xi1>, vector<2048x64xi32>
    %reduce_min3A_662 = arith.constant dense<2147483647> : vector<64xi32>
    %reduce_min3A_663 = vector.multi_reduction <minsi>, %select_n3A_661, %reduce_min3A_662 [0] : vector<2048x64xi32> to vector<64xi32>
    %broadcast_in_dim3A_664 = vector.shape_cast %reduce_min3A_663 : vector<64xi32> to vector<1x64xi32>
    %eq3A_665 = vector.broadcast %broadcast_in_dim3A_664 : vector<1x64xi32> to vector<2048x64xi32>
    %eq3A_666 = arith.cmpi eq, %iota3A, %eq3A_665 : vector<2048x64xi32>
    %jit3A_667 = arith.constant -1.000000e+00 : f32
    %broadcast_in_dim3A_668 = vector.broadcast %jit3A_667 : f32 to vector<2048x64xf32>
    %select_n3A_669 = arith.select %eq3A_666, %broadcast_in_dim3A_668, %select_n3A_641 : vector<2048x64xi1>, vector<2048x64xf32>
    %eq3A_670 = arith.constant 20 : i32
    %eq3A_671 = vector.broadcast %eq3A_670 : i32 to vector<32x64xi32>
    %eq3A_672 = arith.cmpi eq, %iota3A_93, %eq3A_671 : vector<32x64xi32>
    %broadcast_in_dim3A_673 = vector.shape_cast %broadcast_in_dim3A_656 : vector<1x64xf32> to vector<1x64xf32>
    %broadcast_in_dim3A_674 = vector.broadcast %broadcast_in_dim3A_673 : vector<1x64xf32> to vector<32x64xf32>
    %select_n3A_675 = arith.select %eq3A_672, %broadcast_in_dim3A_674, %select_n3A_647 : vector<32x64xi1>, vector<32x64xf32>
    %eq3A_676 = arith.constant 20 : i32
    %eq3A_677 = vector.broadcast %eq3A_676 : i32 to vector<32x64xi32>
    %eq3A_678 = arith.cmpi eq, %iota3A_93, %eq3A_677 : vector<32x64xi32>
    %broadcast_in_dim3A_679 = vector.shape_cast %broadcast_in_dim3A_664 : vector<1x64xi32> to vector<1x64xi32>
    %broadcast_in_dim3A_680 = vector.broadcast %broadcast_in_dim3A_679 : vector<1x64xi32> to vector<32x64xi32>
    %select_n3A_681 = arith.select %eq3A_678, %broadcast_in_dim3A_680, %select_n3A_653 : vector<32x64xi1>, vector<32x64xi32>
    %reduce_max3A_682 = arith.constant dense<0xFF800000> : vector<64xf32>
    %reduce_max3A_683 = vector.multi_reduction <maximumf>, %select_n3A_669, %reduce_max3A_682 [0] : vector<2048x64xf32> to vector<64xf32>
    %broadcast_in_dim3A_684 = vector.shape_cast %reduce_max3A_683 : vector<64xf32> to vector<1x64xf32>
    %eq3A_685 = vector.broadcast %broadcast_in_dim3A_684 : vector<1x64xf32> to vector<2048x64xf32>
    %eq3A_686 = arith.cmpf oeq, %select_n3A_669, %eq3A_685 : vector<2048x64xf32>
    %jit3A_687 = arith.constant 2048 : i32
    %broadcast_in_dim3A_688 = vector.broadcast %jit3A_687 : i32 to vector<2048x64xi32>
    %select_n3A_689 = arith.select %eq3A_686, %iota3A, %broadcast_in_dim3A_688 : vector<2048x64xi1>, vector<2048x64xi32>
    %reduce_min3A_690 = arith.constant dense<2147483647> : vector<64xi32>
    %reduce_min3A_691 = vector.multi_reduction <minsi>, %select_n3A_689, %reduce_min3A_690 [0] : vector<2048x64xi32> to vector<64xi32>
    %broadcast_in_dim3A_692 = vector.shape_cast %reduce_min3A_691 : vector<64xi32> to vector<1x64xi32>
    %eq3A_693 = vector.broadcast %broadcast_in_dim3A_692 : vector<1x64xi32> to vector<2048x64xi32>
    %eq3A_694 = arith.cmpi eq, %iota3A, %eq3A_693 : vector<2048x64xi32>
    %jit3A_695 = arith.constant -1.000000e+00 : f32
    %broadcast_in_dim3A_696 = vector.broadcast %jit3A_695 : f32 to vector<2048x64xf32>
    %select_n3A_697 = arith.select %eq3A_694, %broadcast_in_dim3A_696, %select_n3A_669 : vector<2048x64xi1>, vector<2048x64xf32>
    %eq3A_698 = arith.constant 21 : i32
    %eq3A_699 = vector.broadcast %eq3A_698 : i32 to vector<32x64xi32>
    %eq3A_700 = arith.cmpi eq, %iota3A_93, %eq3A_699 : vector<32x64xi32>
    %broadcast_in_dim3A_701 = vector.shape_cast %broadcast_in_dim3A_684 : vector<1x64xf32> to vector<1x64xf32>
    %broadcast_in_dim3A_702 = vector.broadcast %broadcast_in_dim3A_701 : vector<1x64xf32> to vector<32x64xf32>
    %select_n3A_703 = arith.select %eq3A_700, %broadcast_in_dim3A_702, %select_n3A_675 : vector<32x64xi1>, vector<32x64xf32>
    %eq3A_704 = arith.constant 21 : i32
    %eq3A_705 = vector.broadcast %eq3A_704 : i32 to vector<32x64xi32>
    %eq3A_706 = arith.cmpi eq, %iota3A_93, %eq3A_705 : vector<32x64xi32>
    %broadcast_in_dim3A_707 = vector.shape_cast %broadcast_in_dim3A_692 : vector<1x64xi32> to vector<1x64xi32>
    %broadcast_in_dim3A_708 = vector.broadcast %broadcast_in_dim3A_707 : vector<1x64xi32> to vector<32x64xi32>
    %select_n3A_709 = arith.select %eq3A_706, %broadcast_in_dim3A_708, %select_n3A_681 : vector<32x64xi1>, vector<32x64xi32>
    %reduce_max3A_710 = arith.constant dense<0xFF800000> : vector<64xf32>
    %reduce_max3A_711 = vector.multi_reduction <maximumf>, %select_n3A_697, %reduce_max3A_710 [0] : vector<2048x64xf32> to vector<64xf32>
    %broadcast_in_dim3A_712 = vector.shape_cast %reduce_max3A_711 : vector<64xf32> to vector<1x64xf32>
    %eq3A_713 = vector.broadcast %broadcast_in_dim3A_712 : vector<1x64xf32> to vector<2048x64xf32>
    %eq3A_714 = arith.cmpf oeq, %select_n3A_697, %eq3A_713 : vector<2048x64xf32>
    %jit3A_715 = arith.constant 2048 : i32
    %broadcast_in_dim3A_716 = vector.broadcast %jit3A_715 : i32 to vector<2048x64xi32>
    %select_n3A_717 = arith.select %eq3A_714, %iota3A, %broadcast_in_dim3A_716 : vector<2048x64xi1>, vector<2048x64xi32>
    %reduce_min3A_718 = arith.constant dense<2147483647> : vector<64xi32>
    %reduce_min3A_719 = vector.multi_reduction <minsi>, %select_n3A_717, %reduce_min3A_718 [0] : vector<2048x64xi32> to vector<64xi32>
    %broadcast_in_dim3A_720 = vector.shape_cast %reduce_min3A_719 : vector<64xi32> to vector<1x64xi32>
    %eq3A_721 = vector.broadcast %broadcast_in_dim3A_720 : vector<1x64xi32> to vector<2048x64xi32>
    %eq3A_722 = arith.cmpi eq, %iota3A, %eq3A_721 : vector<2048x64xi32>
    %jit3A_723 = arith.constant -1.000000e+00 : f32
    %broadcast_in_dim3A_724 = vector.broadcast %jit3A_723 : f32 to vector<2048x64xf32>
    %select_n3A_725 = arith.select %eq3A_722, %broadcast_in_dim3A_724, %select_n3A_697 : vector<2048x64xi1>, vector<2048x64xf32>
    %eq3A_726 = arith.constant 22 : i32
    %eq3A_727 = vector.broadcast %eq3A_726 : i32 to vector<32x64xi32>
    %eq3A_728 = arith.cmpi eq, %iota3A_93, %eq3A_727 : vector<32x64xi32>
    %broadcast_in_dim3A_729 = vector.shape_cast %broadcast_in_dim3A_712 : vector<1x64xf32> to vector<1x64xf32>
    %broadcast_in_dim3A_730 = vector.broadcast %broadcast_in_dim3A_729 : vector<1x64xf32> to vector<32x64xf32>
    %select_n3A_731 = arith.select %eq3A_728, %broadcast_in_dim3A_730, %select_n3A_703 : vector<32x64xi1>, vector<32x64xf32>
    %eq3A_732 = arith.constant 22 : i32
    %eq3A_733 = vector.broadcast %eq3A_732 : i32 to vector<32x64xi32>
    %eq3A_734 = arith.cmpi eq, %iota3A_93, %eq3A_733 : vector<32x64xi32>
    %broadcast_in_dim3A_735 = vector.shape_cast %broadcast_in_dim3A_720 : vector<1x64xi32> to vector<1x64xi32>
    %broadcast_in_dim3A_736 = vector.broadcast %broadcast_in_dim3A_735 : vector<1x64xi32> to vector<32x64xi32>
    %select_n3A_737 = arith.select %eq3A_734, %broadcast_in_dim3A_736, %select_n3A_709 : vector<32x64xi1>, vector<32x64xi32>
    %reduce_max3A_738 = arith.constant dense<0xFF800000> : vector<64xf32>
    %reduce_max3A_739 = vector.multi_reduction <maximumf>, %select_n3A_725, %reduce_max3A_738 [0] : vector<2048x64xf32> to vector<64xf32>
    %broadcast_in_dim3A_740 = vector.shape_cast %reduce_max3A_739 : vector<64xf32> to vector<1x64xf32>
    %eq3A_741 = vector.broadcast %broadcast_in_dim3A_740 : vector<1x64xf32> to vector<2048x64xf32>
    %eq3A_742 = arith.cmpf oeq, %select_n3A_725, %eq3A_741 : vector<2048x64xf32>
    %jit3A_743 = arith.constant 2048 : i32
    %broadcast_in_dim3A_744 = vector.broadcast %jit3A_743 : i32 to vector<2048x64xi32>
    %select_n3A_745 = arith.select %eq3A_742, %iota3A, %broadcast_in_dim3A_744 : vector<2048x64xi1>, vector<2048x64xi32>
    %reduce_min3A_746 = arith.constant dense<2147483647> : vector<64xi32>
    %reduce_min3A_747 = vector.multi_reduction <minsi>, %select_n3A_745, %reduce_min3A_746 [0] : vector<2048x64xi32> to vector<64xi32>
    %broadcast_in_dim3A_748 = vector.shape_cast %reduce_min3A_747 : vector<64xi32> to vector<1x64xi32>
    %eq3A_749 = vector.broadcast %broadcast_in_dim3A_748 : vector<1x64xi32> to vector<2048x64xi32>
    %eq3A_750 = arith.cmpi eq, %iota3A, %eq3A_749 : vector<2048x64xi32>
    %jit3A_751 = arith.constant -1.000000e+00 : f32
    %broadcast_in_dim3A_752 = vector.broadcast %jit3A_751 : f32 to vector<2048x64xf32>
    %select_n3A_753 = arith.select %eq3A_750, %broadcast_in_dim3A_752, %select_n3A_725 : vector<2048x64xi1>, vector<2048x64xf32>
    %eq3A_754 = arith.constant 23 : i32
    %eq3A_755 = vector.broadcast %eq3A_754 : i32 to vector<32x64xi32>
    %eq3A_756 = arith.cmpi eq, %iota3A_93, %eq3A_755 : vector<32x64xi32>
    %broadcast_in_dim3A_757 = vector.shape_cast %broadcast_in_dim3A_740 : vector<1x64xf32> to vector<1x64xf32>
    %broadcast_in_dim3A_758 = vector.broadcast %broadcast_in_dim3A_757 : vector<1x64xf32> to vector<32x64xf32>
    %select_n3A_759 = arith.select %eq3A_756, %broadcast_in_dim3A_758, %select_n3A_731 : vector<32x64xi1>, vector<32x64xf32>
    %eq3A_760 = arith.constant 23 : i32
    %eq3A_761 = vector.broadcast %eq3A_760 : i32 to vector<32x64xi32>
    %eq3A_762 = arith.cmpi eq, %iota3A_93, %eq3A_761 : vector<32x64xi32>
    %broadcast_in_dim3A_763 = vector.shape_cast %broadcast_in_dim3A_748 : vector<1x64xi32> to vector<1x64xi32>
    %broadcast_in_dim3A_764 = vector.broadcast %broadcast_in_dim3A_763 : vector<1x64xi32> to vector<32x64xi32>
    %select_n3A_765 = arith.select %eq3A_762, %broadcast_in_dim3A_764, %select_n3A_737 : vector<32x64xi1>, vector<32x64xi32>
    %reduce_max3A_766 = arith.constant dense<0xFF800000> : vector<64xf32>
    %reduce_max3A_767 = vector.multi_reduction <maximumf>, %select_n3A_753, %reduce_max3A_766 [0] : vector<2048x64xf32> to vector<64xf32>
    %broadcast_in_dim3A_768 = vector.shape_cast %reduce_max3A_767 : vector<64xf32> to vector<1x64xf32>
    %eq3A_769 = vector.broadcast %broadcast_in_dim3A_768 : vector<1x64xf32> to vector<2048x64xf32>
    %eq3A_770 = arith.cmpf oeq, %select_n3A_753, %eq3A_769 : vector<2048x64xf32>
    %jit3A_771 = arith.constant 2048 : i32
    %broadcast_in_dim3A_772 = vector.broadcast %jit3A_771 : i32 to vector<2048x64xi32>
    %select_n3A_773 = arith.select %eq3A_770, %iota3A, %broadcast_in_dim3A_772 : vector<2048x64xi1>, vector<2048x64xi32>
    %reduce_min3A_774 = arith.constant dense<2147483647> : vector<64xi32>
    %reduce_min3A_775 = vector.multi_reduction <minsi>, %select_n3A_773, %reduce_min3A_774 [0] : vector<2048x64xi32> to vector<64xi32>
    %broadcast_in_dim3A_776 = vector.shape_cast %reduce_min3A_775 : vector<64xi32> to vector<1x64xi32>
    %eq3A_777 = vector.broadcast %broadcast_in_dim3A_776 : vector<1x64xi32> to vector<2048x64xi32>
    %eq3A_778 = arith.cmpi eq, %iota3A, %eq3A_777 : vector<2048x64xi32>
    %jit3A_779 = arith.constant -1.000000e+00 : f32
    %broadcast_in_dim3A_780 = vector.broadcast %jit3A_779 : f32 to vector<2048x64xf32>
    %select_n3A_781 = arith.select %eq3A_778, %broadcast_in_dim3A_780, %select_n3A_753 : vector<2048x64xi1>, vector<2048x64xf32>
    %eq3A_782 = arith.constant 24 : i32
    %eq3A_783 = vector.broadcast %eq3A_782 : i32 to vector<32x64xi32>
    %eq3A_784 = arith.cmpi eq, %iota3A_93, %eq3A_783 : vector<32x64xi32>
    %broadcast_in_dim3A_785 = vector.shape_cast %broadcast_in_dim3A_768 : vector<1x64xf32> to vector<1x64xf32>
    %broadcast_in_dim3A_786 = vector.broadcast %broadcast_in_dim3A_785 : vector<1x64xf32> to vector<32x64xf32>
    %select_n3A_787 = arith.select %eq3A_784, %broadcast_in_dim3A_786, %select_n3A_759 : vector<32x64xi1>, vector<32x64xf32>
    %eq3A_788 = arith.constant 24 : i32
    %eq3A_789 = vector.broadcast %eq3A_788 : i32 to vector<32x64xi32>
    %eq3A_790 = arith.cmpi eq, %iota3A_93, %eq3A_789 : vector<32x64xi32>
    %broadcast_in_dim3A_791 = vector.shape_cast %broadcast_in_dim3A_776 : vector<1x64xi32> to vector<1x64xi32>
    %broadcast_in_dim3A_792 = vector.broadcast %broadcast_in_dim3A_791 : vector<1x64xi32> to vector<32x64xi32>
    %select_n3A_793 = arith.select %eq3A_790, %broadcast_in_dim3A_792, %select_n3A_765 : vector<32x64xi1>, vector<32x64xi32>
    %reduce_max3A_794 = arith.constant dense<0xFF800000> : vector<64xf32>
    %reduce_max3A_795 = vector.multi_reduction <maximumf>, %select_n3A_781, %reduce_max3A_794 [0] : vector<2048x64xf32> to vector<64xf32>
    %broadcast_in_dim3A_796 = vector.shape_cast %reduce_max3A_795 : vector<64xf32> to vector<1x64xf32>
    %eq3A_797 = vector.broadcast %broadcast_in_dim3A_796 : vector<1x64xf32> to vector<2048x64xf32>
    %eq3A_798 = arith.cmpf oeq, %select_n3A_781, %eq3A_797 : vector<2048x64xf32>
    %jit3A_799 = arith.constant 2048 : i32
    %broadcast_in_dim3A_800 = vector.broadcast %jit3A_799 : i32 to vector<2048x64xi32>
    %select_n3A_801 = arith.select %eq3A_798, %iota3A, %broadcast_in_dim3A_800 : vector<2048x64xi1>, vector<2048x64xi32>
    %reduce_min3A_802 = arith.constant dense<2147483647> : vector<64xi32>
    %reduce_min3A_803 = vector.multi_reduction <minsi>, %select_n3A_801, %reduce_min3A_802 [0] : vector<2048x64xi32> to vector<64xi32>
    %broadcast_in_dim3A_804 = vector.shape_cast %reduce_min3A_803 : vector<64xi32> to vector<1x64xi32>
    %eq3A_805 = vector.broadcast %broadcast_in_dim3A_804 : vector<1x64xi32> to vector<2048x64xi32>
    %eq3A_806 = arith.cmpi eq, %iota3A, %eq3A_805 : vector<2048x64xi32>
    %jit3A_807 = arith.constant -1.000000e+00 : f32
    %broadcast_in_dim3A_808 = vector.broadcast %jit3A_807 : f32 to vector<2048x64xf32>
    %select_n3A_809 = arith.select %eq3A_806, %broadcast_in_dim3A_808, %select_n3A_781 : vector<2048x64xi1>, vector<2048x64xf32>
    %eq3A_810 = arith.constant 25 : i32
    %eq3A_811 = vector.broadcast %eq3A_810 : i32 to vector<32x64xi32>
    %eq3A_812 = arith.cmpi eq, %iota3A_93, %eq3A_811 : vector<32x64xi32>
    %broadcast_in_dim3A_813 = vector.shape_cast %broadcast_in_dim3A_796 : vector<1x64xf32> to vector<1x64xf32>
    %broadcast_in_dim3A_814 = vector.broadcast %broadcast_in_dim3A_813 : vector<1x64xf32> to vector<32x64xf32>
    %select_n3A_815 = arith.select %eq3A_812, %broadcast_in_dim3A_814, %select_n3A_787 : vector<32x64xi1>, vector<32x64xf32>
    %eq3A_816 = arith.constant 25 : i32
    %eq3A_817 = vector.broadcast %eq3A_816 : i32 to vector<32x64xi32>
    %eq3A_818 = arith.cmpi eq, %iota3A_93, %eq3A_817 : vector<32x64xi32>
    %broadcast_in_dim3A_819 = vector.shape_cast %broadcast_in_dim3A_804 : vector<1x64xi32> to vector<1x64xi32>
    %broadcast_in_dim3A_820 = vector.broadcast %broadcast_in_dim3A_819 : vector<1x64xi32> to vector<32x64xi32>
    %select_n3A_821 = arith.select %eq3A_818, %broadcast_in_dim3A_820, %select_n3A_793 : vector<32x64xi1>, vector<32x64xi32>
    %reduce_max3A_822 = arith.constant dense<0xFF800000> : vector<64xf32>
    %reduce_max3A_823 = vector.multi_reduction <maximumf>, %select_n3A_809, %reduce_max3A_822 [0] : vector<2048x64xf32> to vector<64xf32>
    %broadcast_in_dim3A_824 = vector.shape_cast %reduce_max3A_823 : vector<64xf32> to vector<1x64xf32>
    %eq3A_825 = vector.broadcast %broadcast_in_dim3A_824 : vector<1x64xf32> to vector<2048x64xf32>
    %eq3A_826 = arith.cmpf oeq, %select_n3A_809, %eq3A_825 : vector<2048x64xf32>
    %jit3A_827 = arith.constant 2048 : i32
    %broadcast_in_dim3A_828 = vector.broadcast %jit3A_827 : i32 to vector<2048x64xi32>
    %select_n3A_829 = arith.select %eq3A_826, %iota3A, %broadcast_in_dim3A_828 : vector<2048x64xi1>, vector<2048x64xi32>
    %reduce_min3A_830 = arith.constant dense<2147483647> : vector<64xi32>
    %reduce_min3A_831 = vector.multi_reduction <minsi>, %select_n3A_829, %reduce_min3A_830 [0] : vector<2048x64xi32> to vector<64xi32>
    %broadcast_in_dim3A_832 = vector.shape_cast %reduce_min3A_831 : vector<64xi32> to vector<1x64xi32>
    %eq3A_833 = vector.broadcast %broadcast_in_dim3A_832 : vector<1x64xi32> to vector<2048x64xi32>
    %eq3A_834 = arith.cmpi eq, %iota3A, %eq3A_833 : vector<2048x64xi32>
    %jit3A_835 = arith.constant -1.000000e+00 : f32
    %broadcast_in_dim3A_836 = vector.broadcast %jit3A_835 : f32 to vector<2048x64xf32>
    %select_n3A_837 = arith.select %eq3A_834, %broadcast_in_dim3A_836, %select_n3A_809 : vector<2048x64xi1>, vector<2048x64xf32>
    %eq3A_838 = arith.constant 26 : i32
    %eq3A_839 = vector.broadcast %eq3A_838 : i32 to vector<32x64xi32>
    %eq3A_840 = arith.cmpi eq, %iota3A_93, %eq3A_839 : vector<32x64xi32>
    %broadcast_in_dim3A_841 = vector.shape_cast %broadcast_in_dim3A_824 : vector<1x64xf32> to vector<1x64xf32>
    %broadcast_in_dim3A_842 = vector.broadcast %broadcast_in_dim3A_841 : vector<1x64xf32> to vector<32x64xf32>
    %select_n3A_843 = arith.select %eq3A_840, %broadcast_in_dim3A_842, %select_n3A_815 : vector<32x64xi1>, vector<32x64xf32>
    %eq3A_844 = arith.constant 26 : i32
    %eq3A_845 = vector.broadcast %eq3A_844 : i32 to vector<32x64xi32>
    %eq3A_846 = arith.cmpi eq, %iota3A_93, %eq3A_845 : vector<32x64xi32>
    %broadcast_in_dim3A_847 = vector.shape_cast %broadcast_in_dim3A_832 : vector<1x64xi32> to vector<1x64xi32>
    %broadcast_in_dim3A_848 = vector.broadcast %broadcast_in_dim3A_847 : vector<1x64xi32> to vector<32x64xi32>
    %select_n3A_849 = arith.select %eq3A_846, %broadcast_in_dim3A_848, %select_n3A_821 : vector<32x64xi1>, vector<32x64xi32>
    %reduce_max3A_850 = arith.constant dense<0xFF800000> : vector<64xf32>
    %reduce_max3A_851 = vector.multi_reduction <maximumf>, %select_n3A_837, %reduce_max3A_850 [0] : vector<2048x64xf32> to vector<64xf32>
    %broadcast_in_dim3A_852 = vector.shape_cast %reduce_max3A_851 : vector<64xf32> to vector<1x64xf32>
    %eq3A_853 = vector.broadcast %broadcast_in_dim3A_852 : vector<1x64xf32> to vector<2048x64xf32>
    %eq3A_854 = arith.cmpf oeq, %select_n3A_837, %eq3A_853 : vector<2048x64xf32>
    %jit3A_855 = arith.constant 2048 : i32
    %broadcast_in_dim3A_856 = vector.broadcast %jit3A_855 : i32 to vector<2048x64xi32>
    %select_n3A_857 = arith.select %eq3A_854, %iota3A, %broadcast_in_dim3A_856 : vector<2048x64xi1>, vector<2048x64xi32>
    %reduce_min3A_858 = arith.constant dense<2147483647> : vector<64xi32>
    %reduce_min3A_859 = vector.multi_reduction <minsi>, %select_n3A_857, %reduce_min3A_858 [0] : vector<2048x64xi32> to vector<64xi32>
    %broadcast_in_dim3A_860 = vector.shape_cast %reduce_min3A_859 : vector<64xi32> to vector<1x64xi32>
    %eq3A_861 = vector.broadcast %broadcast_in_dim3A_860 : vector<1x64xi32> to vector<2048x64xi32>
    %eq3A_862 = arith.cmpi eq, %iota3A, %eq3A_861 : vector<2048x64xi32>
    %jit3A_863 = arith.constant -1.000000e+00 : f32
    %broadcast_in_dim3A_864 = vector.broadcast %jit3A_863 : f32 to vector<2048x64xf32>
    %select_n3A_865 = arith.select %eq3A_862, %broadcast_in_dim3A_864, %select_n3A_837 : vector<2048x64xi1>, vector<2048x64xf32>
    %eq3A_866 = arith.constant 27 : i32
    %eq3A_867 = vector.broadcast %eq3A_866 : i32 to vector<32x64xi32>
    %eq3A_868 = arith.cmpi eq, %iota3A_93, %eq3A_867 : vector<32x64xi32>
    %broadcast_in_dim3A_869 = vector.shape_cast %broadcast_in_dim3A_852 : vector<1x64xf32> to vector<1x64xf32>
    %broadcast_in_dim3A_870 = vector.broadcast %broadcast_in_dim3A_869 : vector<1x64xf32> to vector<32x64xf32>
    %select_n3A_871 = arith.select %eq3A_868, %broadcast_in_dim3A_870, %select_n3A_843 : vector<32x64xi1>, vector<32x64xf32>
    %eq3A_872 = arith.constant 27 : i32
    %eq3A_873 = vector.broadcast %eq3A_872 : i32 to vector<32x64xi32>
    %eq3A_874 = arith.cmpi eq, %iota3A_93, %eq3A_873 : vector<32x64xi32>
    %broadcast_in_dim3A_875 = vector.shape_cast %broadcast_in_dim3A_860 : vector<1x64xi32> to vector<1x64xi32>
    %broadcast_in_dim3A_876 = vector.broadcast %broadcast_in_dim3A_875 : vector<1x64xi32> to vector<32x64xi32>
    %select_n3A_877 = arith.select %eq3A_874, %broadcast_in_dim3A_876, %select_n3A_849 : vector<32x64xi1>, vector<32x64xi32>
    %reduce_max3A_878 = arith.constant dense<0xFF800000> : vector<64xf32>
    %reduce_max3A_879 = vector.multi_reduction <maximumf>, %select_n3A_865, %reduce_max3A_878 [0] : vector<2048x64xf32> to vector<64xf32>
    %broadcast_in_dim3A_880 = vector.shape_cast %reduce_max3A_879 : vector<64xf32> to vector<1x64xf32>
    %eq3A_881 = vector.broadcast %broadcast_in_dim3A_880 : vector<1x64xf32> to vector<2048x64xf32>
    %eq3A_882 = arith.cmpf oeq, %select_n3A_865, %eq3A_881 : vector<2048x64xf32>
    %jit3A_883 = arith.constant 2048 : i32
    %broadcast_in_dim3A_884 = vector.broadcast %jit3A_883 : i32 to vector<2048x64xi32>
    %select_n3A_885 = arith.select %eq3A_882, %iota3A, %broadcast_in_dim3A_884 : vector<2048x64xi1>, vector<2048x64xi32>
    %reduce_min3A_886 = arith.constant dense<2147483647> : vector<64xi32>
    %reduce_min3A_887 = vector.multi_reduction <minsi>, %select_n3A_885, %reduce_min3A_886 [0] : vector<2048x64xi32> to vector<64xi32>
    %broadcast_in_dim3A_888 = vector.shape_cast %reduce_min3A_887 : vector<64xi32> to vector<1x64xi32>
    %eq3A_889 = vector.broadcast %broadcast_in_dim3A_888 : vector<1x64xi32> to vector<2048x64xi32>
    %eq3A_890 = arith.cmpi eq, %iota3A, %eq3A_889 : vector<2048x64xi32>
    %jit3A_891 = arith.constant -1.000000e+00 : f32
    %broadcast_in_dim3A_892 = vector.broadcast %jit3A_891 : f32 to vector<2048x64xf32>
    %select_n3A_893 = arith.select %eq3A_890, %broadcast_in_dim3A_892, %select_n3A_865 : vector<2048x64xi1>, vector<2048x64xf32>
    %eq3A_894 = arith.constant 28 : i32
    %eq3A_895 = vector.broadcast %eq3A_894 : i32 to vector<32x64xi32>
    %eq3A_896 = arith.cmpi eq, %iota3A_93, %eq3A_895 : vector<32x64xi32>
    %broadcast_in_dim3A_897 = vector.shape_cast %broadcast_in_dim3A_880 : vector<1x64xf32> to vector<1x64xf32>
    %broadcast_in_dim3A_898 = vector.broadcast %broadcast_in_dim3A_897 : vector<1x64xf32> to vector<32x64xf32>
    %select_n3A_899 = arith.select %eq3A_896, %broadcast_in_dim3A_898, %select_n3A_871 : vector<32x64xi1>, vector<32x64xf32>
    %eq3A_900 = arith.constant 28 : i32
    %eq3A_901 = vector.broadcast %eq3A_900 : i32 to vector<32x64xi32>
    %eq3A_902 = arith.cmpi eq, %iota3A_93, %eq3A_901 : vector<32x64xi32>
    %broadcast_in_dim3A_903 = vector.shape_cast %broadcast_in_dim3A_888 : vector<1x64xi32> to vector<1x64xi32>
    %broadcast_in_dim3A_904 = vector.broadcast %broadcast_in_dim3A_903 : vector<1x64xi32> to vector<32x64xi32>
    %select_n3A_905 = arith.select %eq3A_902, %broadcast_in_dim3A_904, %select_n3A_877 : vector<32x64xi1>, vector<32x64xi32>
    %reduce_max3A_906 = arith.constant dense<0xFF800000> : vector<64xf32>
    %reduce_max3A_907 = vector.multi_reduction <maximumf>, %select_n3A_893, %reduce_max3A_906 [0] : vector<2048x64xf32> to vector<64xf32>
    %broadcast_in_dim3A_908 = vector.shape_cast %reduce_max3A_907 : vector<64xf32> to vector<1x64xf32>
    %eq3A_909 = vector.broadcast %broadcast_in_dim3A_908 : vector<1x64xf32> to vector<2048x64xf32>
    %eq3A_910 = arith.cmpf oeq, %select_n3A_893, %eq3A_909 : vector<2048x64xf32>
    %jit3A_911 = arith.constant 2048 : i32
    %broadcast_in_dim3A_912 = vector.broadcast %jit3A_911 : i32 to vector<2048x64xi32>
    %select_n3A_913 = arith.select %eq3A_910, %iota3A, %broadcast_in_dim3A_912 : vector<2048x64xi1>, vector<2048x64xi32>
    %reduce_min3A_914 = arith.constant dense<2147483647> : vector<64xi32>
    %reduce_min3A_915 = vector.multi_reduction <minsi>, %select_n3A_913, %reduce_min3A_914 [0] : vector<2048x64xi32> to vector<64xi32>
    %broadcast_in_dim3A_916 = vector.shape_cast %reduce_min3A_915 : vector<64xi32> to vector<1x64xi32>
    %eq3A_917 = vector.broadcast %broadcast_in_dim3A_916 : vector<1x64xi32> to vector<2048x64xi32>
    %eq3A_918 = arith.cmpi eq, %iota3A, %eq3A_917 : vector<2048x64xi32>
    %jit3A_919 = arith.constant -1.000000e+00 : f32
    %broadcast_in_dim3A_920 = vector.broadcast %jit3A_919 : f32 to vector<2048x64xf32>
    %select_n3A_921 = arith.select %eq3A_918, %broadcast_in_dim3A_920, %select_n3A_893 : vector<2048x64xi1>, vector<2048x64xf32>
    %eq3A_922 = arith.constant 29 : i32
    %eq3A_923 = vector.broadcast %eq3A_922 : i32 to vector<32x64xi32>
    %eq3A_924 = arith.cmpi eq, %iota3A_93, %eq3A_923 : vector<32x64xi32>
    %broadcast_in_dim3A_925 = vector.shape_cast %broadcast_in_dim3A_908 : vector<1x64xf32> to vector<1x64xf32>
    %broadcast_in_dim3A_926 = vector.broadcast %broadcast_in_dim3A_925 : vector<1x64xf32> to vector<32x64xf32>
    %select_n3A_927 = arith.select %eq3A_924, %broadcast_in_dim3A_926, %select_n3A_899 : vector<32x64xi1>, vector<32x64xf32>
    %eq3A_928 = arith.constant 29 : i32
    %eq3A_929 = vector.broadcast %eq3A_928 : i32 to vector<32x64xi32>
    %eq3A_930 = arith.cmpi eq, %iota3A_93, %eq3A_929 : vector<32x64xi32>
    %broadcast_in_dim3A_931 = vector.shape_cast %broadcast_in_dim3A_916 : vector<1x64xi32> to vector<1x64xi32>
    %broadcast_in_dim3A_932 = vector.broadcast %broadcast_in_dim3A_931 : vector<1x64xi32> to vector<32x64xi32>
    %select_n3A_933 = arith.select %eq3A_930, %broadcast_in_dim3A_932, %select_n3A_905 : vector<32x64xi1>, vector<32x64xi32>
    %reduce_max3A_934 = arith.constant dense<0xFF800000> : vector<64xf32>
    %reduce_max3A_935 = vector.multi_reduction <maximumf>, %select_n3A_921, %reduce_max3A_934 [0] : vector<2048x64xf32> to vector<64xf32>
    %broadcast_in_dim3A_936 = vector.shape_cast %reduce_max3A_935 : vector<64xf32> to vector<1x64xf32>
    %eq3A_937 = vector.broadcast %broadcast_in_dim3A_936 : vector<1x64xf32> to vector<2048x64xf32>
    %eq3A_938 = arith.cmpf oeq, %select_n3A_921, %eq3A_937 : vector<2048x64xf32>
    %jit3A_939 = arith.constant 2048 : i32
    %broadcast_in_dim3A_940 = vector.broadcast %jit3A_939 : i32 to vector<2048x64xi32>
    %select_n3A_941 = arith.select %eq3A_938, %iota3A, %broadcast_in_dim3A_940 : vector<2048x64xi1>, vector<2048x64xi32>
    %reduce_min3A_942 = arith.constant dense<2147483647> : vector<64xi32>
    %reduce_min3A_943 = vector.multi_reduction <minsi>, %select_n3A_941, %reduce_min3A_942 [0] : vector<2048x64xi32> to vector<64xi32>
    %broadcast_in_dim3A_944 = vector.shape_cast %reduce_min3A_943 : vector<64xi32> to vector<1x64xi32>
    %eq3A_945 = vector.broadcast %broadcast_in_dim3A_944 : vector<1x64xi32> to vector<2048x64xi32>
    %eq3A_946 = arith.cmpi eq, %iota3A, %eq3A_945 : vector<2048x64xi32>
    %jit3A_947 = arith.constant -1.000000e+00 : f32
    %broadcast_in_dim3A_948 = vector.broadcast %jit3A_947 : f32 to vector<2048x64xf32>
    %select_n3A_949 = arith.select %eq3A_946, %broadcast_in_dim3A_948, %select_n3A_921 : vector<2048x64xi1>, vector<2048x64xf32>
    %eq3A_950 = arith.constant 30 : i32
    %eq3A_951 = vector.broadcast %eq3A_950 : i32 to vector<32x64xi32>
    %eq3A_952 = arith.cmpi eq, %iota3A_93, %eq3A_951 : vector<32x64xi32>
    %broadcast_in_dim3A_953 = vector.shape_cast %broadcast_in_dim3A_936 : vector<1x64xf32> to vector<1x64xf32>
    %broadcast_in_dim3A_954 = vector.broadcast %broadcast_in_dim3A_953 : vector<1x64xf32> to vector<32x64xf32>
    %select_n3A_955 = arith.select %eq3A_952, %broadcast_in_dim3A_954, %select_n3A_927 : vector<32x64xi1>, vector<32x64xf32>
    %eq3A_956 = arith.constant 30 : i32
    %eq3A_957 = vector.broadcast %eq3A_956 : i32 to vector<32x64xi32>
    %eq3A_958 = arith.cmpi eq, %iota3A_93, %eq3A_957 : vector<32x64xi32>
    %broadcast_in_dim3A_959 = vector.shape_cast %broadcast_in_dim3A_944 : vector<1x64xi32> to vector<1x64xi32>
    %broadcast_in_dim3A_960 = vector.broadcast %broadcast_in_dim3A_959 : vector<1x64xi32> to vector<32x64xi32>
    %select_n3A_961 = arith.select %eq3A_958, %broadcast_in_dim3A_960, %select_n3A_933 : vector<32x64xi1>, vector<32x64xi32>
    %reduce_max3A_962 = arith.constant dense<0xFF800000> : vector<64xf32>
    %reduce_max3A_963 = vector.multi_reduction <maximumf>, %select_n3A_949, %reduce_max3A_962 [0] : vector<2048x64xf32> to vector<64xf32>
    %broadcast_in_dim3A_964 = vector.shape_cast %reduce_max3A_963 : vector<64xf32> to vector<1x64xf32>
    %eq3A_965 = vector.broadcast %broadcast_in_dim3A_964 : vector<1x64xf32> to vector<2048x64xf32>
    %eq3A_966 = arith.cmpf oeq, %select_n3A_949, %eq3A_965 : vector<2048x64xf32>
    %jit3A_967 = arith.constant 2048 : i32
    %broadcast_in_dim3A_968 = vector.broadcast %jit3A_967 : i32 to vector<2048x64xi32>
    %select_n3A_969 = arith.select %eq3A_966, %iota3A, %broadcast_in_dim3A_968 : vector<2048x64xi1>, vector<2048x64xi32>
    %reduce_min3A_970 = arith.constant dense<2147483647> : vector<64xi32>
    %reduce_min3A_971 = vector.multi_reduction <minsi>, %select_n3A_969, %reduce_min3A_970 [0] : vector<2048x64xi32> to vector<64xi32>
    %broadcast_in_dim3A_972 = vector.shape_cast %reduce_min3A_971 : vector<64xi32> to vector<1x64xi32>
    %eq3A_973 = vector.broadcast %broadcast_in_dim3A_972 : vector<1x64xi32> to vector<2048x64xi32>
    %eq3A_974 = arith.cmpi eq, %iota3A, %eq3A_973 : vector<2048x64xi32>
    %jit3A_975 = arith.constant -1.000000e+00 : f32
    %broadcast_in_dim3A_976 = vector.broadcast %jit3A_975 : f32 to vector<2048x64xf32>
    %select_n3A_977 = arith.select %eq3A_974, %broadcast_in_dim3A_976, %select_n3A_949 : vector<2048x64xi1>, vector<2048x64xf32>
    %eq3A_978 = arith.constant 31 : i32
    %eq3A_979 = vector.broadcast %eq3A_978 : i32 to vector<32x64xi32>
    %eq3A_980 = arith.cmpi eq, %iota3A_93, %eq3A_979 : vector<32x64xi32>
    %broadcast_in_dim3A_981 = vector.shape_cast %broadcast_in_dim3A_964 : vector<1x64xf32> to vector<1x64xf32>
    %broadcast_in_dim3A_982 = vector.broadcast %broadcast_in_dim3A_981 : vector<1x64xf32> to vector<32x64xf32>
    %select_n3A_983 = arith.select %eq3A_980, %broadcast_in_dim3A_982, %select_n3A_955 : vector<32x64xi1>, vector<32x64xf32>
    %eq3A_984 = arith.constant 31 : i32
    %eq3A_985 = vector.broadcast %eq3A_984 : i32 to vector<32x64xi32>
    %eq3A_986 = arith.cmpi eq, %iota3A_93, %eq3A_985 : vector<32x64xi32>
    %broadcast_in_dim3A_987 = vector.shape_cast %broadcast_in_dim3A_972 : vector<1x64xi32> to vector<1x64xi32>
    %broadcast_in_dim3A_988 = vector.broadcast %broadcast_in_dim3A_987 : vector<1x64xi32> to vector<32x64xi32>
    %select_n3A_989 = arith.select %eq3A_986, %broadcast_in_dim3A_988, %select_n3A_961 : vector<32x64xi1>, vector<32x64xi32>
    %swap3A_990 = arith.constant 0 : index
    %swap3A_991 = arith.constant 0 : index
    %swap3A_992 = vector.load %arg8[%swap3A_990, %swap3A_991] : memref<32x64xf32, #tpu.memory_space<vmem>>, vector<32x64xf32>
    tpu.vector_store %arg8[%swap3A_990, %swap3A_991], %select_n3A_983 {strides = array<i32>} : memref<32x64xf32, #tpu.memory_space<vmem>>, vector<32x64xf32>,
    %swap3A_993 = arith.constant 0 : index
    %swap3A_994 = arith.constant 0 : index
    %swap3A_995 = vector.load %arg9[%swap3A_993, %swap3A_994] : memref<32x64xi32, #tpu.memory_space<vmem>>, vector<32x64xi32>
    tpu.vector_store %arg9[%swap3A_993, %swap3A_994], %select_n3A_989 {strides = array<i32>} : memref<32x64xi32, #tpu.memory_space<vmem>>, vector<32x64xi32>,
    %lt3A = arith.constant 0.000000e+00 : f32
    %lt3A_996 = vector.broadcast %lt3A : f32 to vector<2048x64xf32>
    %lt3A_997 = arith.cmpf olt, %select_n3A_977, %lt3A_996 : vector<2048x64xf32>
    %jit3A_998 = arith.constant 1.000000e+00 : f32
    %jit3A_999 = arith.constant 0.000000e+00 : f32
    %broadcast_in_dim3A_1000 = vector.broadcast %jit3A_998 : f32 to vector<2048x64xf32>
    %broadcast_in_dim3A_1001 = vector.broadcast %jit3A_999 : f32 to vector<2048x64xf32>
    %select_n3A_1002 = arith.select %lt3A_997, %broadcast_in_dim3A_1000, %broadcast_in_dim3A_1001 : vector<2048x64xi1>, vector<2048x64xf32>
    %swap3A_1003 = arith.constant 0 : index
    %swap3A_1004 = arith.constant 0 : index
    %swap3A_1005 = vector.load %arg10[%swap3A_1003, %swap3A_1004] : memref<2048x64xf32, #tpu.memory_space<vmem>>, vector<2048x64xf32>
    tpu.vector_store %arg10[%swap3A_1003, %swap3A_1004], %select_n3A_1002 {strides = array<i32>} : memref<2048x64xf32, #tpu.memory_space<vmem>>, vector<2048x64xf32>,
    return
  }
}

module attributes {stable_mosaic.version = 14 : i64} {
  func.func @_expert_kernel(%arg0: i32, %arg1: memref<32x64xi32, #tpu.memory_space<smem>>, %arg2: memref<32x64xf32, #tpu.memory_space<smem>>, %arg3: memref<128x768xf32, #tpu.memory_space<vmem>>, %arg4: memref<4x768x768xf32, #tpu.memory_space<vmem>>, %arg5: memref<4x1x768xf32, #tpu.memory_space<vmem>>, %arg6: memref<2048x768xf32, #tpu.memory_space<vmem>>) attributes {dimension_semantics = [#tpu.dimension_semantics<arbitrary>], iteration_bounds = array<i64: 16>, scalar_prefetch = 2 : i64, scratch_operands = 0 : i64, tpu.core_type = #tpu.core_type<tc>, window_params = [{transform_indices = @transform_0, window_bounds = array<i64: 128, 768>}, {transform_indices = @transform_1, window_bounds = array<i64: 4, 768, 768>}, {transform_indices = @transform_2, window_bounds = array<i64: 4, 1, 768>}, {pipeline_mode = #tpu.pipeline_mode<synchronous>, transform_indices = @transform_3, window_bounds = array<i64: 2048, 768>}]} {
    %eq3A = arith.constant 0 : i32
    %eq3A_0 = arith.cmpi eq, %arg0, %eq3A : i32
    %convert_element_type3A = arith.extui %eq3A_0 : i1 to i32
    %cond3A = arith.constant 0 : i32
    %cond3A_1 = arith.cmpi ne, %convert_element_type3A, %cond3A : i32
    scf.if %cond3A_1 {
      %broadcast_in_dim3A = arith.constant 0.000000e+00 : f32
      %broadcast_in_dim3A_2128 = vector.broadcast %broadcast_in_dim3A : f32 to vector<2048x768xf32>
      %swap3A_2129 = arith.constant 0 : index
      %swap3A_2130 = arith.constant 0 : index
      %swap3A_2131 = vector.load %arg6[%swap3A_2129, %swap3A_2130] : memref<2048x768xf32, #tpu.memory_space<vmem>>, vector<2048x768xf32>
      tpu.vector_store %arg6[%swap3A_2129, %swap3A_2130], %broadcast_in_dim3A_2128 {strides = array<i32>} : memref<2048x768xf32, #tpu.memory_space<vmem>>, vector<2048x768xf32>,
    } else {
    }
    %mul3A = arith.constant 4 : i32
    %mul3A_2 = arith.muli %arg0, %mul3A : i32
    %add3A = arith.constant 0 : i32
    %add3A_3 = arith.addi %mul3A_2, %add3A : i32
    %get3A = arith.constant 0 : index
    %get3A_4 = arith.constant 0 : index
    %get3A_5 = vector.load %arg3[%get3A, %get3A_4] : memref<128x768xf32, #tpu.memory_space<vmem>>, vector<32x768xf32>
    %get3A_6 = arith.constant 0 : index
    %get3A_7 = arith.constant 0 : index
    %get3A_8 = arith.constant 0 : index
    %get3A_9 = vector.load %arg4[%get3A_6, %get3A_7, %get3A_8] : memref<4x768x768xf32, #tpu.memory_space<vmem>>, vector<1x768x768xf32>
    %get3A_10 = vector.shape_cast %get3A_9 : vector<1x768x768xf32> to vector<768x768xf32>
    %dot_general3A = arith.constant dense<0.000000e+00> : vector<32x768xf32>
    %dot_general3A_11 = tpu.matmul %get3A_5, %get3A_10, %dot_general3A {dimension_numbers = #tpu.dot_dimension_numbers<[1], [0], [0], [1], [0, 0, 1, 1], [], []>, transpose_lhs_hint = false} : vector<32x768xf32>, vector<768x768xf32>, vector<32x768xf32> -> vector<32x768xf32>
    %get3A_12 = arith.constant 0 : index
    %get3A_13 = arith.constant 0 : index
    %get3A_14 = arith.constant 0 : index
    %get3A_15 = vector.load %arg5[%get3A_12, %get3A_13, %get3A_14] : memref<4x1x768xf32, #tpu.memory_space<vmem>>, vector<1x1x768xf32>
    %get3A_16 = vector.shape_cast %get3A_15 : vector<1x1x768xf32> to vector<1x768xf32>
    %add3A_17 = vector.broadcast %get3A_16 : vector<1x768xf32> to vector<32x768xf32>
    %add3A_18 = arith.addf %dot_general3A_11, %add3A_17 : vector<32x768xf32>
    %get3A_19 = arith.constant 0 : index
    %get3A_20 = arith.index_cast %add3A_3 : i32 to index
    %get3A_21 = memref.load %arg1[%get3A_19, %get3A_20] : memref<32x64xi32, #tpu.memory_space<smem>>
    %get3A_22 = arith.constant 0 : index
    %get3A_23 = arith.index_cast %add3A_3 : i32 to index
    %get3A_24 = memref.load %arg2[%get3A_22, %get3A_23] : memref<32x64xf32, #tpu.memory_space<smem>>
    %get3A_25 = arith.index_cast %get3A_21 : i32 to index
    %get3A_26 = arith.constant 0 : index
    %get3A_27 = vector.load %arg6[%get3A_25, %get3A_26] : memref<2048x768xf32, #tpu.memory_space<vmem>>, vector<1x768xf32>
    %slice3A = vector.extract_strided_slice %add3A_18 {offsets = [0, 0], sizes = [1, 768], strides = [1, 1]} : vector<32x768xf32> to vector<1x768xf32>
    %mul3A_28 = vector.broadcast %get3A_24 : f32 to vector<1x768xf32>
    %mul3A_29 = arith.mulf %slice3A, %mul3A_28 : vector<1x768xf32>
    %add3A_30 = arith.addf %get3A_27, %mul3A_29 : vector<1x768xf32>
    %swap3A = arith.index_cast %get3A_21 : i32 to index
    %swap3A_31 = arith.constant 0 : index
    %swap3A_32 = vector.load %arg6[%swap3A, %swap3A_31] : memref<2048x768xf32, #tpu.memory_space<vmem>>, vector<1x768xf32>
    tpu.vector_store %arg6[%swap3A, %swap3A_31], %add3A_30 {strides = array<i32>} : memref<2048x768xf32, #tpu.memory_space<vmem>>, vector<1x768xf32>,
    %get3A_33 = arith.constant 1 : index
    %get3A_34 = arith.index_cast %add3A_3 : i32 to index
    %get3A_35 = memref.load %arg1[%get3A_33, %get3A_34] : memref<32x64xi32, #tpu.memory_space<smem>>
    %get3A_36 = arith.constant 1 : index
    %get3A_37 = arith.index_cast %add3A_3 : i32 to index
    %get3A_38 = memref.load %arg2[%get3A_36, %get3A_37] : memref<32x64xf32, #tpu.memory_space<smem>>
    %get3A_39 = arith.index_cast %get3A_35 : i32 to index
    %get3A_40 = arith.constant 0 : index
    %get3A_41 = vector.load %arg6[%get3A_39, %get3A_40] : memref<2048x768xf32, #tpu.memory_space<vmem>>, vector<1x768xf32>
    %slice3A_42 = vector.extract_strided_slice %add3A_18 {offsets = [1, 0], sizes = [1, 768], strides = [1, 1]} : vector<32x768xf32> to vector<1x768xf32>
    %mul3A_43 = vector.broadcast %get3A_38 : f32 to vector<1x768xf32>
    %mul3A_44 = arith.mulf %slice3A_42, %mul3A_43 : vector<1x768xf32>
    %add3A_45 = arith.addf %get3A_41, %mul3A_44 : vector<1x768xf32>
    %swap3A_46 = arith.index_cast %get3A_35 : i32 to index
    %swap3A_47 = arith.constant 0 : index
    %swap3A_48 = vector.load %arg6[%swap3A_46, %swap3A_47] : memref<2048x768xf32, #tpu.memory_space<vmem>>, vector<1x768xf32>
    tpu.vector_store %arg6[%swap3A_46, %swap3A_47], %add3A_45 {strides = array<i32>} : memref<2048x768xf32, #tpu.memory_space<vmem>>, vector<1x768xf32>,
    %get3A_49 = arith.constant 2 : index
    %get3A_50 = arith.index_cast %add3A_3 : i32 to index
    %get3A_51 = memref.load %arg1[%get3A_49, %get3A_50] : memref<32x64xi32, #tpu.memory_space<smem>>
    %get3A_52 = arith.constant 2 : index
    %get3A_53 = arith.index_cast %add3A_3 : i32 to index
    %get3A_54 = memref.load %arg2[%get3A_52, %get3A_53] : memref<32x64xf32, #tpu.memory_space<smem>>
    %get3A_55 = arith.index_cast %get3A_51 : i32 to index
    %get3A_56 = arith.constant 0 : index
    %get3A_57 = vector.load %arg6[%get3A_55, %get3A_56] : memref<2048x768xf32, #tpu.memory_space<vmem>>, vector<1x768xf32>
    %slice3A_58 = vector.extract_strided_slice %add3A_18 {offsets = [2, 0], sizes = [1, 768], strides = [1, 1]} : vector<32x768xf32> to vector<1x768xf32>
    %mul3A_59 = vector.broadcast %get3A_54 : f32 to vector<1x768xf32>
    %mul3A_60 = arith.mulf %slice3A_58, %mul3A_59 : vector<1x768xf32>
    %add3A_61 = arith.addf %get3A_57, %mul3A_60 : vector<1x768xf32>
    %swap3A_62 = arith.index_cast %get3A_51 : i32 to index
    %swap3A_63 = arith.constant 0 : index
    %swap3A_64 = vector.load %arg6[%swap3A_62, %swap3A_63] : memref<2048x768xf32, #tpu.memory_space<vmem>>, vector<1x768xf32>
    tpu.vector_store %arg6[%swap3A_62, %swap3A_63], %add3A_61 {strides = array<i32>} : memref<2048x768xf32, #tpu.memory_space<vmem>>, vector<1x768xf32>,
    %get3A_65 = arith.constant 3 : index
    %get3A_66 = arith.index_cast %add3A_3 : i32 to index
    %get3A_67 = memref.load %arg1[%get3A_65, %get3A_66] : memref<32x64xi32, #tpu.memory_space<smem>>
    %get3A_68 = arith.constant 3 : index
    %get3A_69 = arith.index_cast %add3A_3 : i32 to index
    %get3A_70 = memref.load %arg2[%get3A_68, %get3A_69] : memref<32x64xf32, #tpu.memory_space<smem>>
    %get3A_71 = arith.index_cast %get3A_67 : i32 to index
    %get3A_72 = arith.constant 0 : index
    %get3A_73 = vector.load %arg6[%get3A_71, %get3A_72] : memref<2048x768xf32, #tpu.memory_space<vmem>>, vector<1x768xf32>
    %slice3A_74 = vector.extract_strided_slice %add3A_18 {offsets = [3, 0], sizes = [1, 768], strides = [1, 1]} : vector<32x768xf32> to vector<1x768xf32>
    %mul3A_75 = vector.broadcast %get3A_70 : f32 to vector<1x768xf32>
    %mul3A_76 = arith.mulf %slice3A_74, %mul3A_75 : vector<1x768xf32>
    %add3A_77 = arith.addf %get3A_73, %mul3A_76 : vector<1x768xf32>
    %swap3A_78 = arith.index_cast %get3A_67 : i32 to index
    %swap3A_79 = arith.constant 0 : index
    %swap3A_80 = vector.load %arg6[%swap3A_78, %swap3A_79] : memref<2048x768xf32, #tpu.memory_space<vmem>>, vector<1x768xf32>
    tpu.vector_store %arg6[%swap3A_78, %swap3A_79], %add3A_77 {strides = array<i32>} : memref<2048x768xf32, #tpu.memory_space<vmem>>, vector<1x768xf32>,
    %get3A_81 = arith.constant 4 : index
    %get3A_82 = arith.index_cast %add3A_3 : i32 to index
    %get3A_83 = memref.load %arg1[%get3A_81, %get3A_82] : memref<32x64xi32, #tpu.memory_space<smem>>
    %get3A_84 = arith.constant 4 : index
    %get3A_85 = arith.index_cast %add3A_3 : i32 to index
    %get3A_86 = memref.load %arg2[%get3A_84, %get3A_85] : memref<32x64xf32, #tpu.memory_space<smem>>
    %get3A_87 = arith.index_cast %get3A_83 : i32 to index
    %get3A_88 = arith.constant 0 : index
    %get3A_89 = vector.load %arg6[%get3A_87, %get3A_88] : memref<2048x768xf32, #tpu.memory_space<vmem>>, vector<1x768xf32>
    %slice3A_90 = vector.extract_strided_slice %add3A_18 {offsets = [4, 0], sizes = [1, 768], strides = [1, 1]} : vector<32x768xf32> to vector<1x768xf32>
    %mul3A_91 = vector.broadcast %get3A_86 : f32 to vector<1x768xf32>
    %mul3A_92 = arith.mulf %slice3A_90, %mul3A_91 : vector<1x768xf32>
    %add3A_93 = arith.addf %get3A_89, %mul3A_92 : vector<1x768xf32>
    %swap3A_94 = arith.index_cast %get3A_83 : i32 to index
    %swap3A_95 = arith.constant 0 : index
    %swap3A_96 = vector.load %arg6[%swap3A_94, %swap3A_95] : memref<2048x768xf32, #tpu.memory_space<vmem>>, vector<1x768xf32>
    tpu.vector_store %arg6[%swap3A_94, %swap3A_95], %add3A_93 {strides = array<i32>} : memref<2048x768xf32, #tpu.memory_space<vmem>>, vector<1x768xf32>,
    %get3A_97 = arith.constant 5 : index
    %get3A_98 = arith.index_cast %add3A_3 : i32 to index
    %get3A_99 = memref.load %arg1[%get3A_97, %get3A_98] : memref<32x64xi32, #tpu.memory_space<smem>>
    %get3A_100 = arith.constant 5 : index
    %get3A_101 = arith.index_cast %add3A_3 : i32 to index
    %get3A_102 = memref.load %arg2[%get3A_100, %get3A_101] : memref<32x64xf32, #tpu.memory_space<smem>>
    %get3A_103 = arith.index_cast %get3A_99 : i32 to index
    %get3A_104 = arith.constant 0 : index
    %get3A_105 = vector.load %arg6[%get3A_103, %get3A_104] : memref<2048x768xf32, #tpu.memory_space<vmem>>, vector<1x768xf32>
    %slice3A_106 = vector.extract_strided_slice %add3A_18 {offsets = [5, 0], sizes = [1, 768], strides = [1, 1]} : vector<32x768xf32> to vector<1x768xf32>
    %mul3A_107 = vector.broadcast %get3A_102 : f32 to vector<1x768xf32>
    %mul3A_108 = arith.mulf %slice3A_106, %mul3A_107 : vector<1x768xf32>
    %add3A_109 = arith.addf %get3A_105, %mul3A_108 : vector<1x768xf32>
    %swap3A_110 = arith.index_cast %get3A_99 : i32 to index
    %swap3A_111 = arith.constant 0 : index
    %swap3A_112 = vector.load %arg6[%swap3A_110, %swap3A_111] : memref<2048x768xf32, #tpu.memory_space<vmem>>, vector<1x768xf32>
    tpu.vector_store %arg6[%swap3A_110, %swap3A_111], %add3A_109 {strides = array<i32>} : memref<2048x768xf32, #tpu.memory_space<vmem>>, vector<1x768xf32>,
    %get3A_113 = arith.constant 6 : index
    %get3A_114 = arith.index_cast %add3A_3 : i32 to index
    %get3A_115 = memref.load %arg1[%get3A_113, %get3A_114] : memref<32x64xi32, #tpu.memory_space<smem>>
    %get3A_116 = arith.constant 6 : index
    %get3A_117 = arith.index_cast %add3A_3 : i32 to index
    %get3A_118 = memref.load %arg2[%get3A_116, %get3A_117] : memref<32x64xf32, #tpu.memory_space<smem>>
    %get3A_119 = arith.index_cast %get3A_115 : i32 to index
    %get3A_120 = arith.constant 0 : index
    %get3A_121 = vector.load %arg6[%get3A_119, %get3A_120] : memref<2048x768xf32, #tpu.memory_space<vmem>>, vector<1x768xf32>
    %slice3A_122 = vector.extract_strided_slice %add3A_18 {offsets = [6, 0], sizes = [1, 768], strides = [1, 1]} : vector<32x768xf32> to vector<1x768xf32>
    %mul3A_123 = vector.broadcast %get3A_118 : f32 to vector<1x768xf32>
    %mul3A_124 = arith.mulf %slice3A_122, %mul3A_123 : vector<1x768xf32>
    %add3A_125 = arith.addf %get3A_121, %mul3A_124 : vector<1x768xf32>
    %swap3A_126 = arith.index_cast %get3A_115 : i32 to index
    %swap3A_127 = arith.constant 0 : index
    %swap3A_128 = vector.load %arg6[%swap3A_126, %swap3A_127] : memref<2048x768xf32, #tpu.memory_space<vmem>>, vector<1x768xf32>
    tpu.vector_store %arg6[%swap3A_126, %swap3A_127], %add3A_125 {strides = array<i32>} : memref<2048x768xf32, #tpu.memory_space<vmem>>, vector<1x768xf32>,
    %get3A_129 = arith.constant 7 : index
    %get3A_130 = arith.index_cast %add3A_3 : i32 to index
    %get3A_131 = memref.load %arg1[%get3A_129, %get3A_130] : memref<32x64xi32, #tpu.memory_space<smem>>
    %get3A_132 = arith.constant 7 : index
    %get3A_133 = arith.index_cast %add3A_3 : i32 to index
    %get3A_134 = memref.load %arg2[%get3A_132, %get3A_133] : memref<32x64xf32, #tpu.memory_space<smem>>
    %get3A_135 = arith.index_cast %get3A_131 : i32 to index
    %get3A_136 = arith.constant 0 : index
    %get3A_137 = vector.load %arg6[%get3A_135, %get3A_136] : memref<2048x768xf32, #tpu.memory_space<vmem>>, vector<1x768xf32>
    %slice3A_138 = vector.extract_strided_slice %add3A_18 {offsets = [7, 0], sizes = [1, 768], strides = [1, 1]} : vector<32x768xf32> to vector<1x768xf32>
    %mul3A_139 = vector.broadcast %get3A_134 : f32 to vector<1x768xf32>
    %mul3A_140 = arith.mulf %slice3A_138, %mul3A_139 : vector<1x768xf32>
    %add3A_141 = arith.addf %get3A_137, %mul3A_140 : vector<1x768xf32>
    %swap3A_142 = arith.index_cast %get3A_131 : i32 to index
    %swap3A_143 = arith.constant 0 : index
    %swap3A_144 = vector.load %arg6[%swap3A_142, %swap3A_143] : memref<2048x768xf32, #tpu.memory_space<vmem>>, vector<1x768xf32>
    tpu.vector_store %arg6[%swap3A_142, %swap3A_143], %add3A_141 {strides = array<i32>} : memref<2048x768xf32, #tpu.memory_space<vmem>>, vector<1x768xf32>,
    %get3A_145 = arith.constant 8 : index
    %get3A_146 = arith.index_cast %add3A_3 : i32 to index
    %get3A_147 = memref.load %arg1[%get3A_145, %get3A_146] : memref<32x64xi32, #tpu.memory_space<smem>>
    %get3A_148 = arith.constant 8 : index
    %get3A_149 = arith.index_cast %add3A_3 : i32 to index
    %get3A_150 = memref.load %arg2[%get3A_148, %get3A_149] : memref<32x64xf32, #tpu.memory_space<smem>>
    %get3A_151 = arith.index_cast %get3A_147 : i32 to index
    %get3A_152 = arith.constant 0 : index
    %get3A_153 = vector.load %arg6[%get3A_151, %get3A_152] : memref<2048x768xf32, #tpu.memory_space<vmem>>, vector<1x768xf32>
    %slice3A_154 = vector.extract_strided_slice %add3A_18 {offsets = [8, 0], sizes = [1, 768], strides = [1, 1]} : vector<32x768xf32> to vector<1x768xf32>
    %mul3A_155 = vector.broadcast %get3A_150 : f32 to vector<1x768xf32>
    %mul3A_156 = arith.mulf %slice3A_154, %mul3A_155 : vector<1x768xf32>
    %add3A_157 = arith.addf %get3A_153, %mul3A_156 : vector<1x768xf32>
    %swap3A_158 = arith.index_cast %get3A_147 : i32 to index
    %swap3A_159 = arith.constant 0 : index
    %swap3A_160 = vector.load %arg6[%swap3A_158, %swap3A_159] : memref<2048x768xf32, #tpu.memory_space<vmem>>, vector<1x768xf32>
    tpu.vector_store %arg6[%swap3A_158, %swap3A_159], %add3A_157 {strides = array<i32>} : memref<2048x768xf32, #tpu.memory_space<vmem>>, vector<1x768xf32>,
    %get3A_161 = arith.constant 9 : index
    %get3A_162 = arith.index_cast %add3A_3 : i32 to index
    %get3A_163 = memref.load %arg1[%get3A_161, %get3A_162] : memref<32x64xi32, #tpu.memory_space<smem>>
    %get3A_164 = arith.constant 9 : index
    %get3A_165 = arith.index_cast %add3A_3 : i32 to index
    %get3A_166 = memref.load %arg2[%get3A_164, %get3A_165] : memref<32x64xf32, #tpu.memory_space<smem>>
    %get3A_167 = arith.index_cast %get3A_163 : i32 to index
    %get3A_168 = arith.constant 0 : index
    %get3A_169 = vector.load %arg6[%get3A_167, %get3A_168] : memref<2048x768xf32, #tpu.memory_space<vmem>>, vector<1x768xf32>
    %slice3A_170 = vector.extract_strided_slice %add3A_18 {offsets = [9, 0], sizes = [1, 768], strides = [1, 1]} : vector<32x768xf32> to vector<1x768xf32>
    %mul3A_171 = vector.broadcast %get3A_166 : f32 to vector<1x768xf32>
    %mul3A_172 = arith.mulf %slice3A_170, %mul3A_171 : vector<1x768xf32>
    %add3A_173 = arith.addf %get3A_169, %mul3A_172 : vector<1x768xf32>
    %swap3A_174 = arith.index_cast %get3A_163 : i32 to index
    %swap3A_175 = arith.constant 0 : index
    %swap3A_176 = vector.load %arg6[%swap3A_174, %swap3A_175] : memref<2048x768xf32, #tpu.memory_space<vmem>>, vector<1x768xf32>
    tpu.vector_store %arg6[%swap3A_174, %swap3A_175], %add3A_173 {strides = array<i32>} : memref<2048x768xf32, #tpu.memory_space<vmem>>, vector<1x768xf32>,
    %get3A_177 = arith.constant 10 : index
    %get3A_178 = arith.index_cast %add3A_3 : i32 to index
    %get3A_179 = memref.load %arg1[%get3A_177, %get3A_178] : memref<32x64xi32, #tpu.memory_space<smem>>
    %get3A_180 = arith.constant 10 : index
    %get3A_181 = arith.index_cast %add3A_3 : i32 to index
    %get3A_182 = memref.load %arg2[%get3A_180, %get3A_181] : memref<32x64xf32, #tpu.memory_space<smem>>
    %get3A_183 = arith.index_cast %get3A_179 : i32 to index
    %get3A_184 = arith.constant 0 : index
    %get3A_185 = vector.load %arg6[%get3A_183, %get3A_184] : memref<2048x768xf32, #tpu.memory_space<vmem>>, vector<1x768xf32>
    %slice3A_186 = vector.extract_strided_slice %add3A_18 {offsets = [10, 0], sizes = [1, 768], strides = [1, 1]} : vector<32x768xf32> to vector<1x768xf32>
    %mul3A_187 = vector.broadcast %get3A_182 : f32 to vector<1x768xf32>
    %mul3A_188 = arith.mulf %slice3A_186, %mul3A_187 : vector<1x768xf32>
    %add3A_189 = arith.addf %get3A_185, %mul3A_188 : vector<1x768xf32>
    %swap3A_190 = arith.index_cast %get3A_179 : i32 to index
    %swap3A_191 = arith.constant 0 : index
    %swap3A_192 = vector.load %arg6[%swap3A_190, %swap3A_191] : memref<2048x768xf32, #tpu.memory_space<vmem>>, vector<1x768xf32>
    tpu.vector_store %arg6[%swap3A_190, %swap3A_191], %add3A_189 {strides = array<i32>} : memref<2048x768xf32, #tpu.memory_space<vmem>>, vector<1x768xf32>,
    %get3A_193 = arith.constant 11 : index
    %get3A_194 = arith.index_cast %add3A_3 : i32 to index
    %get3A_195 = memref.load %arg1[%get3A_193, %get3A_194] : memref<32x64xi32, #tpu.memory_space<smem>>
    %get3A_196 = arith.constant 11 : index
    %get3A_197 = arith.index_cast %add3A_3 : i32 to index
    %get3A_198 = memref.load %arg2[%get3A_196, %get3A_197] : memref<32x64xf32, #tpu.memory_space<smem>>
    %get3A_199 = arith.index_cast %get3A_195 : i32 to index
    %get3A_200 = arith.constant 0 : index
    %get3A_201 = vector.load %arg6[%get3A_199, %get3A_200] : memref<2048x768xf32, #tpu.memory_space<vmem>>, vector<1x768xf32>
    %slice3A_202 = vector.extract_strided_slice %add3A_18 {offsets = [11, 0], sizes = [1, 768], strides = [1, 1]} : vector<32x768xf32> to vector<1x768xf32>
    %mul3A_203 = vector.broadcast %get3A_198 : f32 to vector<1x768xf32>
    %mul3A_204 = arith.mulf %slice3A_202, %mul3A_203 : vector<1x768xf32>
    %add3A_205 = arith.addf %get3A_201, %mul3A_204 : vector<1x768xf32>
    %swap3A_206 = arith.index_cast %get3A_195 : i32 to index
    %swap3A_207 = arith.constant 0 : index
    %swap3A_208 = vector.load %arg6[%swap3A_206, %swap3A_207] : memref<2048x768xf32, #tpu.memory_space<vmem>>, vector<1x768xf32>
    tpu.vector_store %arg6[%swap3A_206, %swap3A_207], %add3A_205 {strides = array<i32>} : memref<2048x768xf32, #tpu.memory_space<vmem>>, vector<1x768xf32>,
    %get3A_209 = arith.constant 12 : index
    %get3A_210 = arith.index_cast %add3A_3 : i32 to index
    %get3A_211 = memref.load %arg1[%get3A_209, %get3A_210] : memref<32x64xi32, #tpu.memory_space<smem>>
    %get3A_212 = arith.constant 12 : index
    %get3A_213 = arith.index_cast %add3A_3 : i32 to index
    %get3A_214 = memref.load %arg2[%get3A_212, %get3A_213] : memref<32x64xf32, #tpu.memory_space<smem>>
    %get3A_215 = arith.index_cast %get3A_211 : i32 to index
    %get3A_216 = arith.constant 0 : index
    %get3A_217 = vector.load %arg6[%get3A_215, %get3A_216] : memref<2048x768xf32, #tpu.memory_space<vmem>>, vector<1x768xf32>
    %slice3A_218 = vector.extract_strided_slice %add3A_18 {offsets = [12, 0], sizes = [1, 768], strides = [1, 1]} : vector<32x768xf32> to vector<1x768xf32>
    %mul3A_219 = vector.broadcast %get3A_214 : f32 to vector<1x768xf32>
    %mul3A_220 = arith.mulf %slice3A_218, %mul3A_219 : vector<1x768xf32>
    %add3A_221 = arith.addf %get3A_217, %mul3A_220 : vector<1x768xf32>
    %swap3A_222 = arith.index_cast %get3A_211 : i32 to index
    %swap3A_223 = arith.constant 0 : index
    %swap3A_224 = vector.load %arg6[%swap3A_222, %swap3A_223] : memref<2048x768xf32, #tpu.memory_space<vmem>>, vector<1x768xf32>
    tpu.vector_store %arg6[%swap3A_222, %swap3A_223], %add3A_221 {strides = array<i32>} : memref<2048x768xf32, #tpu.memory_space<vmem>>, vector<1x768xf32>,
    %get3A_225 = arith.constant 13 : index
    %get3A_226 = arith.index_cast %add3A_3 : i32 to index
    %get3A_227 = memref.load %arg1[%get3A_225, %get3A_226] : memref<32x64xi32, #tpu.memory_space<smem>>
    %get3A_228 = arith.constant 13 : index
    %get3A_229 = arith.index_cast %add3A_3 : i32 to index
    %get3A_230 = memref.load %arg2[%get3A_228, %get3A_229] : memref<32x64xf32, #tpu.memory_space<smem>>
    %get3A_231 = arith.index_cast %get3A_227 : i32 to index
    %get3A_232 = arith.constant 0 : index
    %get3A_233 = vector.load %arg6[%get3A_231, %get3A_232] : memref<2048x768xf32, #tpu.memory_space<vmem>>, vector<1x768xf32>
    %slice3A_234 = vector.extract_strided_slice %add3A_18 {offsets = [13, 0], sizes = [1, 768], strides = [1, 1]} : vector<32x768xf32> to vector<1x768xf32>
    %mul3A_235 = vector.broadcast %get3A_230 : f32 to vector<1x768xf32>
    %mul3A_236 = arith.mulf %slice3A_234, %mul3A_235 : vector<1x768xf32>
    %add3A_237 = arith.addf %get3A_233, %mul3A_236 : vector<1x768xf32>
    %swap3A_238 = arith.index_cast %get3A_227 : i32 to index
    %swap3A_239 = arith.constant 0 : index
    %swap3A_240 = vector.load %arg6[%swap3A_238, %swap3A_239] : memref<2048x768xf32, #tpu.memory_space<vmem>>, vector<1x768xf32>
    tpu.vector_store %arg6[%swap3A_238, %swap3A_239], %add3A_237 {strides = array<i32>} : memref<2048x768xf32, #tpu.memory_space<vmem>>, vector<1x768xf32>,
    %get3A_241 = arith.constant 14 : index
    %get3A_242 = arith.index_cast %add3A_3 : i32 to index
    %get3A_243 = memref.load %arg1[%get3A_241, %get3A_242] : memref<32x64xi32, #tpu.memory_space<smem>>
    %get3A_244 = arith.constant 14 : index
    %get3A_245 = arith.index_cast %add3A_3 : i32 to index
    %get3A_246 = memref.load %arg2[%get3A_244, %get3A_245] : memref<32x64xf32, #tpu.memory_space<smem>>
    %get3A_247 = arith.index_cast %get3A_243 : i32 to index
    %get3A_248 = arith.constant 0 : index
    %get3A_249 = vector.load %arg6[%get3A_247, %get3A_248] : memref<2048x768xf32, #tpu.memory_space<vmem>>, vector<1x768xf32>
    %slice3A_250 = vector.extract_strided_slice %add3A_18 {offsets = [14, 0], sizes = [1, 768], strides = [1, 1]} : vector<32x768xf32> to vector<1x768xf32>
    %mul3A_251 = vector.broadcast %get3A_246 : f32 to vector<1x768xf32>
    %mul3A_252 = arith.mulf %slice3A_250, %mul3A_251 : vector<1x768xf32>
    %add3A_253 = arith.addf %get3A_249, %mul3A_252 : vector<1x768xf32>
    %swap3A_254 = arith.index_cast %get3A_243 : i32 to index
    %swap3A_255 = arith.constant 0 : index
    %swap3A_256 = vector.load %arg6[%swap3A_254, %swap3A_255] : memref<2048x768xf32, #tpu.memory_space<vmem>>, vector<1x768xf32>
    tpu.vector_store %arg6[%swap3A_254, %swap3A_255], %add3A_253 {strides = array<i32>} : memref<2048x768xf32, #tpu.memory_space<vmem>>, vector<1x768xf32>,
    %get3A_257 = arith.constant 15 : index
    %get3A_258 = arith.index_cast %add3A_3 : i32 to index
    %get3A_259 = memref.load %arg1[%get3A_257, %get3A_258] : memref<32x64xi32, #tpu.memory_space<smem>>
    %get3A_260 = arith.constant 15 : index
    %get3A_261 = arith.index_cast %add3A_3 : i32 to index
    %get3A_262 = memref.load %arg2[%get3A_260, %get3A_261] : memref<32x64xf32, #tpu.memory_space<smem>>
    %get3A_263 = arith.index_cast %get3A_259 : i32 to index
    %get3A_264 = arith.constant 0 : index
    %get3A_265 = vector.load %arg6[%get3A_263, %get3A_264] : memref<2048x768xf32, #tpu.memory_space<vmem>>, vector<1x768xf32>
    %slice3A_266 = vector.extract_strided_slice %add3A_18 {offsets = [15, 0], sizes = [1, 768], strides = [1, 1]} : vector<32x768xf32> to vector<1x768xf32>
    %mul3A_267 = vector.broadcast %get3A_262 : f32 to vector<1x768xf32>
    %mul3A_268 = arith.mulf %slice3A_266, %mul3A_267 : vector<1x768xf32>
    %add3A_269 = arith.addf %get3A_265, %mul3A_268 : vector<1x768xf32>
    %swap3A_270 = arith.index_cast %get3A_259 : i32 to index
    %swap3A_271 = arith.constant 0 : index
    %swap3A_272 = vector.load %arg6[%swap3A_270, %swap3A_271] : memref<2048x768xf32, #tpu.memory_space<vmem>>, vector<1x768xf32>
    tpu.vector_store %arg6[%swap3A_270, %swap3A_271], %add3A_269 {strides = array<i32>} : memref<2048x768xf32, #tpu.memory_space<vmem>>, vector<1x768xf32>,
    %get3A_273 = arith.constant 16 : index
    %get3A_274 = arith.index_cast %add3A_3 : i32 to index
    %get3A_275 = memref.load %arg1[%get3A_273, %get3A_274] : memref<32x64xi32, #tpu.memory_space<smem>>
    %get3A_276 = arith.constant 16 : index
    %get3A_277 = arith.index_cast %add3A_3 : i32 to index
    %get3A_278 = memref.load %arg2[%get3A_276, %get3A_277] : memref<32x64xf32, #tpu.memory_space<smem>>
    %get3A_279 = arith.index_cast %get3A_275 : i32 to index
    %get3A_280 = arith.constant 0 : index
    %get3A_281 = vector.load %arg6[%get3A_279, %get3A_280] : memref<2048x768xf32, #tpu.memory_space<vmem>>, vector<1x768xf32>
    %slice3A_282 = vector.extract_strided_slice %add3A_18 {offsets = [16, 0], sizes = [1, 768], strides = [1, 1]} : vector<32x768xf32> to vector<1x768xf32>
    %mul3A_283 = vector.broadcast %get3A_278 : f32 to vector<1x768xf32>
    %mul3A_284 = arith.mulf %slice3A_282, %mul3A_283 : vector<1x768xf32>
    %add3A_285 = arith.addf %get3A_281, %mul3A_284 : vector<1x768xf32>
    %swap3A_286 = arith.index_cast %get3A_275 : i32 to index
    %swap3A_287 = arith.constant 0 : index
    %swap3A_288 = vector.load %arg6[%swap3A_286, %swap3A_287] : memref<2048x768xf32, #tpu.memory_space<vmem>>, vector<1x768xf32>
    tpu.vector_store %arg6[%swap3A_286, %swap3A_287], %add3A_285 {strides = array<i32>} : memref<2048x768xf32, #tpu.memory_space<vmem>>, vector<1x768xf32>,
    %get3A_289 = arith.constant 17 : index
    %get3A_290 = arith.index_cast %add3A_3 : i32 to index
    %get3A_291 = memref.load %arg1[%get3A_289, %get3A_290] : memref<32x64xi32, #tpu.memory_space<smem>>
    %get3A_292 = arith.constant 17 : index
    %get3A_293 = arith.index_cast %add3A_3 : i32 to index
    %get3A_294 = memref.load %arg2[%get3A_292, %get3A_293] : memref<32x64xf32, #tpu.memory_space<smem>>
    %get3A_295 = arith.index_cast %get3A_291 : i32 to index
    %get3A_296 = arith.constant 0 : index
    %get3A_297 = vector.load %arg6[%get3A_295, %get3A_296] : memref<2048x768xf32, #tpu.memory_space<vmem>>, vector<1x768xf32>
    %slice3A_298 = vector.extract_strided_slice %add3A_18 {offsets = [17, 0], sizes = [1, 768], strides = [1, 1]} : vector<32x768xf32> to vector<1x768xf32>
    %mul3A_299 = vector.broadcast %get3A_294 : f32 to vector<1x768xf32>
    %mul3A_300 = arith.mulf %slice3A_298, %mul3A_299 : vector<1x768xf32>
    %add3A_301 = arith.addf %get3A_297, %mul3A_300 : vector<1x768xf32>
    %swap3A_302 = arith.index_cast %get3A_291 : i32 to index
    %swap3A_303 = arith.constant 0 : index
    %swap3A_304 = vector.load %arg6[%swap3A_302, %swap3A_303] : memref<2048x768xf32, #tpu.memory_space<vmem>>, vector<1x768xf32>
    tpu.vector_store %arg6[%swap3A_302, %swap3A_303], %add3A_301 {strides = array<i32>} : memref<2048x768xf32, #tpu.memory_space<vmem>>, vector<1x768xf32>,
    %get3A_305 = arith.constant 18 : index
    %get3A_306 = arith.index_cast %add3A_3 : i32 to index
    %get3A_307 = memref.load %arg1[%get3A_305, %get3A_306] : memref<32x64xi32, #tpu.memory_space<smem>>
    %get3A_308 = arith.constant 18 : index
    %get3A_309 = arith.index_cast %add3A_3 : i32 to index
    %get3A_310 = memref.load %arg2[%get3A_308, %get3A_309] : memref<32x64xf32, #tpu.memory_space<smem>>
    %get3A_311 = arith.index_cast %get3A_307 : i32 to index
    %get3A_312 = arith.constant 0 : index
    %get3A_313 = vector.load %arg6[%get3A_311, %get3A_312] : memref<2048x768xf32, #tpu.memory_space<vmem>>, vector<1x768xf32>
    %slice3A_314 = vector.extract_strided_slice %add3A_18 {offsets = [18, 0], sizes = [1, 768], strides = [1, 1]} : vector<32x768xf32> to vector<1x768xf32>
    %mul3A_315 = vector.broadcast %get3A_310 : f32 to vector<1x768xf32>
    %mul3A_316 = arith.mulf %slice3A_314, %mul3A_315 : vector<1x768xf32>
    %add3A_317 = arith.addf %get3A_313, %mul3A_316 : vector<1x768xf32>
    %swap3A_318 = arith.index_cast %get3A_307 : i32 to index
    %swap3A_319 = arith.constant 0 : index
    %swap3A_320 = vector.load %arg6[%swap3A_318, %swap3A_319] : memref<2048x768xf32, #tpu.memory_space<vmem>>, vector<1x768xf32>
    tpu.vector_store %arg6[%swap3A_318, %swap3A_319], %add3A_317 {strides = array<i32>} : memref<2048x768xf32, #tpu.memory_space<vmem>>, vector<1x768xf32>,
    %get3A_321 = arith.constant 19 : index
    %get3A_322 = arith.index_cast %add3A_3 : i32 to index
    %get3A_323 = memref.load %arg1[%get3A_321, %get3A_322] : memref<32x64xi32, #tpu.memory_space<smem>>
    %get3A_324 = arith.constant 19 : index
    %get3A_325 = arith.index_cast %add3A_3 : i32 to index
    %get3A_326 = memref.load %arg2[%get3A_324, %get3A_325] : memref<32x64xf32, #tpu.memory_space<smem>>
    %get3A_327 = arith.index_cast %get3A_323 : i32 to index
    %get3A_328 = arith.constant 0 : index
    %get3A_329 = vector.load %arg6[%get3A_327, %get3A_328] : memref<2048x768xf32, #tpu.memory_space<vmem>>, vector<1x768xf32>
    %slice3A_330 = vector.extract_strided_slice %add3A_18 {offsets = [19, 0], sizes = [1, 768], strides = [1, 1]} : vector<32x768xf32> to vector<1x768xf32>
    %mul3A_331 = vector.broadcast %get3A_326 : f32 to vector<1x768xf32>
    %mul3A_332 = arith.mulf %slice3A_330, %mul3A_331 : vector<1x768xf32>
    %add3A_333 = arith.addf %get3A_329, %mul3A_332 : vector<1x768xf32>
    %swap3A_334 = arith.index_cast %get3A_323 : i32 to index
    %swap3A_335 = arith.constant 0 : index
    %swap3A_336 = vector.load %arg6[%swap3A_334, %swap3A_335] : memref<2048x768xf32, #tpu.memory_space<vmem>>, vector<1x768xf32>
    tpu.vector_store %arg6[%swap3A_334, %swap3A_335], %add3A_333 {strides = array<i32>} : memref<2048x768xf32, #tpu.memory_space<vmem>>, vector<1x768xf32>,
    %get3A_337 = arith.constant 20 : index
    %get3A_338 = arith.index_cast %add3A_3 : i32 to index
    %get3A_339 = memref.load %arg1[%get3A_337, %get3A_338] : memref<32x64xi32, #tpu.memory_space<smem>>
    %get3A_340 = arith.constant 20 : index
    %get3A_341 = arith.index_cast %add3A_3 : i32 to index
    %get3A_342 = memref.load %arg2[%get3A_340, %get3A_341] : memref<32x64xf32, #tpu.memory_space<smem>>
    %get3A_343 = arith.index_cast %get3A_339 : i32 to index
    %get3A_344 = arith.constant 0 : index
    %get3A_345 = vector.load %arg6[%get3A_343, %get3A_344] : memref<2048x768xf32, #tpu.memory_space<vmem>>, vector<1x768xf32>
    %slice3A_346 = vector.extract_strided_slice %add3A_18 {offsets = [20, 0], sizes = [1, 768], strides = [1, 1]} : vector<32x768xf32> to vector<1x768xf32>
    %mul3A_347 = vector.broadcast %get3A_342 : f32 to vector<1x768xf32>
    %mul3A_348 = arith.mulf %slice3A_346, %mul3A_347 : vector<1x768xf32>
    %add3A_349 = arith.addf %get3A_345, %mul3A_348 : vector<1x768xf32>
    %swap3A_350 = arith.index_cast %get3A_339 : i32 to index
    %swap3A_351 = arith.constant 0 : index
    %swap3A_352 = vector.load %arg6[%swap3A_350, %swap3A_351] : memref<2048x768xf32, #tpu.memory_space<vmem>>, vector<1x768xf32>
    tpu.vector_store %arg6[%swap3A_350, %swap3A_351], %add3A_349 {strides = array<i32>} : memref<2048x768xf32, #tpu.memory_space<vmem>>, vector<1x768xf32>,
    %get3A_353 = arith.constant 21 : index
    %get3A_354 = arith.index_cast %add3A_3 : i32 to index
    %get3A_355 = memref.load %arg1[%get3A_353, %get3A_354] : memref<32x64xi32, #tpu.memory_space<smem>>
    %get3A_356 = arith.constant 21 : index
    %get3A_357 = arith.index_cast %add3A_3 : i32 to index
    %get3A_358 = memref.load %arg2[%get3A_356, %get3A_357] : memref<32x64xf32, #tpu.memory_space<smem>>
    %get3A_359 = arith.index_cast %get3A_355 : i32 to index
    %get3A_360 = arith.constant 0 : index
    %get3A_361 = vector.load %arg6[%get3A_359, %get3A_360] : memref<2048x768xf32, #tpu.memory_space<vmem>>, vector<1x768xf32>
    %slice3A_362 = vector.extract_strided_slice %add3A_18 {offsets = [21, 0], sizes = [1, 768], strides = [1, 1]} : vector<32x768xf32> to vector<1x768xf32>
    %mul3A_363 = vector.broadcast %get3A_358 : f32 to vector<1x768xf32>
    %mul3A_364 = arith.mulf %slice3A_362, %mul3A_363 : vector<1x768xf32>
    %add3A_365 = arith.addf %get3A_361, %mul3A_364 : vector<1x768xf32>
    %swap3A_366 = arith.index_cast %get3A_355 : i32 to index
    %swap3A_367 = arith.constant 0 : index
    %swap3A_368 = vector.load %arg6[%swap3A_366, %swap3A_367] : memref<2048x768xf32, #tpu.memory_space<vmem>>, vector<1x768xf32>
    tpu.vector_store %arg6[%swap3A_366, %swap3A_367], %add3A_365 {strides = array<i32>} : memref<2048x768xf32, #tpu.memory_space<vmem>>, vector<1x768xf32>,
    %get3A_369 = arith.constant 22 : index
    %get3A_370 = arith.index_cast %add3A_3 : i32 to index
    %get3A_371 = memref.load %arg1[%get3A_369, %get3A_370] : memref<32x64xi32, #tpu.memory_space<smem>>
    %get3A_372 = arith.constant 22 : index
    %get3A_373 = arith.index_cast %add3A_3 : i32 to index
    %get3A_374 = memref.load %arg2[%get3A_372, %get3A_373] : memref<32x64xf32, #tpu.memory_space<smem>>
    %get3A_375 = arith.index_cast %get3A_371 : i32 to index
    %get3A_376 = arith.constant 0 : index
    %get3A_377 = vector.load %arg6[%get3A_375, %get3A_376] : memref<2048x768xf32, #tpu.memory_space<vmem>>, vector<1x768xf32>
    %slice3A_378 = vector.extract_strided_slice %add3A_18 {offsets = [22, 0], sizes = [1, 768], strides = [1, 1]} : vector<32x768xf32> to vector<1x768xf32>
    %mul3A_379 = vector.broadcast %get3A_374 : f32 to vector<1x768xf32>
    %mul3A_380 = arith.mulf %slice3A_378, %mul3A_379 : vector<1x768xf32>
    %add3A_381 = arith.addf %get3A_377, %mul3A_380 : vector<1x768xf32>
    %swap3A_382 = arith.index_cast %get3A_371 : i32 to index
    %swap3A_383 = arith.constant 0 : index
    %swap3A_384 = vector.load %arg6[%swap3A_382, %swap3A_383] : memref<2048x768xf32, #tpu.memory_space<vmem>>, vector<1x768xf32>
    tpu.vector_store %arg6[%swap3A_382, %swap3A_383], %add3A_381 {strides = array<i32>} : memref<2048x768xf32, #tpu.memory_space<vmem>>, vector<1x768xf32>,
    %get3A_385 = arith.constant 23 : index
    %get3A_386 = arith.index_cast %add3A_3 : i32 to index
    %get3A_387 = memref.load %arg1[%get3A_385, %get3A_386] : memref<32x64xi32, #tpu.memory_space<smem>>
    %get3A_388 = arith.constant 23 : index
    %get3A_389 = arith.index_cast %add3A_3 : i32 to index
    %get3A_390 = memref.load %arg2[%get3A_388, %get3A_389] : memref<32x64xf32, #tpu.memory_space<smem>>
    %get3A_391 = arith.index_cast %get3A_387 : i32 to index
    %get3A_392 = arith.constant 0 : index
    %get3A_393 = vector.load %arg6[%get3A_391, %get3A_392] : memref<2048x768xf32, #tpu.memory_space<vmem>>, vector<1x768xf32>
    %slice3A_394 = vector.extract_strided_slice %add3A_18 {offsets = [23, 0], sizes = [1, 768], strides = [1, 1]} : vector<32x768xf32> to vector<1x768xf32>
    %mul3A_395 = vector.broadcast %get3A_390 : f32 to vector<1x768xf32>
    %mul3A_396 = arith.mulf %slice3A_394, %mul3A_395 : vector<1x768xf32>
    %add3A_397 = arith.addf %get3A_393, %mul3A_396 : vector<1x768xf32>
    %swap3A_398 = arith.index_cast %get3A_387 : i32 to index
    %swap3A_399 = arith.constant 0 : index
    %swap3A_400 = vector.load %arg6[%swap3A_398, %swap3A_399] : memref<2048x768xf32, #tpu.memory_space<vmem>>, vector<1x768xf32>
    tpu.vector_store %arg6[%swap3A_398, %swap3A_399], %add3A_397 {strides = array<i32>} : memref<2048x768xf32, #tpu.memory_space<vmem>>, vector<1x768xf32>,
    %get3A_401 = arith.constant 24 : index
    %get3A_402 = arith.index_cast %add3A_3 : i32 to index
    %get3A_403 = memref.load %arg1[%get3A_401, %get3A_402] : memref<32x64xi32, #tpu.memory_space<smem>>
    %get3A_404 = arith.constant 24 : index
    %get3A_405 = arith.index_cast %add3A_3 : i32 to index
    %get3A_406 = memref.load %arg2[%get3A_404, %get3A_405] : memref<32x64xf32, #tpu.memory_space<smem>>
    %get3A_407 = arith.index_cast %get3A_403 : i32 to index
    %get3A_408 = arith.constant 0 : index
    %get3A_409 = vector.load %arg6[%get3A_407, %get3A_408] : memref<2048x768xf32, #tpu.memory_space<vmem>>, vector<1x768xf32>
    %slice3A_410 = vector.extract_strided_slice %add3A_18 {offsets = [24, 0], sizes = [1, 768], strides = [1, 1]} : vector<32x768xf32> to vector<1x768xf32>
    %mul3A_411 = vector.broadcast %get3A_406 : f32 to vector<1x768xf32>
    %mul3A_412 = arith.mulf %slice3A_410, %mul3A_411 : vector<1x768xf32>
    %add3A_413 = arith.addf %get3A_409, %mul3A_412 : vector<1x768xf32>
    %swap3A_414 = arith.index_cast %get3A_403 : i32 to index
    %swap3A_415 = arith.constant 0 : index
    %swap3A_416 = vector.load %arg6[%swap3A_414, %swap3A_415] : memref<2048x768xf32, #tpu.memory_space<vmem>>, vector<1x768xf32>
    tpu.vector_store %arg6[%swap3A_414, %swap3A_415], %add3A_413 {strides = array<i32>} : memref<2048x768xf32, #tpu.memory_space<vmem>>, vector<1x768xf32>,
    %get3A_417 = arith.constant 25 : index
    %get3A_418 = arith.index_cast %add3A_3 : i32 to index
    %get3A_419 = memref.load %arg1[%get3A_417, %get3A_418] : memref<32x64xi32, #tpu.memory_space<smem>>
    %get3A_420 = arith.constant 25 : index
    %get3A_421 = arith.index_cast %add3A_3 : i32 to index
    %get3A_422 = memref.load %arg2[%get3A_420, %get3A_421] : memref<32x64xf32, #tpu.memory_space<smem>>
    %get3A_423 = arith.index_cast %get3A_419 : i32 to index
    %get3A_424 = arith.constant 0 : index
    %get3A_425 = vector.load %arg6[%get3A_423, %get3A_424] : memref<2048x768xf32, #tpu.memory_space<vmem>>, vector<1x768xf32>
    %slice3A_426 = vector.extract_strided_slice %add3A_18 {offsets = [25, 0], sizes = [1, 768], strides = [1, 1]} : vector<32x768xf32> to vector<1x768xf32>
    %mul3A_427 = vector.broadcast %get3A_422 : f32 to vector<1x768xf32>
    %mul3A_428 = arith.mulf %slice3A_426, %mul3A_427 : vector<1x768xf32>
    %add3A_429 = arith.addf %get3A_425, %mul3A_428 : vector<1x768xf32>
    %swap3A_430 = arith.index_cast %get3A_419 : i32 to index
    %swap3A_431 = arith.constant 0 : index
    %swap3A_432 = vector.load %arg6[%swap3A_430, %swap3A_431] : memref<2048x768xf32, #tpu.memory_space<vmem>>, vector<1x768xf32>
    tpu.vector_store %arg6[%swap3A_430, %swap3A_431], %add3A_429 {strides = array<i32>} : memref<2048x768xf32, #tpu.memory_space<vmem>>, vector<1x768xf32>,
    %get3A_433 = arith.constant 26 : index
    %get3A_434 = arith.index_cast %add3A_3 : i32 to index
    %get3A_435 = memref.load %arg1[%get3A_433, %get3A_434] : memref<32x64xi32, #tpu.memory_space<smem>>
    %get3A_436 = arith.constant 26 : index
    %get3A_437 = arith.index_cast %add3A_3 : i32 to index
    %get3A_438 = memref.load %arg2[%get3A_436, %get3A_437] : memref<32x64xf32, #tpu.memory_space<smem>>
    %get3A_439 = arith.index_cast %get3A_435 : i32 to index
    %get3A_440 = arith.constant 0 : index
    %get3A_441 = vector.load %arg6[%get3A_439, %get3A_440] : memref<2048x768xf32, #tpu.memory_space<vmem>>, vector<1x768xf32>
    %slice3A_442 = vector.extract_strided_slice %add3A_18 {offsets = [26, 0], sizes = [1, 768], strides = [1, 1]} : vector<32x768xf32> to vector<1x768xf32>
    %mul3A_443 = vector.broadcast %get3A_438 : f32 to vector<1x768xf32>
    %mul3A_444 = arith.mulf %slice3A_442, %mul3A_443 : vector<1x768xf32>
    %add3A_445 = arith.addf %get3A_441, %mul3A_444 : vector<1x768xf32>
    %swap3A_446 = arith.index_cast %get3A_435 : i32 to index
    %swap3A_447 = arith.constant 0 : index
    %swap3A_448 = vector.load %arg6[%swap3A_446, %swap3A_447] : memref<2048x768xf32, #tpu.memory_space<vmem>>, vector<1x768xf32>
    tpu.vector_store %arg6[%swap3A_446, %swap3A_447], %add3A_445 {strides = array<i32>} : memref<2048x768xf32, #tpu.memory_space<vmem>>, vector<1x768xf32>,
    %get3A_449 = arith.constant 27 : index
    %get3A_450 = arith.index_cast %add3A_3 : i32 to index
    %get3A_451 = memref.load %arg1[%get3A_449, %get3A_450] : memref<32x64xi32, #tpu.memory_space<smem>>
    %get3A_452 = arith.constant 27 : index
    %get3A_453 = arith.index_cast %add3A_3 : i32 to index
    %get3A_454 = memref.load %arg2[%get3A_452, %get3A_453] : memref<32x64xf32, #tpu.memory_space<smem>>
    %get3A_455 = arith.index_cast %get3A_451 : i32 to index
    %get3A_456 = arith.constant 0 : index
    %get3A_457 = vector.load %arg6[%get3A_455, %get3A_456] : memref<2048x768xf32, #tpu.memory_space<vmem>>, vector<1x768xf32>
    %slice3A_458 = vector.extract_strided_slice %add3A_18 {offsets = [27, 0], sizes = [1, 768], strides = [1, 1]} : vector<32x768xf32> to vector<1x768xf32>
    %mul3A_459 = vector.broadcast %get3A_454 : f32 to vector<1x768xf32>
    %mul3A_460 = arith.mulf %slice3A_458, %mul3A_459 : vector<1x768xf32>
    %add3A_461 = arith.addf %get3A_457, %mul3A_460 : vector<1x768xf32>
    %swap3A_462 = arith.index_cast %get3A_451 : i32 to index
    %swap3A_463 = arith.constant 0 : index
    %swap3A_464 = vector.load %arg6[%swap3A_462, %swap3A_463] : memref<2048x768xf32, #tpu.memory_space<vmem>>, vector<1x768xf32>
    tpu.vector_store %arg6[%swap3A_462, %swap3A_463], %add3A_461 {strides = array<i32>} : memref<2048x768xf32, #tpu.memory_space<vmem>>, vector<1x768xf32>,
    %get3A_465 = arith.constant 28 : index
    %get3A_466 = arith.index_cast %add3A_3 : i32 to index
    %get3A_467 = memref.load %arg1[%get3A_465, %get3A_466] : memref<32x64xi32, #tpu.memory_space<smem>>
    %get3A_468 = arith.constant 28 : index
    %get3A_469 = arith.index_cast %add3A_3 : i32 to index
    %get3A_470 = memref.load %arg2[%get3A_468, %get3A_469] : memref<32x64xf32, #tpu.memory_space<smem>>
    %get3A_471 = arith.index_cast %get3A_467 : i32 to index
    %get3A_472 = arith.constant 0 : index
    %get3A_473 = vector.load %arg6[%get3A_471, %get3A_472] : memref<2048x768xf32, #tpu.memory_space<vmem>>, vector<1x768xf32>
    %slice3A_474 = vector.extract_strided_slice %add3A_18 {offsets = [28, 0], sizes = [1, 768], strides = [1, 1]} : vector<32x768xf32> to vector<1x768xf32>
    %mul3A_475 = vector.broadcast %get3A_470 : f32 to vector<1x768xf32>
    %mul3A_476 = arith.mulf %slice3A_474, %mul3A_475 : vector<1x768xf32>
    %add3A_477 = arith.addf %get3A_473, %mul3A_476 : vector<1x768xf32>
    %swap3A_478 = arith.index_cast %get3A_467 : i32 to index
    %swap3A_479 = arith.constant 0 : index
    %swap3A_480 = vector.load %arg6[%swap3A_478, %swap3A_479] : memref<2048x768xf32, #tpu.memory_space<vmem>>, vector<1x768xf32>
    tpu.vector_store %arg6[%swap3A_478, %swap3A_479], %add3A_477 {strides = array<i32>} : memref<2048x768xf32, #tpu.memory_space<vmem>>, vector<1x768xf32>,
    %get3A_481 = arith.constant 29 : index
    %get3A_482 = arith.index_cast %add3A_3 : i32 to index
    %get3A_483 = memref.load %arg1[%get3A_481, %get3A_482] : memref<32x64xi32, #tpu.memory_space<smem>>
    %get3A_484 = arith.constant 29 : index
    %get3A_485 = arith.index_cast %add3A_3 : i32 to index
    %get3A_486 = memref.load %arg2[%get3A_484, %get3A_485] : memref<32x64xf32, #tpu.memory_space<smem>>
    %get3A_487 = arith.index_cast %get3A_483 : i32 to index
    %get3A_488 = arith.constant 0 : index
    %get3A_489 = vector.load %arg6[%get3A_487, %get3A_488] : memref<2048x768xf32, #tpu.memory_space<vmem>>, vector<1x768xf32>
    %slice3A_490 = vector.extract_strided_slice %add3A_18 {offsets = [29, 0], sizes = [1, 768], strides = [1, 1]} : vector<32x768xf32> to vector<1x768xf32>
    %mul3A_491 = vector.broadcast %get3A_486 : f32 to vector<1x768xf32>
    %mul3A_492 = arith.mulf %slice3A_490, %mul3A_491 : vector<1x768xf32>
    %add3A_493 = arith.addf %get3A_489, %mul3A_492 : vector<1x768xf32>
    %swap3A_494 = arith.index_cast %get3A_483 : i32 to index
    %swap3A_495 = arith.constant 0 : index
    %swap3A_496 = vector.load %arg6[%swap3A_494, %swap3A_495] : memref<2048x768xf32, #tpu.memory_space<vmem>>, vector<1x768xf32>
    tpu.vector_store %arg6[%swap3A_494, %swap3A_495], %add3A_493 {strides = array<i32>} : memref<2048x768xf32, #tpu.memory_space<vmem>>, vector<1x768xf32>,
    %get3A_497 = arith.constant 30 : index
    %get3A_498 = arith.index_cast %add3A_3 : i32 to index
    %get3A_499 = memref.load %arg1[%get3A_497, %get3A_498] : memref<32x64xi32, #tpu.memory_space<smem>>
    %get3A_500 = arith.constant 30 : index
    %get3A_501 = arith.index_cast %add3A_3 : i32 to index
    %get3A_502 = memref.load %arg2[%get3A_500, %get3A_501] : memref<32x64xf32, #tpu.memory_space<smem>>
    %get3A_503 = arith.index_cast %get3A_499 : i32 to index
    %get3A_504 = arith.constant 0 : index
    %get3A_505 = vector.load %arg6[%get3A_503, %get3A_504] : memref<2048x768xf32, #tpu.memory_space<vmem>>, vector<1x768xf32>
    %slice3A_506 = vector.extract_strided_slice %add3A_18 {offsets = [30, 0], sizes = [1, 768], strides = [1, 1]} : vector<32x768xf32> to vector<1x768xf32>
    %mul3A_507 = vector.broadcast %get3A_502 : f32 to vector<1x768xf32>
    %mul3A_508 = arith.mulf %slice3A_506, %mul3A_507 : vector<1x768xf32>
    %add3A_509 = arith.addf %get3A_505, %mul3A_508 : vector<1x768xf32>
    %swap3A_510 = arith.index_cast %get3A_499 : i32 to index
    %swap3A_511 = arith.constant 0 : index
    %swap3A_512 = vector.load %arg6[%swap3A_510, %swap3A_511] : memref<2048x768xf32, #tpu.memory_space<vmem>>, vector<1x768xf32>
    tpu.vector_store %arg6[%swap3A_510, %swap3A_511], %add3A_509 {strides = array<i32>} : memref<2048x768xf32, #tpu.memory_space<vmem>>, vector<1x768xf32>,
    %get3A_513 = arith.constant 31 : index
    %get3A_514 = arith.index_cast %add3A_3 : i32 to index
    %get3A_515 = memref.load %arg1[%get3A_513, %get3A_514] : memref<32x64xi32, #tpu.memory_space<smem>>
    %get3A_516 = arith.constant 31 : index
    %get3A_517 = arith.index_cast %add3A_3 : i32 to index
    %get3A_518 = memref.load %arg2[%get3A_516, %get3A_517] : memref<32x64xf32, #tpu.memory_space<smem>>
    %get3A_519 = arith.index_cast %get3A_515 : i32 to index
    %get3A_520 = arith.constant 0 : index
    %get3A_521 = vector.load %arg6[%get3A_519, %get3A_520] : memref<2048x768xf32, #tpu.memory_space<vmem>>, vector<1x768xf32>
    %slice3A_522 = vector.extract_strided_slice %add3A_18 {offsets = [31, 0], sizes = [1, 768], strides = [1, 1]} : vector<32x768xf32> to vector<1x768xf32>
    %mul3A_523 = vector.broadcast %get3A_518 : f32 to vector<1x768xf32>
    %mul3A_524 = arith.mulf %slice3A_522, %mul3A_523 : vector<1x768xf32>
    %add3A_525 = arith.addf %get3A_521, %mul3A_524 : vector<1x768xf32>
    %swap3A_526 = arith.index_cast %get3A_515 : i32 to index
    %swap3A_527 = arith.constant 0 : index
    %swap3A_528 = vector.load %arg6[%swap3A_526, %swap3A_527] : memref<2048x768xf32, #tpu.memory_space<vmem>>, vector<1x768xf32>
    tpu.vector_store %arg6[%swap3A_526, %swap3A_527], %add3A_525 {strides = array<i32>} : memref<2048x768xf32, #tpu.memory_space<vmem>>, vector<1x768xf32>,
    %mul3A_529 = arith.constant 4 : i32
    %mul3A_530 = arith.muli %arg0, %mul3A_529 : i32
    %add3A_531 = arith.constant 1 : i32
    %add3A_532 = arith.addi %mul3A_530, %add3A_531 : i32
    %get3A_533 = arith.constant 32 : index
    %get3A_534 = arith.constant 0 : index
    %get3A_535 = vector.load %arg3[%get3A_533, %get3A_534] : memref<128x768xf32, #tpu.memory_space<vmem>>, vector<32x768xf32>
    %get3A_536 = arith.constant 1 : index
    %get3A_537 = arith.constant 0 : index
    %get3A_538 = arith.constant 0 : index
    %get3A_539 = vector.load %arg4[%get3A_536, %get3A_537, %get3A_538] : memref<4x768x768xf32, #tpu.memory_space<vmem>>, vector<1x768x768xf32>
    %get3A_540 = vector.shape_cast %get3A_539 : vector<1x768x768xf32> to vector<768x768xf32>
    %dot_general3A_541 = arith.constant dense<0.000000e+00> : vector<32x768xf32>
    %dot_general3A_542 = tpu.matmul %get3A_535, %get3A_540, %dot_general3A_541 {dimension_numbers = #tpu.dot_dimension_numbers<[1], [0], [0], [1], [0, 0, 1, 1], [], []>, transpose_lhs_hint = false} : vector<32x768xf32>, vector<768x768xf32>, vector<32x768xf32> -> vector<32x768xf32>
    %get3A_543 = arith.constant 1 : index
    %get3A_544 = arith.constant 0 : index
    %get3A_545 = arith.constant 0 : index
    %get3A_546 = vector.load %arg5[%get3A_543, %get3A_544, %get3A_545] : memref<4x1x768xf32, #tpu.memory_space<vmem>>, vector<1x1x768xf32>
    %get3A_547 = vector.shape_cast %get3A_546 : vector<1x1x768xf32> to vector<1x768xf32>
    %add3A_548 = vector.broadcast %get3A_547 : vector<1x768xf32> to vector<32x768xf32>
    %add3A_549 = arith.addf %dot_general3A_542, %add3A_548 : vector<32x768xf32>
    %get3A_550 = arith.constant 0 : index
    %get3A_551 = arith.index_cast %add3A_532 : i32 to index
    %get3A_552 = memref.load %arg1[%get3A_550, %get3A_551] : memref<32x64xi32, #tpu.memory_space<smem>>
    %get3A_553 = arith.constant 0 : index
    %get3A_554 = arith.index_cast %add3A_532 : i32 to index
    %get3A_555 = memref.load %arg2[%get3A_553, %get3A_554] : memref<32x64xf32, #tpu.memory_space<smem>>
    %get3A_556 = arith.index_cast %get3A_552 : i32 to index
    %get3A_557 = arith.constant 0 : index
    %get3A_558 = vector.load %arg6[%get3A_556, %get3A_557] : memref<2048x768xf32, #tpu.memory_space<vmem>>, vector<1x768xf32>
    %slice3A_559 = vector.extract_strided_slice %add3A_549 {offsets = [0, 0], sizes = [1, 768], strides = [1, 1]} : vector<32x768xf32> to vector<1x768xf32>
    %mul3A_560 = vector.broadcast %get3A_555 : f32 to vector<1x768xf32>
    %mul3A_561 = arith.mulf %slice3A_559, %mul3A_560 : vector<1x768xf32>
    %add3A_562 = arith.addf %get3A_558, %mul3A_561 : vector<1x768xf32>
    %swap3A_563 = arith.index_cast %get3A_552 : i32 to index
    %swap3A_564 = arith.constant 0 : index
    %swap3A_565 = vector.load %arg6[%swap3A_563, %swap3A_564] : memref<2048x768xf32, #tpu.memory_space<vmem>>, vector<1x768xf32>
    tpu.vector_store %arg6[%swap3A_563, %swap3A_564], %add3A_562 {strides = array<i32>} : memref<2048x768xf32, #tpu.memory_space<vmem>>, vector<1x768xf32>,
    %get3A_566 = arith.constant 1 : index
    %get3A_567 = arith.index_cast %add3A_532 : i32 to index
    %get3A_568 = memref.load %arg1[%get3A_566, %get3A_567] : memref<32x64xi32, #tpu.memory_space<smem>>
    %get3A_569 = arith.constant 1 : index
    %get3A_570 = arith.index_cast %add3A_532 : i32 to index
    %get3A_571 = memref.load %arg2[%get3A_569, %get3A_570] : memref<32x64xf32, #tpu.memory_space<smem>>
    %get3A_572 = arith.index_cast %get3A_568 : i32 to index
    %get3A_573 = arith.constant 0 : index
    %get3A_574 = vector.load %arg6[%get3A_572, %get3A_573] : memref<2048x768xf32, #tpu.memory_space<vmem>>, vector<1x768xf32>
    %slice3A_575 = vector.extract_strided_slice %add3A_549 {offsets = [1, 0], sizes = [1, 768], strides = [1, 1]} : vector<32x768xf32> to vector<1x768xf32>
    %mul3A_576 = vector.broadcast %get3A_571 : f32 to vector<1x768xf32>
    %mul3A_577 = arith.mulf %slice3A_575, %mul3A_576 : vector<1x768xf32>
    %add3A_578 = arith.addf %get3A_574, %mul3A_577 : vector<1x768xf32>
    %swap3A_579 = arith.index_cast %get3A_568 : i32 to index
    %swap3A_580 = arith.constant 0 : index
    %swap3A_581 = vector.load %arg6[%swap3A_579, %swap3A_580] : memref<2048x768xf32, #tpu.memory_space<vmem>>, vector<1x768xf32>
    tpu.vector_store %arg6[%swap3A_579, %swap3A_580], %add3A_578 {strides = array<i32>} : memref<2048x768xf32, #tpu.memory_space<vmem>>, vector<1x768xf32>,
    %get3A_582 = arith.constant 2 : index
    %get3A_583 = arith.index_cast %add3A_532 : i32 to index
    %get3A_584 = memref.load %arg1[%get3A_582, %get3A_583] : memref<32x64xi32, #tpu.memory_space<smem>>
    %get3A_585 = arith.constant 2 : index
    %get3A_586 = arith.index_cast %add3A_532 : i32 to index
    %get3A_587 = memref.load %arg2[%get3A_585, %get3A_586] : memref<32x64xf32, #tpu.memory_space<smem>>
    %get3A_588 = arith.index_cast %get3A_584 : i32 to index
    %get3A_589 = arith.constant 0 : index
    %get3A_590 = vector.load %arg6[%get3A_588, %get3A_589] : memref<2048x768xf32, #tpu.memory_space<vmem>>, vector<1x768xf32>
    %slice3A_591 = vector.extract_strided_slice %add3A_549 {offsets = [2, 0], sizes = [1, 768], strides = [1, 1]} : vector<32x768xf32> to vector<1x768xf32>
    %mul3A_592 = vector.broadcast %get3A_587 : f32 to vector<1x768xf32>
    %mul3A_593 = arith.mulf %slice3A_591, %mul3A_592 : vector<1x768xf32>
    %add3A_594 = arith.addf %get3A_590, %mul3A_593 : vector<1x768xf32>
    %swap3A_595 = arith.index_cast %get3A_584 : i32 to index
    %swap3A_596 = arith.constant 0 : index
    %swap3A_597 = vector.load %arg6[%swap3A_595, %swap3A_596] : memref<2048x768xf32, #tpu.memory_space<vmem>>, vector<1x768xf32>
    tpu.vector_store %arg6[%swap3A_595, %swap3A_596], %add3A_594 {strides = array<i32>} : memref<2048x768xf32, #tpu.memory_space<vmem>>, vector<1x768xf32>,
    %get3A_598 = arith.constant 3 : index
    %get3A_599 = arith.index_cast %add3A_532 : i32 to index
    %get3A_600 = memref.load %arg1[%get3A_598, %get3A_599] : memref<32x64xi32, #tpu.memory_space<smem>>
    %get3A_601 = arith.constant 3 : index
    %get3A_602 = arith.index_cast %add3A_532 : i32 to index
    %get3A_603 = memref.load %arg2[%get3A_601, %get3A_602] : memref<32x64xf32, #tpu.memory_space<smem>>
    %get3A_604 = arith.index_cast %get3A_600 : i32 to index
    %get3A_605 = arith.constant 0 : index
    %get3A_606 = vector.load %arg6[%get3A_604, %get3A_605] : memref<2048x768xf32, #tpu.memory_space<vmem>>, vector<1x768xf32>
    %slice3A_607 = vector.extract_strided_slice %add3A_549 {offsets = [3, 0], sizes = [1, 768], strides = [1, 1]} : vector<32x768xf32> to vector<1x768xf32>
    %mul3A_608 = vector.broadcast %get3A_603 : f32 to vector<1x768xf32>
    %mul3A_609 = arith.mulf %slice3A_607, %mul3A_608 : vector<1x768xf32>
    %add3A_610 = arith.addf %get3A_606, %mul3A_609 : vector<1x768xf32>
    %swap3A_611 = arith.index_cast %get3A_600 : i32 to index
    %swap3A_612 = arith.constant 0 : index
    %swap3A_613 = vector.load %arg6[%swap3A_611, %swap3A_612] : memref<2048x768xf32, #tpu.memory_space<vmem>>, vector<1x768xf32>
    tpu.vector_store %arg6[%swap3A_611, %swap3A_612], %add3A_610 {strides = array<i32>} : memref<2048x768xf32, #tpu.memory_space<vmem>>, vector<1x768xf32>,
    %get3A_614 = arith.constant 4 : index
    %get3A_615 = arith.index_cast %add3A_532 : i32 to index
    %get3A_616 = memref.load %arg1[%get3A_614, %get3A_615] : memref<32x64xi32, #tpu.memory_space<smem>>
    %get3A_617 = arith.constant 4 : index
    %get3A_618 = arith.index_cast %add3A_532 : i32 to index
    %get3A_619 = memref.load %arg2[%get3A_617, %get3A_618] : memref<32x64xf32, #tpu.memory_space<smem>>
    %get3A_620 = arith.index_cast %get3A_616 : i32 to index
    %get3A_621 = arith.constant 0 : index
    %get3A_622 = vector.load %arg6[%get3A_620, %get3A_621] : memref<2048x768xf32, #tpu.memory_space<vmem>>, vector<1x768xf32>
    %slice3A_623 = vector.extract_strided_slice %add3A_549 {offsets = [4, 0], sizes = [1, 768], strides = [1, 1]} : vector<32x768xf32> to vector<1x768xf32>
    %mul3A_624 = vector.broadcast %get3A_619 : f32 to vector<1x768xf32>
    %mul3A_625 = arith.mulf %slice3A_623, %mul3A_624 : vector<1x768xf32>
    %add3A_626 = arith.addf %get3A_622, %mul3A_625 : vector<1x768xf32>
    %swap3A_627 = arith.index_cast %get3A_616 : i32 to index
    %swap3A_628 = arith.constant 0 : index
    %swap3A_629 = vector.load %arg6[%swap3A_627, %swap3A_628] : memref<2048x768xf32, #tpu.memory_space<vmem>>, vector<1x768xf32>
    tpu.vector_store %arg6[%swap3A_627, %swap3A_628], %add3A_626 {strides = array<i32>} : memref<2048x768xf32, #tpu.memory_space<vmem>>, vector<1x768xf32>,
    %get3A_630 = arith.constant 5 : index
    %get3A_631 = arith.index_cast %add3A_532 : i32 to index
    %get3A_632 = memref.load %arg1[%get3A_630, %get3A_631] : memref<32x64xi32, #tpu.memory_space<smem>>
    %get3A_633 = arith.constant 5 : index
    %get3A_634 = arith.index_cast %add3A_532 : i32 to index
    %get3A_635 = memref.load %arg2[%get3A_633, %get3A_634] : memref<32x64xf32, #tpu.memory_space<smem>>
    %get3A_636 = arith.index_cast %get3A_632 : i32 to index
    %get3A_637 = arith.constant 0 : index
    %get3A_638 = vector.load %arg6[%get3A_636, %get3A_637] : memref<2048x768xf32, #tpu.memory_space<vmem>>, vector<1x768xf32>
    %slice3A_639 = vector.extract_strided_slice %add3A_549 {offsets = [5, 0], sizes = [1, 768], strides = [1, 1]} : vector<32x768xf32> to vector<1x768xf32>
    %mul3A_640 = vector.broadcast %get3A_635 : f32 to vector<1x768xf32>
    %mul3A_641 = arith.mulf %slice3A_639, %mul3A_640 : vector<1x768xf32>
    %add3A_642 = arith.addf %get3A_638, %mul3A_641 : vector<1x768xf32>
    %swap3A_643 = arith.index_cast %get3A_632 : i32 to index
    %swap3A_644 = arith.constant 0 : index
    %swap3A_645 = vector.load %arg6[%swap3A_643, %swap3A_644] : memref<2048x768xf32, #tpu.memory_space<vmem>>, vector<1x768xf32>
    tpu.vector_store %arg6[%swap3A_643, %swap3A_644], %add3A_642 {strides = array<i32>} : memref<2048x768xf32, #tpu.memory_space<vmem>>, vector<1x768xf32>,
    %get3A_646 = arith.constant 6 : index
    %get3A_647 = arith.index_cast %add3A_532 : i32 to index
    %get3A_648 = memref.load %arg1[%get3A_646, %get3A_647] : memref<32x64xi32, #tpu.memory_space<smem>>
    %get3A_649 = arith.constant 6 : index
    %get3A_650 = arith.index_cast %add3A_532 : i32 to index
    %get3A_651 = memref.load %arg2[%get3A_649, %get3A_650] : memref<32x64xf32, #tpu.memory_space<smem>>
    %get3A_652 = arith.index_cast %get3A_648 : i32 to index
    %get3A_653 = arith.constant 0 : index
    %get3A_654 = vector.load %arg6[%get3A_652, %get3A_653] : memref<2048x768xf32, #tpu.memory_space<vmem>>, vector<1x768xf32>
    %slice3A_655 = vector.extract_strided_slice %add3A_549 {offsets = [6, 0], sizes = [1, 768], strides = [1, 1]} : vector<32x768xf32> to vector<1x768xf32>
    %mul3A_656 = vector.broadcast %get3A_651 : f32 to vector<1x768xf32>
    %mul3A_657 = arith.mulf %slice3A_655, %mul3A_656 : vector<1x768xf32>
    %add3A_658 = arith.addf %get3A_654, %mul3A_657 : vector<1x768xf32>
    %swap3A_659 = arith.index_cast %get3A_648 : i32 to index
    %swap3A_660 = arith.constant 0 : index
    %swap3A_661 = vector.load %arg6[%swap3A_659, %swap3A_660] : memref<2048x768xf32, #tpu.memory_space<vmem>>, vector<1x768xf32>
    tpu.vector_store %arg6[%swap3A_659, %swap3A_660], %add3A_658 {strides = array<i32>} : memref<2048x768xf32, #tpu.memory_space<vmem>>, vector<1x768xf32>,
    %get3A_662 = arith.constant 7 : index
    %get3A_663 = arith.index_cast %add3A_532 : i32 to index
    %get3A_664 = memref.load %arg1[%get3A_662, %get3A_663] : memref<32x64xi32, #tpu.memory_space<smem>>
    %get3A_665 = arith.constant 7 : index
    %get3A_666 = arith.index_cast %add3A_532 : i32 to index
    %get3A_667 = memref.load %arg2[%get3A_665, %get3A_666] : memref<32x64xf32, #tpu.memory_space<smem>>
    %get3A_668 = arith.index_cast %get3A_664 : i32 to index
    %get3A_669 = arith.constant 0 : index
    %get3A_670 = vector.load %arg6[%get3A_668, %get3A_669] : memref<2048x768xf32, #tpu.memory_space<vmem>>, vector<1x768xf32>
    %slice3A_671 = vector.extract_strided_slice %add3A_549 {offsets = [7, 0], sizes = [1, 768], strides = [1, 1]} : vector<32x768xf32> to vector<1x768xf32>
    %mul3A_672 = vector.broadcast %get3A_667 : f32 to vector<1x768xf32>
    %mul3A_673 = arith.mulf %slice3A_671, %mul3A_672 : vector<1x768xf32>
    %add3A_674 = arith.addf %get3A_670, %mul3A_673 : vector<1x768xf32>
    %swap3A_675 = arith.index_cast %get3A_664 : i32 to index
    %swap3A_676 = arith.constant 0 : index
    %swap3A_677 = vector.load %arg6[%swap3A_675, %swap3A_676] : memref<2048x768xf32, #tpu.memory_space<vmem>>, vector<1x768xf32>
    tpu.vector_store %arg6[%swap3A_675, %swap3A_676], %add3A_674 {strides = array<i32>} : memref<2048x768xf32, #tpu.memory_space<vmem>>, vector<1x768xf32>,
    %get3A_678 = arith.constant 8 : index
    %get3A_679 = arith.index_cast %add3A_532 : i32 to index
    %get3A_680 = memref.load %arg1[%get3A_678, %get3A_679] : memref<32x64xi32, #tpu.memory_space<smem>>
    %get3A_681 = arith.constant 8 : index
    %get3A_682 = arith.index_cast %add3A_532 : i32 to index
    %get3A_683 = memref.load %arg2[%get3A_681, %get3A_682] : memref<32x64xf32, #tpu.memory_space<smem>>
    %get3A_684 = arith.index_cast %get3A_680 : i32 to index
    %get3A_685 = arith.constant 0 : index
    %get3A_686 = vector.load %arg6[%get3A_684, %get3A_685] : memref<2048x768xf32, #tpu.memory_space<vmem>>, vector<1x768xf32>
    %slice3A_687 = vector.extract_strided_slice %add3A_549 {offsets = [8, 0], sizes = [1, 768], strides = [1, 1]} : vector<32x768xf32> to vector<1x768xf32>
    %mul3A_688 = vector.broadcast %get3A_683 : f32 to vector<1x768xf32>
    %mul3A_689 = arith.mulf %slice3A_687, %mul3A_688 : vector<1x768xf32>
    %add3A_690 = arith.addf %get3A_686, %mul3A_689 : vector<1x768xf32>
    %swap3A_691 = arith.index_cast %get3A_680 : i32 to index
    %swap3A_692 = arith.constant 0 : index
    %swap3A_693 = vector.load %arg6[%swap3A_691, %swap3A_692] : memref<2048x768xf32, #tpu.memory_space<vmem>>, vector<1x768xf32>
    tpu.vector_store %arg6[%swap3A_691, %swap3A_692], %add3A_690 {strides = array<i32>} : memref<2048x768xf32, #tpu.memory_space<vmem>>, vector<1x768xf32>,
    %get3A_694 = arith.constant 9 : index
    %get3A_695 = arith.index_cast %add3A_532 : i32 to index
    %get3A_696 = memref.load %arg1[%get3A_694, %get3A_695] : memref<32x64xi32, #tpu.memory_space<smem>>
    %get3A_697 = arith.constant 9 : index
    %get3A_698 = arith.index_cast %add3A_532 : i32 to index
    %get3A_699 = memref.load %arg2[%get3A_697, %get3A_698] : memref<32x64xf32, #tpu.memory_space<smem>>
    %get3A_700 = arith.index_cast %get3A_696 : i32 to index
    %get3A_701 = arith.constant 0 : index
    %get3A_702 = vector.load %arg6[%get3A_700, %get3A_701] : memref<2048x768xf32, #tpu.memory_space<vmem>>, vector<1x768xf32>
    %slice3A_703 = vector.extract_strided_slice %add3A_549 {offsets = [9, 0], sizes = [1, 768], strides = [1, 1]} : vector<32x768xf32> to vector<1x768xf32>
    %mul3A_704 = vector.broadcast %get3A_699 : f32 to vector<1x768xf32>
    %mul3A_705 = arith.mulf %slice3A_703, %mul3A_704 : vector<1x768xf32>
    %add3A_706 = arith.addf %get3A_702, %mul3A_705 : vector<1x768xf32>
    %swap3A_707 = arith.index_cast %get3A_696 : i32 to index
    %swap3A_708 = arith.constant 0 : index
    %swap3A_709 = vector.load %arg6[%swap3A_707, %swap3A_708] : memref<2048x768xf32, #tpu.memory_space<vmem>>, vector<1x768xf32>
    tpu.vector_store %arg6[%swap3A_707, %swap3A_708], %add3A_706 {strides = array<i32>} : memref<2048x768xf32, #tpu.memory_space<vmem>>, vector<1x768xf32>,
    %get3A_710 = arith.constant 10 : index
    %get3A_711 = arith.index_cast %add3A_532 : i32 to index
    %get3A_712 = memref.load %arg1[%get3A_710, %get3A_711] : memref<32x64xi32, #tpu.memory_space<smem>>
    %get3A_713 = arith.constant 10 : index
    %get3A_714 = arith.index_cast %add3A_532 : i32 to index
    %get3A_715 = memref.load %arg2[%get3A_713, %get3A_714] : memref<32x64xf32, #tpu.memory_space<smem>>
    %get3A_716 = arith.index_cast %get3A_712 : i32 to index
    %get3A_717 = arith.constant 0 : index
    %get3A_718 = vector.load %arg6[%get3A_716, %get3A_717] : memref<2048x768xf32, #tpu.memory_space<vmem>>, vector<1x768xf32>
    %slice3A_719 = vector.extract_strided_slice %add3A_549 {offsets = [10, 0], sizes = [1, 768], strides = [1, 1]} : vector<32x768xf32> to vector<1x768xf32>
    %mul3A_720 = vector.broadcast %get3A_715 : f32 to vector<1x768xf32>
    %mul3A_721 = arith.mulf %slice3A_719, %mul3A_720 : vector<1x768xf32>
    %add3A_722 = arith.addf %get3A_718, %mul3A_721 : vector<1x768xf32>
    %swap3A_723 = arith.index_cast %get3A_712 : i32 to index
    %swap3A_724 = arith.constant 0 : index
    %swap3A_725 = vector.load %arg6[%swap3A_723, %swap3A_724] : memref<2048x768xf32, #tpu.memory_space<vmem>>, vector<1x768xf32>
    tpu.vector_store %arg6[%swap3A_723, %swap3A_724], %add3A_722 {strides = array<i32>} : memref<2048x768xf32, #tpu.memory_space<vmem>>, vector<1x768xf32>,
    %get3A_726 = arith.constant 11 : index
    %get3A_727 = arith.index_cast %add3A_532 : i32 to index
    %get3A_728 = memref.load %arg1[%get3A_726, %get3A_727] : memref<32x64xi32, #tpu.memory_space<smem>>
    %get3A_729 = arith.constant 11 : index
    %get3A_730 = arith.index_cast %add3A_532 : i32 to index
    %get3A_731 = memref.load %arg2[%get3A_729, %get3A_730] : memref<32x64xf32, #tpu.memory_space<smem>>
    %get3A_732 = arith.index_cast %get3A_728 : i32 to index
    %get3A_733 = arith.constant 0 : index
    %get3A_734 = vector.load %arg6[%get3A_732, %get3A_733] : memref<2048x768xf32, #tpu.memory_space<vmem>>, vector<1x768xf32>
    %slice3A_735 = vector.extract_strided_slice %add3A_549 {offsets = [11, 0], sizes = [1, 768], strides = [1, 1]} : vector<32x768xf32> to vector<1x768xf32>
    %mul3A_736 = vector.broadcast %get3A_731 : f32 to vector<1x768xf32>
    %mul3A_737 = arith.mulf %slice3A_735, %mul3A_736 : vector<1x768xf32>
    %add3A_738 = arith.addf %get3A_734, %mul3A_737 : vector<1x768xf32>
    %swap3A_739 = arith.index_cast %get3A_728 : i32 to index
    %swap3A_740 = arith.constant 0 : index
    %swap3A_741 = vector.load %arg6[%swap3A_739, %swap3A_740] : memref<2048x768xf32, #tpu.memory_space<vmem>>, vector<1x768xf32>
    tpu.vector_store %arg6[%swap3A_739, %swap3A_740], %add3A_738 {strides = array<i32>} : memref<2048x768xf32, #tpu.memory_space<vmem>>, vector<1x768xf32>,
    %get3A_742 = arith.constant 12 : index
    %get3A_743 = arith.index_cast %add3A_532 : i32 to index
    %get3A_744 = memref.load %arg1[%get3A_742, %get3A_743] : memref<32x64xi32, #tpu.memory_space<smem>>
    %get3A_745 = arith.constant 12 : index
    %get3A_746 = arith.index_cast %add3A_532 : i32 to index
    %get3A_747 = memref.load %arg2[%get3A_745, %get3A_746] : memref<32x64xf32, #tpu.memory_space<smem>>
    %get3A_748 = arith.index_cast %get3A_744 : i32 to index
    %get3A_749 = arith.constant 0 : index
    %get3A_750 = vector.load %arg6[%get3A_748, %get3A_749] : memref<2048x768xf32, #tpu.memory_space<vmem>>, vector<1x768xf32>
    %slice3A_751 = vector.extract_strided_slice %add3A_549 {offsets = [12, 0], sizes = [1, 768], strides = [1, 1]} : vector<32x768xf32> to vector<1x768xf32>
    %mul3A_752 = vector.broadcast %get3A_747 : f32 to vector<1x768xf32>
    %mul3A_753 = arith.mulf %slice3A_751, %mul3A_752 : vector<1x768xf32>
    %add3A_754 = arith.addf %get3A_750, %mul3A_753 : vector<1x768xf32>
    %swap3A_755 = arith.index_cast %get3A_744 : i32 to index
    %swap3A_756 = arith.constant 0 : index
    %swap3A_757 = vector.load %arg6[%swap3A_755, %swap3A_756] : memref<2048x768xf32, #tpu.memory_space<vmem>>, vector<1x768xf32>
    tpu.vector_store %arg6[%swap3A_755, %swap3A_756], %add3A_754 {strides = array<i32>} : memref<2048x768xf32, #tpu.memory_space<vmem>>, vector<1x768xf32>,
    %get3A_758 = arith.constant 13 : index
    %get3A_759 = arith.index_cast %add3A_532 : i32 to index
    %get3A_760 = memref.load %arg1[%get3A_758, %get3A_759] : memref<32x64xi32, #tpu.memory_space<smem>>
    %get3A_761 = arith.constant 13 : index
    %get3A_762 = arith.index_cast %add3A_532 : i32 to index
    %get3A_763 = memref.load %arg2[%get3A_761, %get3A_762] : memref<32x64xf32, #tpu.memory_space<smem>>
    %get3A_764 = arith.index_cast %get3A_760 : i32 to index
    %get3A_765 = arith.constant 0 : index
    %get3A_766 = vector.load %arg6[%get3A_764, %get3A_765] : memref<2048x768xf32, #tpu.memory_space<vmem>>, vector<1x768xf32>
    %slice3A_767 = vector.extract_strided_slice %add3A_549 {offsets = [13, 0], sizes = [1, 768], strides = [1, 1]} : vector<32x768xf32> to vector<1x768xf32>
    %mul3A_768 = vector.broadcast %get3A_763 : f32 to vector<1x768xf32>
    %mul3A_769 = arith.mulf %slice3A_767, %mul3A_768 : vector<1x768xf32>
    %add3A_770 = arith.addf %get3A_766, %mul3A_769 : vector<1x768xf32>
    %swap3A_771 = arith.index_cast %get3A_760 : i32 to index
    %swap3A_772 = arith.constant 0 : index
    %swap3A_773 = vector.load %arg6[%swap3A_771, %swap3A_772] : memref<2048x768xf32, #tpu.memory_space<vmem>>, vector<1x768xf32>
    tpu.vector_store %arg6[%swap3A_771, %swap3A_772], %add3A_770 {strides = array<i32>} : memref<2048x768xf32, #tpu.memory_space<vmem>>, vector<1x768xf32>,
    %get3A_774 = arith.constant 14 : index
    %get3A_775 = arith.index_cast %add3A_532 : i32 to index
    %get3A_776 = memref.load %arg1[%get3A_774, %get3A_775] : memref<32x64xi32, #tpu.memory_space<smem>>
    %get3A_777 = arith.constant 14 : index
    %get3A_778 = arith.index_cast %add3A_532 : i32 to index
    %get3A_779 = memref.load %arg2[%get3A_777, %get3A_778] : memref<32x64xf32, #tpu.memory_space<smem>>
    %get3A_780 = arith.index_cast %get3A_776 : i32 to index
    %get3A_781 = arith.constant 0 : index
    %get3A_782 = vector.load %arg6[%get3A_780, %get3A_781] : memref<2048x768xf32, #tpu.memory_space<vmem>>, vector<1x768xf32>
    %slice3A_783 = vector.extract_strided_slice %add3A_549 {offsets = [14, 0], sizes = [1, 768], strides = [1, 1]} : vector<32x768xf32> to vector<1x768xf32>
    %mul3A_784 = vector.broadcast %get3A_779 : f32 to vector<1x768xf32>
    %mul3A_785 = arith.mulf %slice3A_783, %mul3A_784 : vector<1x768xf32>
    %add3A_786 = arith.addf %get3A_782, %mul3A_785 : vector<1x768xf32>
    %swap3A_787 = arith.index_cast %get3A_776 : i32 to index
    %swap3A_788 = arith.constant 0 : index
    %swap3A_789 = vector.load %arg6[%swap3A_787, %swap3A_788] : memref<2048x768xf32, #tpu.memory_space<vmem>>, vector<1x768xf32>
    tpu.vector_store %arg6[%swap3A_787, %swap3A_788], %add3A_786 {strides = array<i32>} : memref<2048x768xf32, #tpu.memory_space<vmem>>, vector<1x768xf32>,
    %get3A_790 = arith.constant 15 : index
    %get3A_791 = arith.index_cast %add3A_532 : i32 to index
    %get3A_792 = memref.load %arg1[%get3A_790, %get3A_791] : memref<32x64xi32, #tpu.memory_space<smem>>
    %get3A_793 = arith.constant 15 : index
    %get3A_794 = arith.index_cast %add3A_532 : i32 to index
    %get3A_795 = memref.load %arg2[%get3A_793, %get3A_794] : memref<32x64xf32, #tpu.memory_space<smem>>
    %get3A_796 = arith.index_cast %get3A_792 : i32 to index
    %get3A_797 = arith.constant 0 : index
    %get3A_798 = vector.load %arg6[%get3A_796, %get3A_797] : memref<2048x768xf32, #tpu.memory_space<vmem>>, vector<1x768xf32>
    %slice3A_799 = vector.extract_strided_slice %add3A_549 {offsets = [15, 0], sizes = [1, 768], strides = [1, 1]} : vector<32x768xf32> to vector<1x768xf32>
    %mul3A_800 = vector.broadcast %get3A_795 : f32 to vector<1x768xf32>
    %mul3A_801 = arith.mulf %slice3A_799, %mul3A_800 : vector<1x768xf32>
    %add3A_802 = arith.addf %get3A_798, %mul3A_801 : vector<1x768xf32>
    %swap3A_803 = arith.index_cast %get3A_792 : i32 to index
    %swap3A_804 = arith.constant 0 : index
    %swap3A_805 = vector.load %arg6[%swap3A_803, %swap3A_804] : memref<2048x768xf32, #tpu.memory_space<vmem>>, vector<1x768xf32>
    tpu.vector_store %arg6[%swap3A_803, %swap3A_804], %add3A_802 {strides = array<i32>} : memref<2048x768xf32, #tpu.memory_space<vmem>>, vector<1x768xf32>,
    %get3A_806 = arith.constant 16 : index
    %get3A_807 = arith.index_cast %add3A_532 : i32 to index
    %get3A_808 = memref.load %arg1[%get3A_806, %get3A_807] : memref<32x64xi32, #tpu.memory_space<smem>>
    %get3A_809 = arith.constant 16 : index
    %get3A_810 = arith.index_cast %add3A_532 : i32 to index
    %get3A_811 = memref.load %arg2[%get3A_809, %get3A_810] : memref<32x64xf32, #tpu.memory_space<smem>>
    %get3A_812 = arith.index_cast %get3A_808 : i32 to index
    %get3A_813 = arith.constant 0 : index
    %get3A_814 = vector.load %arg6[%get3A_812, %get3A_813] : memref<2048x768xf32, #tpu.memory_space<vmem>>, vector<1x768xf32>
    %slice3A_815 = vector.extract_strided_slice %add3A_549 {offsets = [16, 0], sizes = [1, 768], strides = [1, 1]} : vector<32x768xf32> to vector<1x768xf32>
    %mul3A_816 = vector.broadcast %get3A_811 : f32 to vector<1x768xf32>
    %mul3A_817 = arith.mulf %slice3A_815, %mul3A_816 : vector<1x768xf32>
    %add3A_818 = arith.addf %get3A_814, %mul3A_817 : vector<1x768xf32>
    %swap3A_819 = arith.index_cast %get3A_808 : i32 to index
    %swap3A_820 = arith.constant 0 : index
    %swap3A_821 = vector.load %arg6[%swap3A_819, %swap3A_820] : memref<2048x768xf32, #tpu.memory_space<vmem>>, vector<1x768xf32>
    tpu.vector_store %arg6[%swap3A_819, %swap3A_820], %add3A_818 {strides = array<i32>} : memref<2048x768xf32, #tpu.memory_space<vmem>>, vector<1x768xf32>,
    %get3A_822 = arith.constant 17 : index
    %get3A_823 = arith.index_cast %add3A_532 : i32 to index
    %get3A_824 = memref.load %arg1[%get3A_822, %get3A_823] : memref<32x64xi32, #tpu.memory_space<smem>>
    %get3A_825 = arith.constant 17 : index
    %get3A_826 = arith.index_cast %add3A_532 : i32 to index
    %get3A_827 = memref.load %arg2[%get3A_825, %get3A_826] : memref<32x64xf32, #tpu.memory_space<smem>>
    %get3A_828 = arith.index_cast %get3A_824 : i32 to index
    %get3A_829 = arith.constant 0 : index
    %get3A_830 = vector.load %arg6[%get3A_828, %get3A_829] : memref<2048x768xf32, #tpu.memory_space<vmem>>, vector<1x768xf32>
    %slice3A_831 = vector.extract_strided_slice %add3A_549 {offsets = [17, 0], sizes = [1, 768], strides = [1, 1]} : vector<32x768xf32> to vector<1x768xf32>
    %mul3A_832 = vector.broadcast %get3A_827 : f32 to vector<1x768xf32>
    %mul3A_833 = arith.mulf %slice3A_831, %mul3A_832 : vector<1x768xf32>
    %add3A_834 = arith.addf %get3A_830, %mul3A_833 : vector<1x768xf32>
    %swap3A_835 = arith.index_cast %get3A_824 : i32 to index
    %swap3A_836 = arith.constant 0 : index
    %swap3A_837 = vector.load %arg6[%swap3A_835, %swap3A_836] : memref<2048x768xf32, #tpu.memory_space<vmem>>, vector<1x768xf32>
    tpu.vector_store %arg6[%swap3A_835, %swap3A_836], %add3A_834 {strides = array<i32>} : memref<2048x768xf32, #tpu.memory_space<vmem>>, vector<1x768xf32>,
    %get3A_838 = arith.constant 18 : index
    %get3A_839 = arith.index_cast %add3A_532 : i32 to index
    %get3A_840 = memref.load %arg1[%get3A_838, %get3A_839] : memref<32x64xi32, #tpu.memory_space<smem>>
    %get3A_841 = arith.constant 18 : index
    %get3A_842 = arith.index_cast %add3A_532 : i32 to index
    %get3A_843 = memref.load %arg2[%get3A_841, %get3A_842] : memref<32x64xf32, #tpu.memory_space<smem>>
    %get3A_844 = arith.index_cast %get3A_840 : i32 to index
    %get3A_845 = arith.constant 0 : index
    %get3A_846 = vector.load %arg6[%get3A_844, %get3A_845] : memref<2048x768xf32, #tpu.memory_space<vmem>>, vector<1x768xf32>
    %slice3A_847 = vector.extract_strided_slice %add3A_549 {offsets = [18, 0], sizes = [1, 768], strides = [1, 1]} : vector<32x768xf32> to vector<1x768xf32>
    %mul3A_848 = vector.broadcast %get3A_843 : f32 to vector<1x768xf32>
    %mul3A_849 = arith.mulf %slice3A_847, %mul3A_848 : vector<1x768xf32>
    %add3A_850 = arith.addf %get3A_846, %mul3A_849 : vector<1x768xf32>
    %swap3A_851 = arith.index_cast %get3A_840 : i32 to index
    %swap3A_852 = arith.constant 0 : index
    %swap3A_853 = vector.load %arg6[%swap3A_851, %swap3A_852] : memref<2048x768xf32, #tpu.memory_space<vmem>>, vector<1x768xf32>
    tpu.vector_store %arg6[%swap3A_851, %swap3A_852], %add3A_850 {strides = array<i32>} : memref<2048x768xf32, #tpu.memory_space<vmem>>, vector<1x768xf32>,
    %get3A_854 = arith.constant 19 : index
    %get3A_855 = arith.index_cast %add3A_532 : i32 to index
    %get3A_856 = memref.load %arg1[%get3A_854, %get3A_855] : memref<32x64xi32, #tpu.memory_space<smem>>
    %get3A_857 = arith.constant 19 : index
    %get3A_858 = arith.index_cast %add3A_532 : i32 to index
    %get3A_859 = memref.load %arg2[%get3A_857, %get3A_858] : memref<32x64xf32, #tpu.memory_space<smem>>
    %get3A_860 = arith.index_cast %get3A_856 : i32 to index
    %get3A_861 = arith.constant 0 : index
    %get3A_862 = vector.load %arg6[%get3A_860, %get3A_861] : memref<2048x768xf32, #tpu.memory_space<vmem>>, vector<1x768xf32>
    %slice3A_863 = vector.extract_strided_slice %add3A_549 {offsets = [19, 0], sizes = [1, 768], strides = [1, 1]} : vector<32x768xf32> to vector<1x768xf32>
    %mul3A_864 = vector.broadcast %get3A_859 : f32 to vector<1x768xf32>
    %mul3A_865 = arith.mulf %slice3A_863, %mul3A_864 : vector<1x768xf32>
    %add3A_866 = arith.addf %get3A_862, %mul3A_865 : vector<1x768xf32>
    %swap3A_867 = arith.index_cast %get3A_856 : i32 to index
    %swap3A_868 = arith.constant 0 : index
    %swap3A_869 = vector.load %arg6[%swap3A_867, %swap3A_868] : memref<2048x768xf32, #tpu.memory_space<vmem>>, vector<1x768xf32>
    tpu.vector_store %arg6[%swap3A_867, %swap3A_868], %add3A_866 {strides = array<i32>} : memref<2048x768xf32, #tpu.memory_space<vmem>>, vector<1x768xf32>,
    %get3A_870 = arith.constant 20 : index
    %get3A_871 = arith.index_cast %add3A_532 : i32 to index
    %get3A_872 = memref.load %arg1[%get3A_870, %get3A_871] : memref<32x64xi32, #tpu.memory_space<smem>>
    %get3A_873 = arith.constant 20 : index
    %get3A_874 = arith.index_cast %add3A_532 : i32 to index
    %get3A_875 = memref.load %arg2[%get3A_873, %get3A_874] : memref<32x64xf32, #tpu.memory_space<smem>>
    %get3A_876 = arith.index_cast %get3A_872 : i32 to index
    %get3A_877 = arith.constant 0 : index
    %get3A_878 = vector.load %arg6[%get3A_876, %get3A_877] : memref<2048x768xf32, #tpu.memory_space<vmem>>, vector<1x768xf32>
    %slice3A_879 = vector.extract_strided_slice %add3A_549 {offsets = [20, 0], sizes = [1, 768], strides = [1, 1]} : vector<32x768xf32> to vector<1x768xf32>
    %mul3A_880 = vector.broadcast %get3A_875 : f32 to vector<1x768xf32>
    %mul3A_881 = arith.mulf %slice3A_879, %mul3A_880 : vector<1x768xf32>
    %add3A_882 = arith.addf %get3A_878, %mul3A_881 : vector<1x768xf32>
    %swap3A_883 = arith.index_cast %get3A_872 : i32 to index
    %swap3A_884 = arith.constant 0 : index
    %swap3A_885 = vector.load %arg6[%swap3A_883, %swap3A_884] : memref<2048x768xf32, #tpu.memory_space<vmem>>, vector<1x768xf32>
    tpu.vector_store %arg6[%swap3A_883, %swap3A_884], %add3A_882 {strides = array<i32>} : memref<2048x768xf32, #tpu.memory_space<vmem>>, vector<1x768xf32>,
    %get3A_886 = arith.constant 21 : index
    %get3A_887 = arith.index_cast %add3A_532 : i32 to index
    %get3A_888 = memref.load %arg1[%get3A_886, %get3A_887] : memref<32x64xi32, #tpu.memory_space<smem>>
    %get3A_889 = arith.constant 21 : index
    %get3A_890 = arith.index_cast %add3A_532 : i32 to index
    %get3A_891 = memref.load %arg2[%get3A_889, %get3A_890] : memref<32x64xf32, #tpu.memory_space<smem>>
    %get3A_892 = arith.index_cast %get3A_888 : i32 to index
    %get3A_893 = arith.constant 0 : index
    %get3A_894 = vector.load %arg6[%get3A_892, %get3A_893] : memref<2048x768xf32, #tpu.memory_space<vmem>>, vector<1x768xf32>
    %slice3A_895 = vector.extract_strided_slice %add3A_549 {offsets = [21, 0], sizes = [1, 768], strides = [1, 1]} : vector<32x768xf32> to vector<1x768xf32>
    %mul3A_896 = vector.broadcast %get3A_891 : f32 to vector<1x768xf32>
    %mul3A_897 = arith.mulf %slice3A_895, %mul3A_896 : vector<1x768xf32>
    %add3A_898 = arith.addf %get3A_894, %mul3A_897 : vector<1x768xf32>
    %swap3A_899 = arith.index_cast %get3A_888 : i32 to index
    %swap3A_900 = arith.constant 0 : index
    %swap3A_901 = vector.load %arg6[%swap3A_899, %swap3A_900] : memref<2048x768xf32, #tpu.memory_space<vmem>>, vector<1x768xf32>
    tpu.vector_store %arg6[%swap3A_899, %swap3A_900], %add3A_898 {strides = array<i32>} : memref<2048x768xf32, #tpu.memory_space<vmem>>, vector<1x768xf32>,
    %get3A_902 = arith.constant 22 : index
    %get3A_903 = arith.index_cast %add3A_532 : i32 to index
    %get3A_904 = memref.load %arg1[%get3A_902, %get3A_903] : memref<32x64xi32, #tpu.memory_space<smem>>
    %get3A_905 = arith.constant 22 : index
    %get3A_906 = arith.index_cast %add3A_532 : i32 to index
    %get3A_907 = memref.load %arg2[%get3A_905, %get3A_906] : memref<32x64xf32, #tpu.memory_space<smem>>
    %get3A_908 = arith.index_cast %get3A_904 : i32 to index
    %get3A_909 = arith.constant 0 : index
    %get3A_910 = vector.load %arg6[%get3A_908, %get3A_909] : memref<2048x768xf32, #tpu.memory_space<vmem>>, vector<1x768xf32>
    %slice3A_911 = vector.extract_strided_slice %add3A_549 {offsets = [22, 0], sizes = [1, 768], strides = [1, 1]} : vector<32x768xf32> to vector<1x768xf32>
    %mul3A_912 = vector.broadcast %get3A_907 : f32 to vector<1x768xf32>
    %mul3A_913 = arith.mulf %slice3A_911, %mul3A_912 : vector<1x768xf32>
    %add3A_914 = arith.addf %get3A_910, %mul3A_913 : vector<1x768xf32>
    %swap3A_915 = arith.index_cast %get3A_904 : i32 to index
    %swap3A_916 = arith.constant 0 : index
    %swap3A_917 = vector.load %arg6[%swap3A_915, %swap3A_916] : memref<2048x768xf32, #tpu.memory_space<vmem>>, vector<1x768xf32>
    tpu.vector_store %arg6[%swap3A_915, %swap3A_916], %add3A_914 {strides = array<i32>} : memref<2048x768xf32, #tpu.memory_space<vmem>>, vector<1x768xf32>,
    %get3A_918 = arith.constant 23 : index
    %get3A_919 = arith.index_cast %add3A_532 : i32 to index
    %get3A_920 = memref.load %arg1[%get3A_918, %get3A_919] : memref<32x64xi32, #tpu.memory_space<smem>>
    %get3A_921 = arith.constant 23 : index
    %get3A_922 = arith.index_cast %add3A_532 : i32 to index
    %get3A_923 = memref.load %arg2[%get3A_921, %get3A_922] : memref<32x64xf32, #tpu.memory_space<smem>>
    %get3A_924 = arith.index_cast %get3A_920 : i32 to index
    %get3A_925 = arith.constant 0 : index
    %get3A_926 = vector.load %arg6[%get3A_924, %get3A_925] : memref<2048x768xf32, #tpu.memory_space<vmem>>, vector<1x768xf32>
    %slice3A_927 = vector.extract_strided_slice %add3A_549 {offsets = [23, 0], sizes = [1, 768], strides = [1, 1]} : vector<32x768xf32> to vector<1x768xf32>
    %mul3A_928 = vector.broadcast %get3A_923 : f32 to vector<1x768xf32>
    %mul3A_929 = arith.mulf %slice3A_927, %mul3A_928 : vector<1x768xf32>
    %add3A_930 = arith.addf %get3A_926, %mul3A_929 : vector<1x768xf32>
    %swap3A_931 = arith.index_cast %get3A_920 : i32 to index
    %swap3A_932 = arith.constant 0 : index
    %swap3A_933 = vector.load %arg6[%swap3A_931, %swap3A_932] : memref<2048x768xf32, #tpu.memory_space<vmem>>, vector<1x768xf32>
    tpu.vector_store %arg6[%swap3A_931, %swap3A_932], %add3A_930 {strides = array<i32>} : memref<2048x768xf32, #tpu.memory_space<vmem>>, vector<1x768xf32>,
    %get3A_934 = arith.constant 24 : index
    %get3A_935 = arith.index_cast %add3A_532 : i32 to index
    %get3A_936 = memref.load %arg1[%get3A_934, %get3A_935] : memref<32x64xi32, #tpu.memory_space<smem>>
    %get3A_937 = arith.constant 24 : index
    %get3A_938 = arith.index_cast %add3A_532 : i32 to index
    %get3A_939 = memref.load %arg2[%get3A_937, %get3A_938] : memref<32x64xf32, #tpu.memory_space<smem>>
    %get3A_940 = arith.index_cast %get3A_936 : i32 to index
    %get3A_941 = arith.constant 0 : index
    %get3A_942 = vector.load %arg6[%get3A_940, %get3A_941] : memref<2048x768xf32, #tpu.memory_space<vmem>>, vector<1x768xf32>
    %slice3A_943 = vector.extract_strided_slice %add3A_549 {offsets = [24, 0], sizes = [1, 768], strides = [1, 1]} : vector<32x768xf32> to vector<1x768xf32>
    %mul3A_944 = vector.broadcast %get3A_939 : f32 to vector<1x768xf32>
    %mul3A_945 = arith.mulf %slice3A_943, %mul3A_944 : vector<1x768xf32>
    %add3A_946 = arith.addf %get3A_942, %mul3A_945 : vector<1x768xf32>
    %swap3A_947 = arith.index_cast %get3A_936 : i32 to index
    %swap3A_948 = arith.constant 0 : index
    %swap3A_949 = vector.load %arg6[%swap3A_947, %swap3A_948] : memref<2048x768xf32, #tpu.memory_space<vmem>>, vector<1x768xf32>
    tpu.vector_store %arg6[%swap3A_947, %swap3A_948], %add3A_946 {strides = array<i32>} : memref<2048x768xf32, #tpu.memory_space<vmem>>, vector<1x768xf32>,
    %get3A_950 = arith.constant 25 : index
    %get3A_951 = arith.index_cast %add3A_532 : i32 to index
    %get3A_952 = memref.load %arg1[%get3A_950, %get3A_951] : memref<32x64xi32, #tpu.memory_space<smem>>
    %get3A_953 = arith.constant 25 : index
    %get3A_954 = arith.index_cast %add3A_532 : i32 to index
    %get3A_955 = memref.load %arg2[%get3A_953, %get3A_954] : memref<32x64xf32, #tpu.memory_space<smem>>
    %get3A_956 = arith.index_cast %get3A_952 : i32 to index
    %get3A_957 = arith.constant 0 : index
    %get3A_958 = vector.load %arg6[%get3A_956, %get3A_957] : memref<2048x768xf32, #tpu.memory_space<vmem>>, vector<1x768xf32>
    %slice3A_959 = vector.extract_strided_slice %add3A_549 {offsets = [25, 0], sizes = [1, 768], strides = [1, 1]} : vector<32x768xf32> to vector<1x768xf32>
    %mul3A_960 = vector.broadcast %get3A_955 : f32 to vector<1x768xf32>
    %mul3A_961 = arith.mulf %slice3A_959, %mul3A_960 : vector<1x768xf32>
    %add3A_962 = arith.addf %get3A_958, %mul3A_961 : vector<1x768xf32>
    %swap3A_963 = arith.index_cast %get3A_952 : i32 to index
    %swap3A_964 = arith.constant 0 : index
    %swap3A_965 = vector.load %arg6[%swap3A_963, %swap3A_964] : memref<2048x768xf32, #tpu.memory_space<vmem>>, vector<1x768xf32>
    tpu.vector_store %arg6[%swap3A_963, %swap3A_964], %add3A_962 {strides = array<i32>} : memref<2048x768xf32, #tpu.memory_space<vmem>>, vector<1x768xf32>,
    %get3A_966 = arith.constant 26 : index
    %get3A_967 = arith.index_cast %add3A_532 : i32 to index
    %get3A_968 = memref.load %arg1[%get3A_966, %get3A_967] : memref<32x64xi32, #tpu.memory_space<smem>>
    %get3A_969 = arith.constant 26 : index
    %get3A_970 = arith.index_cast %add3A_532 : i32 to index
    %get3A_971 = memref.load %arg2[%get3A_969, %get3A_970] : memref<32x64xf32, #tpu.memory_space<smem>>
    %get3A_972 = arith.index_cast %get3A_968 : i32 to index
    %get3A_973 = arith.constant 0 : index
    %get3A_974 = vector.load %arg6[%get3A_972, %get3A_973] : memref<2048x768xf32, #tpu.memory_space<vmem>>, vector<1x768xf32>
    %slice3A_975 = vector.extract_strided_slice %add3A_549 {offsets = [26, 0], sizes = [1, 768], strides = [1, 1]} : vector<32x768xf32> to vector<1x768xf32>
    %mul3A_976 = vector.broadcast %get3A_971 : f32 to vector<1x768xf32>
    %mul3A_977 = arith.mulf %slice3A_975, %mul3A_976 : vector<1x768xf32>
    %add3A_978 = arith.addf %get3A_974, %mul3A_977 : vector<1x768xf32>
    %swap3A_979 = arith.index_cast %get3A_968 : i32 to index
    %swap3A_980 = arith.constant 0 : index
    %swap3A_981 = vector.load %arg6[%swap3A_979, %swap3A_980] : memref<2048x768xf32, #tpu.memory_space<vmem>>, vector<1x768xf32>
    tpu.vector_store %arg6[%swap3A_979, %swap3A_980], %add3A_978 {strides = array<i32>} : memref<2048x768xf32, #tpu.memory_space<vmem>>, vector<1x768xf32>,
    %get3A_982 = arith.constant 27 : index
    %get3A_983 = arith.index_cast %add3A_532 : i32 to index
    %get3A_984 = memref.load %arg1[%get3A_982, %get3A_983] : memref<32x64xi32, #tpu.memory_space<smem>>
    %get3A_985 = arith.constant 27 : index
    %get3A_986 = arith.index_cast %add3A_532 : i32 to index
    %get3A_987 = memref.load %arg2[%get3A_985, %get3A_986] : memref<32x64xf32, #tpu.memory_space<smem>>
    %get3A_988 = arith.index_cast %get3A_984 : i32 to index
    %get3A_989 = arith.constant 0 : index
    %get3A_990 = vector.load %arg6[%get3A_988, %get3A_989] : memref<2048x768xf32, #tpu.memory_space<vmem>>, vector<1x768xf32>
    %slice3A_991 = vector.extract_strided_slice %add3A_549 {offsets = [27, 0], sizes = [1, 768], strides = [1, 1]} : vector<32x768xf32> to vector<1x768xf32>
    %mul3A_992 = vector.broadcast %get3A_987 : f32 to vector<1x768xf32>
    %mul3A_993 = arith.mulf %slice3A_991, %mul3A_992 : vector<1x768xf32>
    %add3A_994 = arith.addf %get3A_990, %mul3A_993 : vector<1x768xf32>
    %swap3A_995 = arith.index_cast %get3A_984 : i32 to index
    %swap3A_996 = arith.constant 0 : index
    %swap3A_997 = vector.load %arg6[%swap3A_995, %swap3A_996] : memref<2048x768xf32, #tpu.memory_space<vmem>>, vector<1x768xf32>
    tpu.vector_store %arg6[%swap3A_995, %swap3A_996], %add3A_994 {strides = array<i32>} : memref<2048x768xf32, #tpu.memory_space<vmem>>, vector<1x768xf32>,
    %get3A_998 = arith.constant 28 : index
    %get3A_999 = arith.index_cast %add3A_532 : i32 to index
    %get3A_1000 = memref.load %arg1[%get3A_998, %get3A_999] : memref<32x64xi32, #tpu.memory_space<smem>>
    %get3A_1001 = arith.constant 28 : index
    %get3A_1002 = arith.index_cast %add3A_532 : i32 to index
    %get3A_1003 = memref.load %arg2[%get3A_1001, %get3A_1002] : memref<32x64xf32, #tpu.memory_space<smem>>
    %get3A_1004 = arith.index_cast %get3A_1000 : i32 to index
    %get3A_1005 = arith.constant 0 : index
    %get3A_1006 = vector.load %arg6[%get3A_1004, %get3A_1005] : memref<2048x768xf32, #tpu.memory_space<vmem>>, vector<1x768xf32>
    %slice3A_1007 = vector.extract_strided_slice %add3A_549 {offsets = [28, 0], sizes = [1, 768], strides = [1, 1]} : vector<32x768xf32> to vector<1x768xf32>
    %mul3A_1008 = vector.broadcast %get3A_1003 : f32 to vector<1x768xf32>
    %mul3A_1009 = arith.mulf %slice3A_1007, %mul3A_1008 : vector<1x768xf32>
    %add3A_1010 = arith.addf %get3A_1006, %mul3A_1009 : vector<1x768xf32>
    %swap3A_1011 = arith.index_cast %get3A_1000 : i32 to index
    %swap3A_1012 = arith.constant 0 : index
    %swap3A_1013 = vector.load %arg6[%swap3A_1011, %swap3A_1012] : memref<2048x768xf32, #tpu.memory_space<vmem>>, vector<1x768xf32>
    tpu.vector_store %arg6[%swap3A_1011, %swap3A_1012], %add3A_1010 {strides = array<i32>} : memref<2048x768xf32, #tpu.memory_space<vmem>>, vector<1x768xf32>,
    %get3A_1014 = arith.constant 29 : index
    %get3A_1015 = arith.index_cast %add3A_532 : i32 to index
    %get3A_1016 = memref.load %arg1[%get3A_1014, %get3A_1015] : memref<32x64xi32, #tpu.memory_space<smem>>
    %get3A_1017 = arith.constant 29 : index
    %get3A_1018 = arith.index_cast %add3A_532 : i32 to index
    %get3A_1019 = memref.load %arg2[%get3A_1017, %get3A_1018] : memref<32x64xf32, #tpu.memory_space<smem>>
    %get3A_1020 = arith.index_cast %get3A_1016 : i32 to index
    %get3A_1021 = arith.constant 0 : index
    %get3A_1022 = vector.load %arg6[%get3A_1020, %get3A_1021] : memref<2048x768xf32, #tpu.memory_space<vmem>>, vector<1x768xf32>
    %slice3A_1023 = vector.extract_strided_slice %add3A_549 {offsets = [29, 0], sizes = [1, 768], strides = [1, 1]} : vector<32x768xf32> to vector<1x768xf32>
    %mul3A_1024 = vector.broadcast %get3A_1019 : f32 to vector<1x768xf32>
    %mul3A_1025 = arith.mulf %slice3A_1023, %mul3A_1024 : vector<1x768xf32>
    %add3A_1026 = arith.addf %get3A_1022, %mul3A_1025 : vector<1x768xf32>
    %swap3A_1027 = arith.index_cast %get3A_1016 : i32 to index
    %swap3A_1028 = arith.constant 0 : index
    %swap3A_1029 = vector.load %arg6[%swap3A_1027, %swap3A_1028] : memref<2048x768xf32, #tpu.memory_space<vmem>>, vector<1x768xf32>
    tpu.vector_store %arg6[%swap3A_1027, %swap3A_1028], %add3A_1026 {strides = array<i32>} : memref<2048x768xf32, #tpu.memory_space<vmem>>, vector<1x768xf32>,
    %get3A_1030 = arith.constant 30 : index
    %get3A_1031 = arith.index_cast %add3A_532 : i32 to index
    %get3A_1032 = memref.load %arg1[%get3A_1030, %get3A_1031] : memref<32x64xi32, #tpu.memory_space<smem>>
    %get3A_1033 = arith.constant 30 : index
    %get3A_1034 = arith.index_cast %add3A_532 : i32 to index
    %get3A_1035 = memref.load %arg2[%get3A_1033, %get3A_1034] : memref<32x64xf32, #tpu.memory_space<smem>>
    %get3A_1036 = arith.index_cast %get3A_1032 : i32 to index
    %get3A_1037 = arith.constant 0 : index
    %get3A_1038 = vector.load %arg6[%get3A_1036, %get3A_1037] : memref<2048x768xf32, #tpu.memory_space<vmem>>, vector<1x768xf32>
    %slice3A_1039 = vector.extract_strided_slice %add3A_549 {offsets = [30, 0], sizes = [1, 768], strides = [1, 1]} : vector<32x768xf32> to vector<1x768xf32>
    %mul3A_1040 = vector.broadcast %get3A_1035 : f32 to vector<1x768xf32>
    %mul3A_1041 = arith.mulf %slice3A_1039, %mul3A_1040 : vector<1x768xf32>
    %add3A_1042 = arith.addf %get3A_1038, %mul3A_1041 : vector<1x768xf32>
    %swap3A_1043 = arith.index_cast %get3A_1032 : i32 to index
    %swap3A_1044 = arith.constant 0 : index
    %swap3A_1045 = vector.load %arg6[%swap3A_1043, %swap3A_1044] : memref<2048x768xf32, #tpu.memory_space<vmem>>, vector<1x768xf32>
    tpu.vector_store %arg6[%swap3A_1043, %swap3A_1044], %add3A_1042 {strides = array<i32>} : memref<2048x768xf32, #tpu.memory_space<vmem>>, vector<1x768xf32>,
    %get3A_1046 = arith.constant 31 : index
    %get3A_1047 = arith.index_cast %add3A_532 : i32 to index
    %get3A_1048 = memref.load %arg1[%get3A_1046, %get3A_1047] : memref<32x64xi32, #tpu.memory_space<smem>>
    %get3A_1049 = arith.constant 31 : index
    %get3A_1050 = arith.index_cast %add3A_532 : i32 to index
    %get3A_1051 = memref.load %arg2[%get3A_1049, %get3A_1050] : memref<32x64xf32, #tpu.memory_space<smem>>
    %get3A_1052 = arith.index_cast %get3A_1048 : i32 to index
    %get3A_1053 = arith.constant 0 : index
    %get3A_1054 = vector.load %arg6[%get3A_1052, %get3A_1053] : memref<2048x768xf32, #tpu.memory_space<vmem>>, vector<1x768xf32>
    %slice3A_1055 = vector.extract_strided_slice %add3A_549 {offsets = [31, 0], sizes = [1, 768], strides = [1, 1]} : vector<32x768xf32> to vector<1x768xf32>
    %mul3A_1056 = vector.broadcast %get3A_1051 : f32 to vector<1x768xf32>
    %mul3A_1057 = arith.mulf %slice3A_1055, %mul3A_1056 : vector<1x768xf32>
    %add3A_1058 = arith.addf %get3A_1054, %mul3A_1057 : vector<1x768xf32>
    %swap3A_1059 = arith.index_cast %get3A_1048 : i32 to index
    %swap3A_1060 = arith.constant 0 : index
    %swap3A_1061 = vector.load %arg6[%swap3A_1059, %swap3A_1060] : memref<2048x768xf32, #tpu.memory_space<vmem>>, vector<1x768xf32>
    tpu.vector_store %arg6[%swap3A_1059, %swap3A_1060], %add3A_1058 {strides = array<i32>} : memref<2048x768xf32, #tpu.memory_space<vmem>>, vector<1x768xf32>,
    %mul3A_1062 = arith.constant 4 : i32
    %mul3A_1063 = arith.muli %arg0, %mul3A_1062 : i32
    %add3A_1064 = arith.constant 2 : i32
    %add3A_1065 = arith.addi %mul3A_1063, %add3A_1064 : i32
    %get3A_1066 = arith.constant 64 : index
    %get3A_1067 = arith.constant 0 : index
    %get3A_1068 = vector.load %arg3[%get3A_1066, %get3A_1067] : memref<128x768xf32, #tpu.memory_space<vmem>>, vector<32x768xf32>
    %get3A_1069 = arith.constant 2 : index
    %get3A_1070 = arith.constant 0 : index
    %get3A_1071 = arith.constant 0 : index
    %get3A_1072 = vector.load %arg4[%get3A_1069, %get3A_1070, %get3A_1071] : memref<4x768x768xf32, #tpu.memory_space<vmem>>, vector<1x768x768xf32>
    %get3A_1073 = vector.shape_cast %get3A_1072 : vector<1x768x768xf32> to vector<768x768xf32>
    %dot_general3A_1074 = arith.constant dense<0.000000e+00> : vector<32x768xf32>
    %dot_general3A_1075 = tpu.matmul %get3A_1068, %get3A_1073, %dot_general3A_1074 {dimension_numbers = #tpu.dot_dimension_numbers<[1], [0], [0], [1], [0, 0, 1, 1], [], []>, transpose_lhs_hint = false} : vector<32x768xf32>, vector<768x768xf32>, vector<32x768xf32> -> vector<32x768xf32>
    %get3A_1076 = arith.constant 2 : index
    %get3A_1077 = arith.constant 0 : index
    %get3A_1078 = arith.constant 0 : index
    %get3A_1079 = vector.load %arg5[%get3A_1076, %get3A_1077, %get3A_1078] : memref<4x1x768xf32, #tpu.memory_space<vmem>>, vector<1x1x768xf32>
    %get3A_1080 = vector.shape_cast %get3A_1079 : vector<1x1x768xf32> to vector<1x768xf32>
    %add3A_1081 = vector.broadcast %get3A_1080 : vector<1x768xf32> to vector<32x768xf32>
    %add3A_1082 = arith.addf %dot_general3A_1075, %add3A_1081 : vector<32x768xf32>
    %get3A_1083 = arith.constant 0 : index
    %get3A_1084 = arith.index_cast %add3A_1065 : i32 to index
    %get3A_1085 = memref.load %arg1[%get3A_1083, %get3A_1084] : memref<32x64xi32, #tpu.memory_space<smem>>
    %get3A_1086 = arith.constant 0 : index
    %get3A_1087 = arith.index_cast %add3A_1065 : i32 to index
    %get3A_1088 = memref.load %arg2[%get3A_1086, %get3A_1087] : memref<32x64xf32, #tpu.memory_space<smem>>
    %get3A_1089 = arith.index_cast %get3A_1085 : i32 to index
    %get3A_1090 = arith.constant 0 : index
    %get3A_1091 = vector.load %arg6[%get3A_1089, %get3A_1090] : memref<2048x768xf32, #tpu.memory_space<vmem>>, vector<1x768xf32>
    %slice3A_1092 = vector.extract_strided_slice %add3A_1082 {offsets = [0, 0], sizes = [1, 768], strides = [1, 1]} : vector<32x768xf32> to vector<1x768xf32>
    %mul3A_1093 = vector.broadcast %get3A_1088 : f32 to vector<1x768xf32>
    %mul3A_1094 = arith.mulf %slice3A_1092, %mul3A_1093 : vector<1x768xf32>
    %add3A_1095 = arith.addf %get3A_1091, %mul3A_1094 : vector<1x768xf32>
    %swap3A_1096 = arith.index_cast %get3A_1085 : i32 to index
    %swap3A_1097 = arith.constant 0 : index
    %swap3A_1098 = vector.load %arg6[%swap3A_1096, %swap3A_1097] : memref<2048x768xf32, #tpu.memory_space<vmem>>, vector<1x768xf32>
    tpu.vector_store %arg6[%swap3A_1096, %swap3A_1097], %add3A_1095 {strides = array<i32>} : memref<2048x768xf32, #tpu.memory_space<vmem>>, vector<1x768xf32>,
    %get3A_1099 = arith.constant 1 : index
    %get3A_1100 = arith.index_cast %add3A_1065 : i32 to index
    %get3A_1101 = memref.load %arg1[%get3A_1099, %get3A_1100] : memref<32x64xi32, #tpu.memory_space<smem>>
    %get3A_1102 = arith.constant 1 : index
    %get3A_1103 = arith.index_cast %add3A_1065 : i32 to index
    %get3A_1104 = memref.load %arg2[%get3A_1102, %get3A_1103] : memref<32x64xf32, #tpu.memory_space<smem>>
    %get3A_1105 = arith.index_cast %get3A_1101 : i32 to index
    %get3A_1106 = arith.constant 0 : index
    %get3A_1107 = vector.load %arg6[%get3A_1105, %get3A_1106] : memref<2048x768xf32, #tpu.memory_space<vmem>>, vector<1x768xf32>
    %slice3A_1108 = vector.extract_strided_slice %add3A_1082 {offsets = [1, 0], sizes = [1, 768], strides = [1, 1]} : vector<32x768xf32> to vector<1x768xf32>
    %mul3A_1109 = vector.broadcast %get3A_1104 : f32 to vector<1x768xf32>
    %mul3A_1110 = arith.mulf %slice3A_1108, %mul3A_1109 : vector<1x768xf32>
    %add3A_1111 = arith.addf %get3A_1107, %mul3A_1110 : vector<1x768xf32>
    %swap3A_1112 = arith.index_cast %get3A_1101 : i32 to index
    %swap3A_1113 = arith.constant 0 : index
    %swap3A_1114 = vector.load %arg6[%swap3A_1112, %swap3A_1113] : memref<2048x768xf32, #tpu.memory_space<vmem>>, vector<1x768xf32>
    tpu.vector_store %arg6[%swap3A_1112, %swap3A_1113], %add3A_1111 {strides = array<i32>} : memref<2048x768xf32, #tpu.memory_space<vmem>>, vector<1x768xf32>,
    %get3A_1115 = arith.constant 2 : index
    %get3A_1116 = arith.index_cast %add3A_1065 : i32 to index
    %get3A_1117 = memref.load %arg1[%get3A_1115, %get3A_1116] : memref<32x64xi32, #tpu.memory_space<smem>>
    %get3A_1118 = arith.constant 2 : index
    %get3A_1119 = arith.index_cast %add3A_1065 : i32 to index
    %get3A_1120 = memref.load %arg2[%get3A_1118, %get3A_1119] : memref<32x64xf32, #tpu.memory_space<smem>>
    %get3A_1121 = arith.index_cast %get3A_1117 : i32 to index
    %get3A_1122 = arith.constant 0 : index
    %get3A_1123 = vector.load %arg6[%get3A_1121, %get3A_1122] : memref<2048x768xf32, #tpu.memory_space<vmem>>, vector<1x768xf32>
    %slice3A_1124 = vector.extract_strided_slice %add3A_1082 {offsets = [2, 0], sizes = [1, 768], strides = [1, 1]} : vector<32x768xf32> to vector<1x768xf32>
    %mul3A_1125 = vector.broadcast %get3A_1120 : f32 to vector<1x768xf32>
    %mul3A_1126 = arith.mulf %slice3A_1124, %mul3A_1125 : vector<1x768xf32>
    %add3A_1127 = arith.addf %get3A_1123, %mul3A_1126 : vector<1x768xf32>
    %swap3A_1128 = arith.index_cast %get3A_1117 : i32 to index
    %swap3A_1129 = arith.constant 0 : index
    %swap3A_1130 = vector.load %arg6[%swap3A_1128, %swap3A_1129] : memref<2048x768xf32, #tpu.memory_space<vmem>>, vector<1x768xf32>
    tpu.vector_store %arg6[%swap3A_1128, %swap3A_1129], %add3A_1127 {strides = array<i32>} : memref<2048x768xf32, #tpu.memory_space<vmem>>, vector<1x768xf32>,
    %get3A_1131 = arith.constant 3 : index
    %get3A_1132 = arith.index_cast %add3A_1065 : i32 to index
    %get3A_1133 = memref.load %arg1[%get3A_1131, %get3A_1132] : memref<32x64xi32, #tpu.memory_space<smem>>
    %get3A_1134 = arith.constant 3 : index
    %get3A_1135 = arith.index_cast %add3A_1065 : i32 to index
    %get3A_1136 = memref.load %arg2[%get3A_1134, %get3A_1135] : memref<32x64xf32, #tpu.memory_space<smem>>
    %get3A_1137 = arith.index_cast %get3A_1133 : i32 to index
    %get3A_1138 = arith.constant 0 : index
    %get3A_1139 = vector.load %arg6[%get3A_1137, %get3A_1138] : memref<2048x768xf32, #tpu.memory_space<vmem>>, vector<1x768xf32>
    %slice3A_1140 = vector.extract_strided_slice %add3A_1082 {offsets = [3, 0], sizes = [1, 768], strides = [1, 1]} : vector<32x768xf32> to vector<1x768xf32>
    %mul3A_1141 = vector.broadcast %get3A_1136 : f32 to vector<1x768xf32>
    %mul3A_1142 = arith.mulf %slice3A_1140, %mul3A_1141 : vector<1x768xf32>
    %add3A_1143 = arith.addf %get3A_1139, %mul3A_1142 : vector<1x768xf32>
    %swap3A_1144 = arith.index_cast %get3A_1133 : i32 to index
    %swap3A_1145 = arith.constant 0 : index
    %swap3A_1146 = vector.load %arg6[%swap3A_1144, %swap3A_1145] : memref<2048x768xf32, #tpu.memory_space<vmem>>, vector<1x768xf32>
    tpu.vector_store %arg6[%swap3A_1144, %swap3A_1145], %add3A_1143 {strides = array<i32>} : memref<2048x768xf32, #tpu.memory_space<vmem>>, vector<1x768xf32>,
    %get3A_1147 = arith.constant 4 : index
    %get3A_1148 = arith.index_cast %add3A_1065 : i32 to index
    %get3A_1149 = memref.load %arg1[%get3A_1147, %get3A_1148] : memref<32x64xi32, #tpu.memory_space<smem>>
    %get3A_1150 = arith.constant 4 : index
    %get3A_1151 = arith.index_cast %add3A_1065 : i32 to index
    %get3A_1152 = memref.load %arg2[%get3A_1150, %get3A_1151] : memref<32x64xf32, #tpu.memory_space<smem>>
    %get3A_1153 = arith.index_cast %get3A_1149 : i32 to index
    %get3A_1154 = arith.constant 0 : index
    %get3A_1155 = vector.load %arg6[%get3A_1153, %get3A_1154] : memref<2048x768xf32, #tpu.memory_space<vmem>>, vector<1x768xf32>
    %slice3A_1156 = vector.extract_strided_slice %add3A_1082 {offsets = [4, 0], sizes = [1, 768], strides = [1, 1]} : vector<32x768xf32> to vector<1x768xf32>
    %mul3A_1157 = vector.broadcast %get3A_1152 : f32 to vector<1x768xf32>
    %mul3A_1158 = arith.mulf %slice3A_1156, %mul3A_1157 : vector<1x768xf32>
    %add3A_1159 = arith.addf %get3A_1155, %mul3A_1158 : vector<1x768xf32>
    %swap3A_1160 = arith.index_cast %get3A_1149 : i32 to index
    %swap3A_1161 = arith.constant 0 : index
    %swap3A_1162 = vector.load %arg6[%swap3A_1160, %swap3A_1161] : memref<2048x768xf32, #tpu.memory_space<vmem>>, vector<1x768xf32>
    tpu.vector_store %arg6[%swap3A_1160, %swap3A_1161], %add3A_1159 {strides = array<i32>} : memref<2048x768xf32, #tpu.memory_space<vmem>>, vector<1x768xf32>,
    %get3A_1163 = arith.constant 5 : index
    %get3A_1164 = arith.index_cast %add3A_1065 : i32 to index
    %get3A_1165 = memref.load %arg1[%get3A_1163, %get3A_1164] : memref<32x64xi32, #tpu.memory_space<smem>>
    %get3A_1166 = arith.constant 5 : index
    %get3A_1167 = arith.index_cast %add3A_1065 : i32 to index
    %get3A_1168 = memref.load %arg2[%get3A_1166, %get3A_1167] : memref<32x64xf32, #tpu.memory_space<smem>>
    %get3A_1169 = arith.index_cast %get3A_1165 : i32 to index
    %get3A_1170 = arith.constant 0 : index
    %get3A_1171 = vector.load %arg6[%get3A_1169, %get3A_1170] : memref<2048x768xf32, #tpu.memory_space<vmem>>, vector<1x768xf32>
    %slice3A_1172 = vector.extract_strided_slice %add3A_1082 {offsets = [5, 0], sizes = [1, 768], strides = [1, 1]} : vector<32x768xf32> to vector<1x768xf32>
    %mul3A_1173 = vector.broadcast %get3A_1168 : f32 to vector<1x768xf32>
    %mul3A_1174 = arith.mulf %slice3A_1172, %mul3A_1173 : vector<1x768xf32>
    %add3A_1175 = arith.addf %get3A_1171, %mul3A_1174 : vector<1x768xf32>
    %swap3A_1176 = arith.index_cast %get3A_1165 : i32 to index
    %swap3A_1177 = arith.constant 0 : index
    %swap3A_1178 = vector.load %arg6[%swap3A_1176, %swap3A_1177] : memref<2048x768xf32, #tpu.memory_space<vmem>>, vector<1x768xf32>
    tpu.vector_store %arg6[%swap3A_1176, %swap3A_1177], %add3A_1175 {strides = array<i32>} : memref<2048x768xf32, #tpu.memory_space<vmem>>, vector<1x768xf32>,
    %get3A_1179 = arith.constant 6 : index
    %get3A_1180 = arith.index_cast %add3A_1065 : i32 to index
    %get3A_1181 = memref.load %arg1[%get3A_1179, %get3A_1180] : memref<32x64xi32, #tpu.memory_space<smem>>
    %get3A_1182 = arith.constant 6 : index
    %get3A_1183 = arith.index_cast %add3A_1065 : i32 to index
    %get3A_1184 = memref.load %arg2[%get3A_1182, %get3A_1183] : memref<32x64xf32, #tpu.memory_space<smem>>
    %get3A_1185 = arith.index_cast %get3A_1181 : i32 to index
    %get3A_1186 = arith.constant 0 : index
    %get3A_1187 = vector.load %arg6[%get3A_1185, %get3A_1186] : memref<2048x768xf32, #tpu.memory_space<vmem>>, vector<1x768xf32>
    %slice3A_1188 = vector.extract_strided_slice %add3A_1082 {offsets = [6, 0], sizes = [1, 768], strides = [1, 1]} : vector<32x768xf32> to vector<1x768xf32>
    %mul3A_1189 = vector.broadcast %get3A_1184 : f32 to vector<1x768xf32>
    %mul3A_1190 = arith.mulf %slice3A_1188, %mul3A_1189 : vector<1x768xf32>
    %add3A_1191 = arith.addf %get3A_1187, %mul3A_1190 : vector<1x768xf32>
    %swap3A_1192 = arith.index_cast %get3A_1181 : i32 to index
    %swap3A_1193 = arith.constant 0 : index
    %swap3A_1194 = vector.load %arg6[%swap3A_1192, %swap3A_1193] : memref<2048x768xf32, #tpu.memory_space<vmem>>, vector<1x768xf32>
    tpu.vector_store %arg6[%swap3A_1192, %swap3A_1193], %add3A_1191 {strides = array<i32>} : memref<2048x768xf32, #tpu.memory_space<vmem>>, vector<1x768xf32>,
    %get3A_1195 = arith.constant 7 : index
    %get3A_1196 = arith.index_cast %add3A_1065 : i32 to index
    %get3A_1197 = memref.load %arg1[%get3A_1195, %get3A_1196] : memref<32x64xi32, #tpu.memory_space<smem>>
    %get3A_1198 = arith.constant 7 : index
    %get3A_1199 = arith.index_cast %add3A_1065 : i32 to index
    %get3A_1200 = memref.load %arg2[%get3A_1198, %get3A_1199] : memref<32x64xf32, #tpu.memory_space<smem>>
    %get3A_1201 = arith.index_cast %get3A_1197 : i32 to index
    %get3A_1202 = arith.constant 0 : index
    %get3A_1203 = vector.load %arg6[%get3A_1201, %get3A_1202] : memref<2048x768xf32, #tpu.memory_space<vmem>>, vector<1x768xf32>
    %slice3A_1204 = vector.extract_strided_slice %add3A_1082 {offsets = [7, 0], sizes = [1, 768], strides = [1, 1]} : vector<32x768xf32> to vector<1x768xf32>
    %mul3A_1205 = vector.broadcast %get3A_1200 : f32 to vector<1x768xf32>
    %mul3A_1206 = arith.mulf %slice3A_1204, %mul3A_1205 : vector<1x768xf32>
    %add3A_1207 = arith.addf %get3A_1203, %mul3A_1206 : vector<1x768xf32>
    %swap3A_1208 = arith.index_cast %get3A_1197 : i32 to index
    %swap3A_1209 = arith.constant 0 : index
    %swap3A_1210 = vector.load %arg6[%swap3A_1208, %swap3A_1209] : memref<2048x768xf32, #tpu.memory_space<vmem>>, vector<1x768xf32>
    tpu.vector_store %arg6[%swap3A_1208, %swap3A_1209], %add3A_1207 {strides = array<i32>} : memref<2048x768xf32, #tpu.memory_space<vmem>>, vector<1x768xf32>,
    %get3A_1211 = arith.constant 8 : index
    %get3A_1212 = arith.index_cast %add3A_1065 : i32 to index
    %get3A_1213 = memref.load %arg1[%get3A_1211, %get3A_1212] : memref<32x64xi32, #tpu.memory_space<smem>>
    %get3A_1214 = arith.constant 8 : index
    %get3A_1215 = arith.index_cast %add3A_1065 : i32 to index
    %get3A_1216 = memref.load %arg2[%get3A_1214, %get3A_1215] : memref<32x64xf32, #tpu.memory_space<smem>>
    %get3A_1217 = arith.index_cast %get3A_1213 : i32 to index
    %get3A_1218 = arith.constant 0 : index
    %get3A_1219 = vector.load %arg6[%get3A_1217, %get3A_1218] : memref<2048x768xf32, #tpu.memory_space<vmem>>, vector<1x768xf32>
    %slice3A_1220 = vector.extract_strided_slice %add3A_1082 {offsets = [8, 0], sizes = [1, 768], strides = [1, 1]} : vector<32x768xf32> to vector<1x768xf32>
    %mul3A_1221 = vector.broadcast %get3A_1216 : f32 to vector<1x768xf32>
    %mul3A_1222 = arith.mulf %slice3A_1220, %mul3A_1221 : vector<1x768xf32>
    %add3A_1223 = arith.addf %get3A_1219, %mul3A_1222 : vector<1x768xf32>
    %swap3A_1224 = arith.index_cast %get3A_1213 : i32 to index
    %swap3A_1225 = arith.constant 0 : index
    %swap3A_1226 = vector.load %arg6[%swap3A_1224, %swap3A_1225] : memref<2048x768xf32, #tpu.memory_space<vmem>>, vector<1x768xf32>
    tpu.vector_store %arg6[%swap3A_1224, %swap3A_1225], %add3A_1223 {strides = array<i32>} : memref<2048x768xf32, #tpu.memory_space<vmem>>, vector<1x768xf32>,
    %get3A_1227 = arith.constant 9 : index
    %get3A_1228 = arith.index_cast %add3A_1065 : i32 to index
    %get3A_1229 = memref.load %arg1[%get3A_1227, %get3A_1228] : memref<32x64xi32, #tpu.memory_space<smem>>
    %get3A_1230 = arith.constant 9 : index
    %get3A_1231 = arith.index_cast %add3A_1065 : i32 to index
    %get3A_1232 = memref.load %arg2[%get3A_1230, %get3A_1231] : memref<32x64xf32, #tpu.memory_space<smem>>
    %get3A_1233 = arith.index_cast %get3A_1229 : i32 to index
    %get3A_1234 = arith.constant 0 : index
    %get3A_1235 = vector.load %arg6[%get3A_1233, %get3A_1234] : memref<2048x768xf32, #tpu.memory_space<vmem>>, vector<1x768xf32>
    %slice3A_1236 = vector.extract_strided_slice %add3A_1082 {offsets = [9, 0], sizes = [1, 768], strides = [1, 1]} : vector<32x768xf32> to vector<1x768xf32>
    %mul3A_1237 = vector.broadcast %get3A_1232 : f32 to vector<1x768xf32>
    %mul3A_1238 = arith.mulf %slice3A_1236, %mul3A_1237 : vector<1x768xf32>
    %add3A_1239 = arith.addf %get3A_1235, %mul3A_1238 : vector<1x768xf32>
    %swap3A_1240 = arith.index_cast %get3A_1229 : i32 to index
    %swap3A_1241 = arith.constant 0 : index
    %swap3A_1242 = vector.load %arg6[%swap3A_1240, %swap3A_1241] : memref<2048x768xf32, #tpu.memory_space<vmem>>, vector<1x768xf32>
    tpu.vector_store %arg6[%swap3A_1240, %swap3A_1241], %add3A_1239 {strides = array<i32>} : memref<2048x768xf32, #tpu.memory_space<vmem>>, vector<1x768xf32>,
    %get3A_1243 = arith.constant 10 : index
    %get3A_1244 = arith.index_cast %add3A_1065 : i32 to index
    %get3A_1245 = memref.load %arg1[%get3A_1243, %get3A_1244] : memref<32x64xi32, #tpu.memory_space<smem>>
    %get3A_1246 = arith.constant 10 : index
    %get3A_1247 = arith.index_cast %add3A_1065 : i32 to index
    %get3A_1248 = memref.load %arg2[%get3A_1246, %get3A_1247] : memref<32x64xf32, #tpu.memory_space<smem>>
    %get3A_1249 = arith.index_cast %get3A_1245 : i32 to index
    %get3A_1250 = arith.constant 0 : index
    %get3A_1251 = vector.load %arg6[%get3A_1249, %get3A_1250] : memref<2048x768xf32, #tpu.memory_space<vmem>>, vector<1x768xf32>
    %slice3A_1252 = vector.extract_strided_slice %add3A_1082 {offsets = [10, 0], sizes = [1, 768], strides = [1, 1]} : vector<32x768xf32> to vector<1x768xf32>
    %mul3A_1253 = vector.broadcast %get3A_1248 : f32 to vector<1x768xf32>
    %mul3A_1254 = arith.mulf %slice3A_1252, %mul3A_1253 : vector<1x768xf32>
    %add3A_1255 = arith.addf %get3A_1251, %mul3A_1254 : vector<1x768xf32>
    %swap3A_1256 = arith.index_cast %get3A_1245 : i32 to index
    %swap3A_1257 = arith.constant 0 : index
    %swap3A_1258 = vector.load %arg6[%swap3A_1256, %swap3A_1257] : memref<2048x768xf32, #tpu.memory_space<vmem>>, vector<1x768xf32>
    tpu.vector_store %arg6[%swap3A_1256, %swap3A_1257], %add3A_1255 {strides = array<i32>} : memref<2048x768xf32, #tpu.memory_space<vmem>>, vector<1x768xf32>,
    %get3A_1259 = arith.constant 11 : index
    %get3A_1260 = arith.index_cast %add3A_1065 : i32 to index
    %get3A_1261 = memref.load %arg1[%get3A_1259, %get3A_1260] : memref<32x64xi32, #tpu.memory_space<smem>>
    %get3A_1262 = arith.constant 11 : index
    %get3A_1263 = arith.index_cast %add3A_1065 : i32 to index
    %get3A_1264 = memref.load %arg2[%get3A_1262, %get3A_1263] : memref<32x64xf32, #tpu.memory_space<smem>>
    %get3A_1265 = arith.index_cast %get3A_1261 : i32 to index
    %get3A_1266 = arith.constant 0 : index
    %get3A_1267 = vector.load %arg6[%get3A_1265, %get3A_1266] : memref<2048x768xf32, #tpu.memory_space<vmem>>, vector<1x768xf32>
    %slice3A_1268 = vector.extract_strided_slice %add3A_1082 {offsets = [11, 0], sizes = [1, 768], strides = [1, 1]} : vector<32x768xf32> to vector<1x768xf32>
    %mul3A_1269 = vector.broadcast %get3A_1264 : f32 to vector<1x768xf32>
    %mul3A_1270 = arith.mulf %slice3A_1268, %mul3A_1269 : vector<1x768xf32>
    %add3A_1271 = arith.addf %get3A_1267, %mul3A_1270 : vector<1x768xf32>
    %swap3A_1272 = arith.index_cast %get3A_1261 : i32 to index
    %swap3A_1273 = arith.constant 0 : index
    %swap3A_1274 = vector.load %arg6[%swap3A_1272, %swap3A_1273] : memref<2048x768xf32, #tpu.memory_space<vmem>>, vector<1x768xf32>
    tpu.vector_store %arg6[%swap3A_1272, %swap3A_1273], %add3A_1271 {strides = array<i32>} : memref<2048x768xf32, #tpu.memory_space<vmem>>, vector<1x768xf32>,
    %get3A_1275 = arith.constant 12 : index
    %get3A_1276 = arith.index_cast %add3A_1065 : i32 to index
    %get3A_1277 = memref.load %arg1[%get3A_1275, %get3A_1276] : memref<32x64xi32, #tpu.memory_space<smem>>
    %get3A_1278 = arith.constant 12 : index
    %get3A_1279 = arith.index_cast %add3A_1065 : i32 to index
    %get3A_1280 = memref.load %arg2[%get3A_1278, %get3A_1279] : memref<32x64xf32, #tpu.memory_space<smem>>
    %get3A_1281 = arith.index_cast %get3A_1277 : i32 to index
    %get3A_1282 = arith.constant 0 : index
    %get3A_1283 = vector.load %arg6[%get3A_1281, %get3A_1282] : memref<2048x768xf32, #tpu.memory_space<vmem>>, vector<1x768xf32>
    %slice3A_1284 = vector.extract_strided_slice %add3A_1082 {offsets = [12, 0], sizes = [1, 768], strides = [1, 1]} : vector<32x768xf32> to vector<1x768xf32>
    %mul3A_1285 = vector.broadcast %get3A_1280 : f32 to vector<1x768xf32>
    %mul3A_1286 = arith.mulf %slice3A_1284, %mul3A_1285 : vector<1x768xf32>
    %add3A_1287 = arith.addf %get3A_1283, %mul3A_1286 : vector<1x768xf32>
    %swap3A_1288 = arith.index_cast %get3A_1277 : i32 to index
    %swap3A_1289 = arith.constant 0 : index
    %swap3A_1290 = vector.load %arg6[%swap3A_1288, %swap3A_1289] : memref<2048x768xf32, #tpu.memory_space<vmem>>, vector<1x768xf32>
    tpu.vector_store %arg6[%swap3A_1288, %swap3A_1289], %add3A_1287 {strides = array<i32>} : memref<2048x768xf32, #tpu.memory_space<vmem>>, vector<1x768xf32>,
    %get3A_1291 = arith.constant 13 : index
    %get3A_1292 = arith.index_cast %add3A_1065 : i32 to index
    %get3A_1293 = memref.load %arg1[%get3A_1291, %get3A_1292] : memref<32x64xi32, #tpu.memory_space<smem>>
    %get3A_1294 = arith.constant 13 : index
    %get3A_1295 = arith.index_cast %add3A_1065 : i32 to index
    %get3A_1296 = memref.load %arg2[%get3A_1294, %get3A_1295] : memref<32x64xf32, #tpu.memory_space<smem>>
    %get3A_1297 = arith.index_cast %get3A_1293 : i32 to index
    %get3A_1298 = arith.constant 0 : index
    %get3A_1299 = vector.load %arg6[%get3A_1297, %get3A_1298] : memref<2048x768xf32, #tpu.memory_space<vmem>>, vector<1x768xf32>
    %slice3A_1300 = vector.extract_strided_slice %add3A_1082 {offsets = [13, 0], sizes = [1, 768], strides = [1, 1]} : vector<32x768xf32> to vector<1x768xf32>
    %mul3A_1301 = vector.broadcast %get3A_1296 : f32 to vector<1x768xf32>
    %mul3A_1302 = arith.mulf %slice3A_1300, %mul3A_1301 : vector<1x768xf32>
    %add3A_1303 = arith.addf %get3A_1299, %mul3A_1302 : vector<1x768xf32>
    %swap3A_1304 = arith.index_cast %get3A_1293 : i32 to index
    %swap3A_1305 = arith.constant 0 : index
    %swap3A_1306 = vector.load %arg6[%swap3A_1304, %swap3A_1305] : memref<2048x768xf32, #tpu.memory_space<vmem>>, vector<1x768xf32>
    tpu.vector_store %arg6[%swap3A_1304, %swap3A_1305], %add3A_1303 {strides = array<i32>} : memref<2048x768xf32, #tpu.memory_space<vmem>>, vector<1x768xf32>,
    %get3A_1307 = arith.constant 14 : index
    %get3A_1308 = arith.index_cast %add3A_1065 : i32 to index
    %get3A_1309 = memref.load %arg1[%get3A_1307, %get3A_1308] : memref<32x64xi32, #tpu.memory_space<smem>>
    %get3A_1310 = arith.constant 14 : index
    %get3A_1311 = arith.index_cast %add3A_1065 : i32 to index
    %get3A_1312 = memref.load %arg2[%get3A_1310, %get3A_1311] : memref<32x64xf32, #tpu.memory_space<smem>>
    %get3A_1313 = arith.index_cast %get3A_1309 : i32 to index
    %get3A_1314 = arith.constant 0 : index
    %get3A_1315 = vector.load %arg6[%get3A_1313, %get3A_1314] : memref<2048x768xf32, #tpu.memory_space<vmem>>, vector<1x768xf32>
    %slice3A_1316 = vector.extract_strided_slice %add3A_1082 {offsets = [14, 0], sizes = [1, 768], strides = [1, 1]} : vector<32x768xf32> to vector<1x768xf32>
    %mul3A_1317 = vector.broadcast %get3A_1312 : f32 to vector<1x768xf32>
    %mul3A_1318 = arith.mulf %slice3A_1316, %mul3A_1317 : vector<1x768xf32>
    %add3A_1319 = arith.addf %get3A_1315, %mul3A_1318 : vector<1x768xf32>
    %swap3A_1320 = arith.index_cast %get3A_1309 : i32 to index
    %swap3A_1321 = arith.constant 0 : index
    %swap3A_1322 = vector.load %arg6[%swap3A_1320, %swap3A_1321] : memref<2048x768xf32, #tpu.memory_space<vmem>>, vector<1x768xf32>
    tpu.vector_store %arg6[%swap3A_1320, %swap3A_1321], %add3A_1319 {strides = array<i32>} : memref<2048x768xf32, #tpu.memory_space<vmem>>, vector<1x768xf32>,
    %get3A_1323 = arith.constant 15 : index
    %get3A_1324 = arith.index_cast %add3A_1065 : i32 to index
    %get3A_1325 = memref.load %arg1[%get3A_1323, %get3A_1324] : memref<32x64xi32, #tpu.memory_space<smem>>
    %get3A_1326 = arith.constant 15 : index
    %get3A_1327 = arith.index_cast %add3A_1065 : i32 to index
    %get3A_1328 = memref.load %arg2[%get3A_1326, %get3A_1327] : memref<32x64xf32, #tpu.memory_space<smem>>
    %get3A_1329 = arith.index_cast %get3A_1325 : i32 to index
    %get3A_1330 = arith.constant 0 : index
    %get3A_1331 = vector.load %arg6[%get3A_1329, %get3A_1330] : memref<2048x768xf32, #tpu.memory_space<vmem>>, vector<1x768xf32>
    %slice3A_1332 = vector.extract_strided_slice %add3A_1082 {offsets = [15, 0], sizes = [1, 768], strides = [1, 1]} : vector<32x768xf32> to vector<1x768xf32>
    %mul3A_1333 = vector.broadcast %get3A_1328 : f32 to vector<1x768xf32>
    %mul3A_1334 = arith.mulf %slice3A_1332, %mul3A_1333 : vector<1x768xf32>
    %add3A_1335 = arith.addf %get3A_1331, %mul3A_1334 : vector<1x768xf32>
    %swap3A_1336 = arith.index_cast %get3A_1325 : i32 to index
    %swap3A_1337 = arith.constant 0 : index
    %swap3A_1338 = vector.load %arg6[%swap3A_1336, %swap3A_1337] : memref<2048x768xf32, #tpu.memory_space<vmem>>, vector<1x768xf32>
    tpu.vector_store %arg6[%swap3A_1336, %swap3A_1337], %add3A_1335 {strides = array<i32>} : memref<2048x768xf32, #tpu.memory_space<vmem>>, vector<1x768xf32>,
    %get3A_1339 = arith.constant 16 : index
    %get3A_1340 = arith.index_cast %add3A_1065 : i32 to index
    %get3A_1341 = memref.load %arg1[%get3A_1339, %get3A_1340] : memref<32x64xi32, #tpu.memory_space<smem>>
    %get3A_1342 = arith.constant 16 : index
    %get3A_1343 = arith.index_cast %add3A_1065 : i32 to index
    %get3A_1344 = memref.load %arg2[%get3A_1342, %get3A_1343] : memref<32x64xf32, #tpu.memory_space<smem>>
    %get3A_1345 = arith.index_cast %get3A_1341 : i32 to index
    %get3A_1346 = arith.constant 0 : index
    %get3A_1347 = vector.load %arg6[%get3A_1345, %get3A_1346] : memref<2048x768xf32, #tpu.memory_space<vmem>>, vector<1x768xf32>
    %slice3A_1348 = vector.extract_strided_slice %add3A_1082 {offsets = [16, 0], sizes = [1, 768], strides = [1, 1]} : vector<32x768xf32> to vector<1x768xf32>
    %mul3A_1349 = vector.broadcast %get3A_1344 : f32 to vector<1x768xf32>
    %mul3A_1350 = arith.mulf %slice3A_1348, %mul3A_1349 : vector<1x768xf32>
    %add3A_1351 = arith.addf %get3A_1347, %mul3A_1350 : vector<1x768xf32>
    %swap3A_1352 = arith.index_cast %get3A_1341 : i32 to index
    %swap3A_1353 = arith.constant 0 : index
    %swap3A_1354 = vector.load %arg6[%swap3A_1352, %swap3A_1353] : memref<2048x768xf32, #tpu.memory_space<vmem>>, vector<1x768xf32>
    tpu.vector_store %arg6[%swap3A_1352, %swap3A_1353], %add3A_1351 {strides = array<i32>} : memref<2048x768xf32, #tpu.memory_space<vmem>>, vector<1x768xf32>,
    %get3A_1355 = arith.constant 17 : index
    %get3A_1356 = arith.index_cast %add3A_1065 : i32 to index
    %get3A_1357 = memref.load %arg1[%get3A_1355, %get3A_1356] : memref<32x64xi32, #tpu.memory_space<smem>>
    %get3A_1358 = arith.constant 17 : index
    %get3A_1359 = arith.index_cast %add3A_1065 : i32 to index
    %get3A_1360 = memref.load %arg2[%get3A_1358, %get3A_1359] : memref<32x64xf32, #tpu.memory_space<smem>>
    %get3A_1361 = arith.index_cast %get3A_1357 : i32 to index
    %get3A_1362 = arith.constant 0 : index
    %get3A_1363 = vector.load %arg6[%get3A_1361, %get3A_1362] : memref<2048x768xf32, #tpu.memory_space<vmem>>, vector<1x768xf32>
    %slice3A_1364 = vector.extract_strided_slice %add3A_1082 {offsets = [17, 0], sizes = [1, 768], strides = [1, 1]} : vector<32x768xf32> to vector<1x768xf32>
    %mul3A_1365 = vector.broadcast %get3A_1360 : f32 to vector<1x768xf32>
    %mul3A_1366 = arith.mulf %slice3A_1364, %mul3A_1365 : vector<1x768xf32>
    %add3A_1367 = arith.addf %get3A_1363, %mul3A_1366 : vector<1x768xf32>
    %swap3A_1368 = arith.index_cast %get3A_1357 : i32 to index
    %swap3A_1369 = arith.constant 0 : index
    %swap3A_1370 = vector.load %arg6[%swap3A_1368, %swap3A_1369] : memref<2048x768xf32, #tpu.memory_space<vmem>>, vector<1x768xf32>
    tpu.vector_store %arg6[%swap3A_1368, %swap3A_1369], %add3A_1367 {strides = array<i32>} : memref<2048x768xf32, #tpu.memory_space<vmem>>, vector<1x768xf32>,
    %get3A_1371 = arith.constant 18 : index
    %get3A_1372 = arith.index_cast %add3A_1065 : i32 to index
    %get3A_1373 = memref.load %arg1[%get3A_1371, %get3A_1372] : memref<32x64xi32, #tpu.memory_space<smem>>
    %get3A_1374 = arith.constant 18 : index
    %get3A_1375 = arith.index_cast %add3A_1065 : i32 to index
    %get3A_1376 = memref.load %arg2[%get3A_1374, %get3A_1375] : memref<32x64xf32, #tpu.memory_space<smem>>
    %get3A_1377 = arith.index_cast %get3A_1373 : i32 to index
    %get3A_1378 = arith.constant 0 : index
    %get3A_1379 = vector.load %arg6[%get3A_1377, %get3A_1378] : memref<2048x768xf32, #tpu.memory_space<vmem>>, vector<1x768xf32>
    %slice3A_1380 = vector.extract_strided_slice %add3A_1082 {offsets = [18, 0], sizes = [1, 768], strides = [1, 1]} : vector<32x768xf32> to vector<1x768xf32>
    %mul3A_1381 = vector.broadcast %get3A_1376 : f32 to vector<1x768xf32>
    %mul3A_1382 = arith.mulf %slice3A_1380, %mul3A_1381 : vector<1x768xf32>
    %add3A_1383 = arith.addf %get3A_1379, %mul3A_1382 : vector<1x768xf32>
    %swap3A_1384 = arith.index_cast %get3A_1373 : i32 to index
    %swap3A_1385 = arith.constant 0 : index
    %swap3A_1386 = vector.load %arg6[%swap3A_1384, %swap3A_1385] : memref<2048x768xf32, #tpu.memory_space<vmem>>, vector<1x768xf32>
    tpu.vector_store %arg6[%swap3A_1384, %swap3A_1385], %add3A_1383 {strides = array<i32>} : memref<2048x768xf32, #tpu.memory_space<vmem>>, vector<1x768xf32>,
    %get3A_1387 = arith.constant 19 : index
    %get3A_1388 = arith.index_cast %add3A_1065 : i32 to index
    %get3A_1389 = memref.load %arg1[%get3A_1387, %get3A_1388] : memref<32x64xi32, #tpu.memory_space<smem>>
    %get3A_1390 = arith.constant 19 : index
    %get3A_1391 = arith.index_cast %add3A_1065 : i32 to index
    %get3A_1392 = memref.load %arg2[%get3A_1390, %get3A_1391] : memref<32x64xf32, #tpu.memory_space<smem>>
    %get3A_1393 = arith.index_cast %get3A_1389 : i32 to index
    %get3A_1394 = arith.constant 0 : index
    %get3A_1395 = vector.load %arg6[%get3A_1393, %get3A_1394] : memref<2048x768xf32, #tpu.memory_space<vmem>>, vector<1x768xf32>
    %slice3A_1396 = vector.extract_strided_slice %add3A_1082 {offsets = [19, 0], sizes = [1, 768], strides = [1, 1]} : vector<32x768xf32> to vector<1x768xf32>
    %mul3A_1397 = vector.broadcast %get3A_1392 : f32 to vector<1x768xf32>
    %mul3A_1398 = arith.mulf %slice3A_1396, %mul3A_1397 : vector<1x768xf32>
    %add3A_1399 = arith.addf %get3A_1395, %mul3A_1398 : vector<1x768xf32>
    %swap3A_1400 = arith.index_cast %get3A_1389 : i32 to index
    %swap3A_1401 = arith.constant 0 : index
    %swap3A_1402 = vector.load %arg6[%swap3A_1400, %swap3A_1401] : memref<2048x768xf32, #tpu.memory_space<vmem>>, vector<1x768xf32>
    tpu.vector_store %arg6[%swap3A_1400, %swap3A_1401], %add3A_1399 {strides = array<i32>} : memref<2048x768xf32, #tpu.memory_space<vmem>>, vector<1x768xf32>,
    %get3A_1403 = arith.constant 20 : index
    %get3A_1404 = arith.index_cast %add3A_1065 : i32 to index
    %get3A_1405 = memref.load %arg1[%get3A_1403, %get3A_1404] : memref<32x64xi32, #tpu.memory_space<smem>>
    %get3A_1406 = arith.constant 20 : index
    %get3A_1407 = arith.index_cast %add3A_1065 : i32 to index
    %get3A_1408 = memref.load %arg2[%get3A_1406, %get3A_1407] : memref<32x64xf32, #tpu.memory_space<smem>>
    %get3A_1409 = arith.index_cast %get3A_1405 : i32 to index
    %get3A_1410 = arith.constant 0 : index
    %get3A_1411 = vector.load %arg6[%get3A_1409, %get3A_1410] : memref<2048x768xf32, #tpu.memory_space<vmem>>, vector<1x768xf32>
    %slice3A_1412 = vector.extract_strided_slice %add3A_1082 {offsets = [20, 0], sizes = [1, 768], strides = [1, 1]} : vector<32x768xf32> to vector<1x768xf32>
    %mul3A_1413 = vector.broadcast %get3A_1408 : f32 to vector<1x768xf32>
    %mul3A_1414 = arith.mulf %slice3A_1412, %mul3A_1413 : vector<1x768xf32>
    %add3A_1415 = arith.addf %get3A_1411, %mul3A_1414 : vector<1x768xf32>
    %swap3A_1416 = arith.index_cast %get3A_1405 : i32 to index
    %swap3A_1417 = arith.constant 0 : index
    %swap3A_1418 = vector.load %arg6[%swap3A_1416, %swap3A_1417] : memref<2048x768xf32, #tpu.memory_space<vmem>>, vector<1x768xf32>
    tpu.vector_store %arg6[%swap3A_1416, %swap3A_1417], %add3A_1415 {strides = array<i32>} : memref<2048x768xf32, #tpu.memory_space<vmem>>, vector<1x768xf32>,
    %get3A_1419 = arith.constant 21 : index
    %get3A_1420 = arith.index_cast %add3A_1065 : i32 to index
    %get3A_1421 = memref.load %arg1[%get3A_1419, %get3A_1420] : memref<32x64xi32, #tpu.memory_space<smem>>
    %get3A_1422 = arith.constant 21 : index
    %get3A_1423 = arith.index_cast %add3A_1065 : i32 to index
    %get3A_1424 = memref.load %arg2[%get3A_1422, %get3A_1423] : memref<32x64xf32, #tpu.memory_space<smem>>
    %get3A_1425 = arith.index_cast %get3A_1421 : i32 to index
    %get3A_1426 = arith.constant 0 : index
    %get3A_1427 = vector.load %arg6[%get3A_1425, %get3A_1426] : memref<2048x768xf32, #tpu.memory_space<vmem>>, vector<1x768xf32>
    %slice3A_1428 = vector.extract_strided_slice %add3A_1082 {offsets = [21, 0], sizes = [1, 768], strides = [1, 1]} : vector<32x768xf32> to vector<1x768xf32>
    %mul3A_1429 = vector.broadcast %get3A_1424 : f32 to vector<1x768xf32>
    %mul3A_1430 = arith.mulf %slice3A_1428, %mul3A_1429 : vector<1x768xf32>
    %add3A_1431 = arith.addf %get3A_1427, %mul3A_1430 : vector<1x768xf32>
    %swap3A_1432 = arith.index_cast %get3A_1421 : i32 to index
    %swap3A_1433 = arith.constant 0 : index
    %swap3A_1434 = vector.load %arg6[%swap3A_1432, %swap3A_1433] : memref<2048x768xf32, #tpu.memory_space<vmem>>, vector<1x768xf32>
    tpu.vector_store %arg6[%swap3A_1432, %swap3A_1433], %add3A_1431 {strides = array<i32>} : memref<2048x768xf32, #tpu.memory_space<vmem>>, vector<1x768xf32>,
    %get3A_1435 = arith.constant 22 : index
    %get3A_1436 = arith.index_cast %add3A_1065 : i32 to index
    %get3A_1437 = memref.load %arg1[%get3A_1435, %get3A_1436] : memref<32x64xi32, #tpu.memory_space<smem>>
    %get3A_1438 = arith.constant 22 : index
    %get3A_1439 = arith.index_cast %add3A_1065 : i32 to index
    %get3A_1440 = memref.load %arg2[%get3A_1438, %get3A_1439] : memref<32x64xf32, #tpu.memory_space<smem>>
    %get3A_1441 = arith.index_cast %get3A_1437 : i32 to index
    %get3A_1442 = arith.constant 0 : index
    %get3A_1443 = vector.load %arg6[%get3A_1441, %get3A_1442] : memref<2048x768xf32, #tpu.memory_space<vmem>>, vector<1x768xf32>
    %slice3A_1444 = vector.extract_strided_slice %add3A_1082 {offsets = [22, 0], sizes = [1, 768], strides = [1, 1]} : vector<32x768xf32> to vector<1x768xf32>
    %mul3A_1445 = vector.broadcast %get3A_1440 : f32 to vector<1x768xf32>
    %mul3A_1446 = arith.mulf %slice3A_1444, %mul3A_1445 : vector<1x768xf32>
    %add3A_1447 = arith.addf %get3A_1443, %mul3A_1446 : vector<1x768xf32>
    %swap3A_1448 = arith.index_cast %get3A_1437 : i32 to index
    %swap3A_1449 = arith.constant 0 : index
    %swap3A_1450 = vector.load %arg6[%swap3A_1448, %swap3A_1449] : memref<2048x768xf32, #tpu.memory_space<vmem>>, vector<1x768xf32>
    tpu.vector_store %arg6[%swap3A_1448, %swap3A_1449], %add3A_1447 {strides = array<i32>} : memref<2048x768xf32, #tpu.memory_space<vmem>>, vector<1x768xf32>,
    %get3A_1451 = arith.constant 23 : index
    %get3A_1452 = arith.index_cast %add3A_1065 : i32 to index
    %get3A_1453 = memref.load %arg1[%get3A_1451, %get3A_1452] : memref<32x64xi32, #tpu.memory_space<smem>>
    %get3A_1454 = arith.constant 23 : index
    %get3A_1455 = arith.index_cast %add3A_1065 : i32 to index
    %get3A_1456 = memref.load %arg2[%get3A_1454, %get3A_1455] : memref<32x64xf32, #tpu.memory_space<smem>>
    %get3A_1457 = arith.index_cast %get3A_1453 : i32 to index
    %get3A_1458 = arith.constant 0 : index
    %get3A_1459 = vector.load %arg6[%get3A_1457, %get3A_1458] : memref<2048x768xf32, #tpu.memory_space<vmem>>, vector<1x768xf32>
    %slice3A_1460 = vector.extract_strided_slice %add3A_1082 {offsets = [23, 0], sizes = [1, 768], strides = [1, 1]} : vector<32x768xf32> to vector<1x768xf32>
    %mul3A_1461 = vector.broadcast %get3A_1456 : f32 to vector<1x768xf32>
    %mul3A_1462 = arith.mulf %slice3A_1460, %mul3A_1461 : vector<1x768xf32>
    %add3A_1463 = arith.addf %get3A_1459, %mul3A_1462 : vector<1x768xf32>
    %swap3A_1464 = arith.index_cast %get3A_1453 : i32 to index
    %swap3A_1465 = arith.constant 0 : index
    %swap3A_1466 = vector.load %arg6[%swap3A_1464, %swap3A_1465] : memref<2048x768xf32, #tpu.memory_space<vmem>>, vector<1x768xf32>
    tpu.vector_store %arg6[%swap3A_1464, %swap3A_1465], %add3A_1463 {strides = array<i32>} : memref<2048x768xf32, #tpu.memory_space<vmem>>, vector<1x768xf32>,
    %get3A_1467 = arith.constant 24 : index
    %get3A_1468 = arith.index_cast %add3A_1065 : i32 to index
    %get3A_1469 = memref.load %arg1[%get3A_1467, %get3A_1468] : memref<32x64xi32, #tpu.memory_space<smem>>
    %get3A_1470 = arith.constant 24 : index
    %get3A_1471 = arith.index_cast %add3A_1065 : i32 to index
    %get3A_1472 = memref.load %arg2[%get3A_1470, %get3A_1471] : memref<32x64xf32, #tpu.memory_space<smem>>
    %get3A_1473 = arith.index_cast %get3A_1469 : i32 to index
    %get3A_1474 = arith.constant 0 : index
    %get3A_1475 = vector.load %arg6[%get3A_1473, %get3A_1474] : memref<2048x768xf32, #tpu.memory_space<vmem>>, vector<1x768xf32>
    %slice3A_1476 = vector.extract_strided_slice %add3A_1082 {offsets = [24, 0], sizes = [1, 768], strides = [1, 1]} : vector<32x768xf32> to vector<1x768xf32>
    %mul3A_1477 = vector.broadcast %get3A_1472 : f32 to vector<1x768xf32>
    %mul3A_1478 = arith.mulf %slice3A_1476, %mul3A_1477 : vector<1x768xf32>
    %add3A_1479 = arith.addf %get3A_1475, %mul3A_1478 : vector<1x768xf32>
    %swap3A_1480 = arith.index_cast %get3A_1469 : i32 to index
    %swap3A_1481 = arith.constant 0 : index
    %swap3A_1482 = vector.load %arg6[%swap3A_1480, %swap3A_1481] : memref<2048x768xf32, #tpu.memory_space<vmem>>, vector<1x768xf32>
    tpu.vector_store %arg6[%swap3A_1480, %swap3A_1481], %add3A_1479 {strides = array<i32>} : memref<2048x768xf32, #tpu.memory_space<vmem>>, vector<1x768xf32>,
    %get3A_1483 = arith.constant 25 : index
    %get3A_1484 = arith.index_cast %add3A_1065 : i32 to index
    %get3A_1485 = memref.load %arg1[%get3A_1483, %get3A_1484] : memref<32x64xi32, #tpu.memory_space<smem>>
    %get3A_1486 = arith.constant 25 : index
    %get3A_1487 = arith.index_cast %add3A_1065 : i32 to index
    %get3A_1488 = memref.load %arg2[%get3A_1486, %get3A_1487] : memref<32x64xf32, #tpu.memory_space<smem>>
    %get3A_1489 = arith.index_cast %get3A_1485 : i32 to index
    %get3A_1490 = arith.constant 0 : index
    %get3A_1491 = vector.load %arg6[%get3A_1489, %get3A_1490] : memref<2048x768xf32, #tpu.memory_space<vmem>>, vector<1x768xf32>
    %slice3A_1492 = vector.extract_strided_slice %add3A_1082 {offsets = [25, 0], sizes = [1, 768], strides = [1, 1]} : vector<32x768xf32> to vector<1x768xf32>
    %mul3A_1493 = vector.broadcast %get3A_1488 : f32 to vector<1x768xf32>
    %mul3A_1494 = arith.mulf %slice3A_1492, %mul3A_1493 : vector<1x768xf32>
    %add3A_1495 = arith.addf %get3A_1491, %mul3A_1494 : vector<1x768xf32>
    %swap3A_1496 = arith.index_cast %get3A_1485 : i32 to index
    %swap3A_1497 = arith.constant 0 : index
    %swap3A_1498 = vector.load %arg6[%swap3A_1496, %swap3A_1497] : memref<2048x768xf32, #tpu.memory_space<vmem>>, vector<1x768xf32>
    tpu.vector_store %arg6[%swap3A_1496, %swap3A_1497], %add3A_1495 {strides = array<i32>} : memref<2048x768xf32, #tpu.memory_space<vmem>>, vector<1x768xf32>,
    %get3A_1499 = arith.constant 26 : index
    %get3A_1500 = arith.index_cast %add3A_1065 : i32 to index
    %get3A_1501 = memref.load %arg1[%get3A_1499, %get3A_1500] : memref<32x64xi32, #tpu.memory_space<smem>>
    %get3A_1502 = arith.constant 26 : index
    %get3A_1503 = arith.index_cast %add3A_1065 : i32 to index
    %get3A_1504 = memref.load %arg2[%get3A_1502, %get3A_1503] : memref<32x64xf32, #tpu.memory_space<smem>>
    %get3A_1505 = arith.index_cast %get3A_1501 : i32 to index
    %get3A_1506 = arith.constant 0 : index
    %get3A_1507 = vector.load %arg6[%get3A_1505, %get3A_1506] : memref<2048x768xf32, #tpu.memory_space<vmem>>, vector<1x768xf32>
    %slice3A_1508 = vector.extract_strided_slice %add3A_1082 {offsets = [26, 0], sizes = [1, 768], strides = [1, 1]} : vector<32x768xf32> to vector<1x768xf32>
    %mul3A_1509 = vector.broadcast %get3A_1504 : f32 to vector<1x768xf32>
    %mul3A_1510 = arith.mulf %slice3A_1508, %mul3A_1509 : vector<1x768xf32>
    %add3A_1511 = arith.addf %get3A_1507, %mul3A_1510 : vector<1x768xf32>
    %swap3A_1512 = arith.index_cast %get3A_1501 : i32 to index
    %swap3A_1513 = arith.constant 0 : index
    %swap3A_1514 = vector.load %arg6[%swap3A_1512, %swap3A_1513] : memref<2048x768xf32, #tpu.memory_space<vmem>>, vector<1x768xf32>
    tpu.vector_store %arg6[%swap3A_1512, %swap3A_1513], %add3A_1511 {strides = array<i32>} : memref<2048x768xf32, #tpu.memory_space<vmem>>, vector<1x768xf32>,
    %get3A_1515 = arith.constant 27 : index
    %get3A_1516 = arith.index_cast %add3A_1065 : i32 to index
    %get3A_1517 = memref.load %arg1[%get3A_1515, %get3A_1516] : memref<32x64xi32, #tpu.memory_space<smem>>
    %get3A_1518 = arith.constant 27 : index
    %get3A_1519 = arith.index_cast %add3A_1065 : i32 to index
    %get3A_1520 = memref.load %arg2[%get3A_1518, %get3A_1519] : memref<32x64xf32, #tpu.memory_space<smem>>
    %get3A_1521 = arith.index_cast %get3A_1517 : i32 to index
    %get3A_1522 = arith.constant 0 : index
    %get3A_1523 = vector.load %arg6[%get3A_1521, %get3A_1522] : memref<2048x768xf32, #tpu.memory_space<vmem>>, vector<1x768xf32>
    %slice3A_1524 = vector.extract_strided_slice %add3A_1082 {offsets = [27, 0], sizes = [1, 768], strides = [1, 1]} : vector<32x768xf32> to vector<1x768xf32>
    %mul3A_1525 = vector.broadcast %get3A_1520 : f32 to vector<1x768xf32>
    %mul3A_1526 = arith.mulf %slice3A_1524, %mul3A_1525 : vector<1x768xf32>
    %add3A_1527 = arith.addf %get3A_1523, %mul3A_1526 : vector<1x768xf32>
    %swap3A_1528 = arith.index_cast %get3A_1517 : i32 to index
    %swap3A_1529 = arith.constant 0 : index
    %swap3A_1530 = vector.load %arg6[%swap3A_1528, %swap3A_1529] : memref<2048x768xf32, #tpu.memory_space<vmem>>, vector<1x768xf32>
    tpu.vector_store %arg6[%swap3A_1528, %swap3A_1529], %add3A_1527 {strides = array<i32>} : memref<2048x768xf32, #tpu.memory_space<vmem>>, vector<1x768xf32>,
    %get3A_1531 = arith.constant 28 : index
    %get3A_1532 = arith.index_cast %add3A_1065 : i32 to index
    %get3A_1533 = memref.load %arg1[%get3A_1531, %get3A_1532] : memref<32x64xi32, #tpu.memory_space<smem>>
    %get3A_1534 = arith.constant 28 : index
    %get3A_1535 = arith.index_cast %add3A_1065 : i32 to index
    %get3A_1536 = memref.load %arg2[%get3A_1534, %get3A_1535] : memref<32x64xf32, #tpu.memory_space<smem>>
    %get3A_1537 = arith.index_cast %get3A_1533 : i32 to index
    %get3A_1538 = arith.constant 0 : index
    %get3A_1539 = vector.load %arg6[%get3A_1537, %get3A_1538] : memref<2048x768xf32, #tpu.memory_space<vmem>>, vector<1x768xf32>
    %slice3A_1540 = vector.extract_strided_slice %add3A_1082 {offsets = [28, 0], sizes = [1, 768], strides = [1, 1]} : vector<32x768xf32> to vector<1x768xf32>
    %mul3A_1541 = vector.broadcast %get3A_1536 : f32 to vector<1x768xf32>
    %mul3A_1542 = arith.mulf %slice3A_1540, %mul3A_1541 : vector<1x768xf32>
    %add3A_1543 = arith.addf %get3A_1539, %mul3A_1542 : vector<1x768xf32>
    %swap3A_1544 = arith.index_cast %get3A_1533 : i32 to index
    %swap3A_1545 = arith.constant 0 : index
    %swap3A_1546 = vector.load %arg6[%swap3A_1544, %swap3A_1545] : memref<2048x768xf32, #tpu.memory_space<vmem>>, vector<1x768xf32>
    tpu.vector_store %arg6[%swap3A_1544, %swap3A_1545], %add3A_1543 {strides = array<i32>} : memref<2048x768xf32, #tpu.memory_space<vmem>>, vector<1x768xf32>,
    %get3A_1547 = arith.constant 29 : index
    %get3A_1548 = arith.index_cast %add3A_1065 : i32 to index
    %get3A_1549 = memref.load %arg1[%get3A_1547, %get3A_1548] : memref<32x64xi32, #tpu.memory_space<smem>>
    %get3A_1550 = arith.constant 29 : index
    %get3A_1551 = arith.index_cast %add3A_1065 : i32 to index
    %get3A_1552 = memref.load %arg2[%get3A_1550, %get3A_1551] : memref<32x64xf32, #tpu.memory_space<smem>>
    %get3A_1553 = arith.index_cast %get3A_1549 : i32 to index
    %get3A_1554 = arith.constant 0 : index
    %get3A_1555 = vector.load %arg6[%get3A_1553, %get3A_1554] : memref<2048x768xf32, #tpu.memory_space<vmem>>, vector<1x768xf32>
    %slice3A_1556 = vector.extract_strided_slice %add3A_1082 {offsets = [29, 0], sizes = [1, 768], strides = [1, 1]} : vector<32x768xf32> to vector<1x768xf32>
    %mul3A_1557 = vector.broadcast %get3A_1552 : f32 to vector<1x768xf32>
    %mul3A_1558 = arith.mulf %slice3A_1556, %mul3A_1557 : vector<1x768xf32>
    %add3A_1559 = arith.addf %get3A_1555, %mul3A_1558 : vector<1x768xf32>
    %swap3A_1560 = arith.index_cast %get3A_1549 : i32 to index
    %swap3A_1561 = arith.constant 0 : index
    %swap3A_1562 = vector.load %arg6[%swap3A_1560, %swap3A_1561] : memref<2048x768xf32, #tpu.memory_space<vmem>>, vector<1x768xf32>
    tpu.vector_store %arg6[%swap3A_1560, %swap3A_1561], %add3A_1559 {strides = array<i32>} : memref<2048x768xf32, #tpu.memory_space<vmem>>, vector<1x768xf32>,
    %get3A_1563 = arith.constant 30 : index
    %get3A_1564 = arith.index_cast %add3A_1065 : i32 to index
    %get3A_1565 = memref.load %arg1[%get3A_1563, %get3A_1564] : memref<32x64xi32, #tpu.memory_space<smem>>
    %get3A_1566 = arith.constant 30 : index
    %get3A_1567 = arith.index_cast %add3A_1065 : i32 to index
    %get3A_1568 = memref.load %arg2[%get3A_1566, %get3A_1567] : memref<32x64xf32, #tpu.memory_space<smem>>
    %get3A_1569 = arith.index_cast %get3A_1565 : i32 to index
    %get3A_1570 = arith.constant 0 : index
    %get3A_1571 = vector.load %arg6[%get3A_1569, %get3A_1570] : memref<2048x768xf32, #tpu.memory_space<vmem>>, vector<1x768xf32>
    %slice3A_1572 = vector.extract_strided_slice %add3A_1082 {offsets = [30, 0], sizes = [1, 768], strides = [1, 1]} : vector<32x768xf32> to vector<1x768xf32>
    %mul3A_1573 = vector.broadcast %get3A_1568 : f32 to vector<1x768xf32>
    %mul3A_1574 = arith.mulf %slice3A_1572, %mul3A_1573 : vector<1x768xf32>
    %add3A_1575 = arith.addf %get3A_1571, %mul3A_1574 : vector<1x768xf32>
    %swap3A_1576 = arith.index_cast %get3A_1565 : i32 to index
    %swap3A_1577 = arith.constant 0 : index
    %swap3A_1578 = vector.load %arg6[%swap3A_1576, %swap3A_1577] : memref<2048x768xf32, #tpu.memory_space<vmem>>, vector<1x768xf32>
    tpu.vector_store %arg6[%swap3A_1576, %swap3A_1577], %add3A_1575 {strides = array<i32>} : memref<2048x768xf32, #tpu.memory_space<vmem>>, vector<1x768xf32>,
    %get3A_1579 = arith.constant 31 : index
    %get3A_1580 = arith.index_cast %add3A_1065 : i32 to index
    %get3A_1581 = memref.load %arg1[%get3A_1579, %get3A_1580] : memref<32x64xi32, #tpu.memory_space<smem>>
    %get3A_1582 = arith.constant 31 : index
    %get3A_1583 = arith.index_cast %add3A_1065 : i32 to index
    %get3A_1584 = memref.load %arg2[%get3A_1582, %get3A_1583] : memref<32x64xf32, #tpu.memory_space<smem>>
    %get3A_1585 = arith.index_cast %get3A_1581 : i32 to index
    %get3A_1586 = arith.constant 0 : index
    %get3A_1587 = vector.load %arg6[%get3A_1585, %get3A_1586] : memref<2048x768xf32, #tpu.memory_space<vmem>>, vector<1x768xf32>
    %slice3A_1588 = vector.extract_strided_slice %add3A_1082 {offsets = [31, 0], sizes = [1, 768], strides = [1, 1]} : vector<32x768xf32> to vector<1x768xf32>
    %mul3A_1589 = vector.broadcast %get3A_1584 : f32 to vector<1x768xf32>
    %mul3A_1590 = arith.mulf %slice3A_1588, %mul3A_1589 : vector<1x768xf32>
    %add3A_1591 = arith.addf %get3A_1587, %mul3A_1590 : vector<1x768xf32>
    %swap3A_1592 = arith.index_cast %get3A_1581 : i32 to index
    %swap3A_1593 = arith.constant 0 : index
    %swap3A_1594 = vector.load %arg6[%swap3A_1592, %swap3A_1593] : memref<2048x768xf32, #tpu.memory_space<vmem>>, vector<1x768xf32>
    tpu.vector_store %arg6[%swap3A_1592, %swap3A_1593], %add3A_1591 {strides = array<i32>} : memref<2048x768xf32, #tpu.memory_space<vmem>>, vector<1x768xf32>,
    %mul3A_1595 = arith.constant 4 : i32
    %mul3A_1596 = arith.muli %arg0, %mul3A_1595 : i32
    %add3A_1597 = arith.constant 3 : i32
    %add3A_1598 = arith.addi %mul3A_1596, %add3A_1597 : i32
    %get3A_1599 = arith.constant 96 : index
    %get3A_1600 = arith.constant 0 : index
    %get3A_1601 = vector.load %arg3[%get3A_1599, %get3A_1600] : memref<128x768xf32, #tpu.memory_space<vmem>>, vector<32x768xf32>
    %get3A_1602 = arith.constant 3 : index
    %get3A_1603 = arith.constant 0 : index
    %get3A_1604 = arith.constant 0 : index
    %get3A_1605 = vector.load %arg4[%get3A_1602, %get3A_1603, %get3A_1604] : memref<4x768x768xf32, #tpu.memory_space<vmem>>, vector<1x768x768xf32>
    %get3A_1606 = vector.shape_cast %get3A_1605 : vector<1x768x768xf32> to vector<768x768xf32>
    %dot_general3A_1607 = arith.constant dense<0.000000e+00> : vector<32x768xf32>
    %dot_general3A_1608 = tpu.matmul %get3A_1601, %get3A_1606, %dot_general3A_1607 {dimension_numbers = #tpu.dot_dimension_numbers<[1], [0], [0], [1], [0, 0, 1, 1], [], []>, transpose_lhs_hint = false} : vector<32x768xf32>, vector<768x768xf32>, vector<32x768xf32> -> vector<32x768xf32>
    %get3A_1609 = arith.constant 3 : index
    %get3A_1610 = arith.constant 0 : index
    %get3A_1611 = arith.constant 0 : index
    %get3A_1612 = vector.load %arg5[%get3A_1609, %get3A_1610, %get3A_1611] : memref<4x1x768xf32, #tpu.memory_space<vmem>>, vector<1x1x768xf32>
    %get3A_1613 = vector.shape_cast %get3A_1612 : vector<1x1x768xf32> to vector<1x768xf32>
    %add3A_1614 = vector.broadcast %get3A_1613 : vector<1x768xf32> to vector<32x768xf32>
    %add3A_1615 = arith.addf %dot_general3A_1608, %add3A_1614 : vector<32x768xf32>
    %get3A_1616 = arith.constant 0 : index
    %get3A_1617 = arith.index_cast %add3A_1598 : i32 to index
    %get3A_1618 = memref.load %arg1[%get3A_1616, %get3A_1617] : memref<32x64xi32, #tpu.memory_space<smem>>
    %get3A_1619 = arith.constant 0 : index
    %get3A_1620 = arith.index_cast %add3A_1598 : i32 to index
    %get3A_1621 = memref.load %arg2[%get3A_1619, %get3A_1620] : memref<32x64xf32, #tpu.memory_space<smem>>
    %get3A_1622 = arith.index_cast %get3A_1618 : i32 to index
    %get3A_1623 = arith.constant 0 : index
    %get3A_1624 = vector.load %arg6[%get3A_1622, %get3A_1623] : memref<2048x768xf32, #tpu.memory_space<vmem>>, vector<1x768xf32>
    %slice3A_1625 = vector.extract_strided_slice %add3A_1615 {offsets = [0, 0], sizes = [1, 768], strides = [1, 1]} : vector<32x768xf32> to vector<1x768xf32>
    %mul3A_1626 = vector.broadcast %get3A_1621 : f32 to vector<1x768xf32>
    %mul3A_1627 = arith.mulf %slice3A_1625, %mul3A_1626 : vector<1x768xf32>
    %add3A_1628 = arith.addf %get3A_1624, %mul3A_1627 : vector<1x768xf32>
    %swap3A_1629 = arith.index_cast %get3A_1618 : i32 to index
    %swap3A_1630 = arith.constant 0 : index
    %swap3A_1631 = vector.load %arg6[%swap3A_1629, %swap3A_1630] : memref<2048x768xf32, #tpu.memory_space<vmem>>, vector<1x768xf32>
    tpu.vector_store %arg6[%swap3A_1629, %swap3A_1630], %add3A_1628 {strides = array<i32>} : memref<2048x768xf32, #tpu.memory_space<vmem>>, vector<1x768xf32>,
    %get3A_1632 = arith.constant 1 : index
    %get3A_1633 = arith.index_cast %add3A_1598 : i32 to index
    %get3A_1634 = memref.load %arg1[%get3A_1632, %get3A_1633] : memref<32x64xi32, #tpu.memory_space<smem>>
    %get3A_1635 = arith.constant 1 : index
    %get3A_1636 = arith.index_cast %add3A_1598 : i32 to index
    %get3A_1637 = memref.load %arg2[%get3A_1635, %get3A_1636] : memref<32x64xf32, #tpu.memory_space<smem>>
    %get3A_1638 = arith.index_cast %get3A_1634 : i32 to index
    %get3A_1639 = arith.constant 0 : index
    %get3A_1640 = vector.load %arg6[%get3A_1638, %get3A_1639] : memref<2048x768xf32, #tpu.memory_space<vmem>>, vector<1x768xf32>
    %slice3A_1641 = vector.extract_strided_slice %add3A_1615 {offsets = [1, 0], sizes = [1, 768], strides = [1, 1]} : vector<32x768xf32> to vector<1x768xf32>
    %mul3A_1642 = vector.broadcast %get3A_1637 : f32 to vector<1x768xf32>
    %mul3A_1643 = arith.mulf %slice3A_1641, %mul3A_1642 : vector<1x768xf32>
    %add3A_1644 = arith.addf %get3A_1640, %mul3A_1643 : vector<1x768xf32>
    %swap3A_1645 = arith.index_cast %get3A_1634 : i32 to index
    %swap3A_1646 = arith.constant 0 : index
    %swap3A_1647 = vector.load %arg6[%swap3A_1645, %swap3A_1646] : memref<2048x768xf32, #tpu.memory_space<vmem>>, vector<1x768xf32>
    tpu.vector_store %arg6[%swap3A_1645, %swap3A_1646], %add3A_1644 {strides = array<i32>} : memref<2048x768xf32, #tpu.memory_space<vmem>>, vector<1x768xf32>,
    %get3A_1648 = arith.constant 2 : index
    %get3A_1649 = arith.index_cast %add3A_1598 : i32 to index
    %get3A_1650 = memref.load %arg1[%get3A_1648, %get3A_1649] : memref<32x64xi32, #tpu.memory_space<smem>>
    %get3A_1651 = arith.constant 2 : index
    %get3A_1652 = arith.index_cast %add3A_1598 : i32 to index
    %get3A_1653 = memref.load %arg2[%get3A_1651, %get3A_1652] : memref<32x64xf32, #tpu.memory_space<smem>>
    %get3A_1654 = arith.index_cast %get3A_1650 : i32 to index
    %get3A_1655 = arith.constant 0 : index
    %get3A_1656 = vector.load %arg6[%get3A_1654, %get3A_1655] : memref<2048x768xf32, #tpu.memory_space<vmem>>, vector<1x768xf32>
    %slice3A_1657 = vector.extract_strided_slice %add3A_1615 {offsets = [2, 0], sizes = [1, 768], strides = [1, 1]} : vector<32x768xf32> to vector<1x768xf32>
    %mul3A_1658 = vector.broadcast %get3A_1653 : f32 to vector<1x768xf32>
    %mul3A_1659 = arith.mulf %slice3A_1657, %mul3A_1658 : vector<1x768xf32>
    %add3A_1660 = arith.addf %get3A_1656, %mul3A_1659 : vector<1x768xf32>
    %swap3A_1661 = arith.index_cast %get3A_1650 : i32 to index
    %swap3A_1662 = arith.constant 0 : index
    %swap3A_1663 = vector.load %arg6[%swap3A_1661, %swap3A_1662] : memref<2048x768xf32, #tpu.memory_space<vmem>>, vector<1x768xf32>
    tpu.vector_store %arg6[%swap3A_1661, %swap3A_1662], %add3A_1660 {strides = array<i32>} : memref<2048x768xf32, #tpu.memory_space<vmem>>, vector<1x768xf32>,
    %get3A_1664 = arith.constant 3 : index
    %get3A_1665 = arith.index_cast %add3A_1598 : i32 to index
    %get3A_1666 = memref.load %arg1[%get3A_1664, %get3A_1665] : memref<32x64xi32, #tpu.memory_space<smem>>
    %get3A_1667 = arith.constant 3 : index
    %get3A_1668 = arith.index_cast %add3A_1598 : i32 to index
    %get3A_1669 = memref.load %arg2[%get3A_1667, %get3A_1668] : memref<32x64xf32, #tpu.memory_space<smem>>
    %get3A_1670 = arith.index_cast %get3A_1666 : i32 to index
    %get3A_1671 = arith.constant 0 : index
    %get3A_1672 = vector.load %arg6[%get3A_1670, %get3A_1671] : memref<2048x768xf32, #tpu.memory_space<vmem>>, vector<1x768xf32>
    %slice3A_1673 = vector.extract_strided_slice %add3A_1615 {offsets = [3, 0], sizes = [1, 768], strides = [1, 1]} : vector<32x768xf32> to vector<1x768xf32>
    %mul3A_1674 = vector.broadcast %get3A_1669 : f32 to vector<1x768xf32>
    %mul3A_1675 = arith.mulf %slice3A_1673, %mul3A_1674 : vector<1x768xf32>
    %add3A_1676 = arith.addf %get3A_1672, %mul3A_1675 : vector<1x768xf32>
    %swap3A_1677 = arith.index_cast %get3A_1666 : i32 to index
    %swap3A_1678 = arith.constant 0 : index
    %swap3A_1679 = vector.load %arg6[%swap3A_1677, %swap3A_1678] : memref<2048x768xf32, #tpu.memory_space<vmem>>, vector<1x768xf32>
    tpu.vector_store %arg6[%swap3A_1677, %swap3A_1678], %add3A_1676 {strides = array<i32>} : memref<2048x768xf32, #tpu.memory_space<vmem>>, vector<1x768xf32>,
    %get3A_1680 = arith.constant 4 : index
    %get3A_1681 = arith.index_cast %add3A_1598 : i32 to index
    %get3A_1682 = memref.load %arg1[%get3A_1680, %get3A_1681] : memref<32x64xi32, #tpu.memory_space<smem>>
    %get3A_1683 = arith.constant 4 : index
    %get3A_1684 = arith.index_cast %add3A_1598 : i32 to index
    %get3A_1685 = memref.load %arg2[%get3A_1683, %get3A_1684] : memref<32x64xf32, #tpu.memory_space<smem>>
    %get3A_1686 = arith.index_cast %get3A_1682 : i32 to index
    %get3A_1687 = arith.constant 0 : index
    %get3A_1688 = vector.load %arg6[%get3A_1686, %get3A_1687] : memref<2048x768xf32, #tpu.memory_space<vmem>>, vector<1x768xf32>
    %slice3A_1689 = vector.extract_strided_slice %add3A_1615 {offsets = [4, 0], sizes = [1, 768], strides = [1, 1]} : vector<32x768xf32> to vector<1x768xf32>
    %mul3A_1690 = vector.broadcast %get3A_1685 : f32 to vector<1x768xf32>
    %mul3A_1691 = arith.mulf %slice3A_1689, %mul3A_1690 : vector<1x768xf32>
    %add3A_1692 = arith.addf %get3A_1688, %mul3A_1691 : vector<1x768xf32>
    %swap3A_1693 = arith.index_cast %get3A_1682 : i32 to index
    %swap3A_1694 = arith.constant 0 : index
    %swap3A_1695 = vector.load %arg6[%swap3A_1693, %swap3A_1694] : memref<2048x768xf32, #tpu.memory_space<vmem>>, vector<1x768xf32>
    tpu.vector_store %arg6[%swap3A_1693, %swap3A_1694], %add3A_1692 {strides = array<i32>} : memref<2048x768xf32, #tpu.memory_space<vmem>>, vector<1x768xf32>,
    %get3A_1696 = arith.constant 5 : index
    %get3A_1697 = arith.index_cast %add3A_1598 : i32 to index
    %get3A_1698 = memref.load %arg1[%get3A_1696, %get3A_1697] : memref<32x64xi32, #tpu.memory_space<smem>>
    %get3A_1699 = arith.constant 5 : index
    %get3A_1700 = arith.index_cast %add3A_1598 : i32 to index
    %get3A_1701 = memref.load %arg2[%get3A_1699, %get3A_1700] : memref<32x64xf32, #tpu.memory_space<smem>>
    %get3A_1702 = arith.index_cast %get3A_1698 : i32 to index
    %get3A_1703 = arith.constant 0 : index
    %get3A_1704 = vector.load %arg6[%get3A_1702, %get3A_1703] : memref<2048x768xf32, #tpu.memory_space<vmem>>, vector<1x768xf32>
    %slice3A_1705 = vector.extract_strided_slice %add3A_1615 {offsets = [5, 0], sizes = [1, 768], strides = [1, 1]} : vector<32x768xf32> to vector<1x768xf32>
    %mul3A_1706 = vector.broadcast %get3A_1701 : f32 to vector<1x768xf32>
    %mul3A_1707 = arith.mulf %slice3A_1705, %mul3A_1706 : vector<1x768xf32>
    %add3A_1708 = arith.addf %get3A_1704, %mul3A_1707 : vector<1x768xf32>
    %swap3A_1709 = arith.index_cast %get3A_1698 : i32 to index
    %swap3A_1710 = arith.constant 0 : index
    %swap3A_1711 = vector.load %arg6[%swap3A_1709, %swap3A_1710] : memref<2048x768xf32, #tpu.memory_space<vmem>>, vector<1x768xf32>
    tpu.vector_store %arg6[%swap3A_1709, %swap3A_1710], %add3A_1708 {strides = array<i32>} : memref<2048x768xf32, #tpu.memory_space<vmem>>, vector<1x768xf32>,
    %get3A_1712 = arith.constant 6 : index
    %get3A_1713 = arith.index_cast %add3A_1598 : i32 to index
    %get3A_1714 = memref.load %arg1[%get3A_1712, %get3A_1713] : memref<32x64xi32, #tpu.memory_space<smem>>
    %get3A_1715 = arith.constant 6 : index
    %get3A_1716 = arith.index_cast %add3A_1598 : i32 to index
    %get3A_1717 = memref.load %arg2[%get3A_1715, %get3A_1716] : memref<32x64xf32, #tpu.memory_space<smem>>
    %get3A_1718 = arith.index_cast %get3A_1714 : i32 to index
    %get3A_1719 = arith.constant 0 : index
    %get3A_1720 = vector.load %arg6[%get3A_1718, %get3A_1719] : memref<2048x768xf32, #tpu.memory_space<vmem>>, vector<1x768xf32>
    %slice3A_1721 = vector.extract_strided_slice %add3A_1615 {offsets = [6, 0], sizes = [1, 768], strides = [1, 1]} : vector<32x768xf32> to vector<1x768xf32>
    %mul3A_1722 = vector.broadcast %get3A_1717 : f32 to vector<1x768xf32>
    %mul3A_1723 = arith.mulf %slice3A_1721, %mul3A_1722 : vector<1x768xf32>
    %add3A_1724 = arith.addf %get3A_1720, %mul3A_1723 : vector<1x768xf32>
    %swap3A_1725 = arith.index_cast %get3A_1714 : i32 to index
    %swap3A_1726 = arith.constant 0 : index
    %swap3A_1727 = vector.load %arg6[%swap3A_1725, %swap3A_1726] : memref<2048x768xf32, #tpu.memory_space<vmem>>, vector<1x768xf32>
    tpu.vector_store %arg6[%swap3A_1725, %swap3A_1726], %add3A_1724 {strides = array<i32>} : memref<2048x768xf32, #tpu.memory_space<vmem>>, vector<1x768xf32>,
    %get3A_1728 = arith.constant 7 : index
    %get3A_1729 = arith.index_cast %add3A_1598 : i32 to index
    %get3A_1730 = memref.load %arg1[%get3A_1728, %get3A_1729] : memref<32x64xi32, #tpu.memory_space<smem>>
    %get3A_1731 = arith.constant 7 : index
    %get3A_1732 = arith.index_cast %add3A_1598 : i32 to index
    %get3A_1733 = memref.load %arg2[%get3A_1731, %get3A_1732] : memref<32x64xf32, #tpu.memory_space<smem>>
    %get3A_1734 = arith.index_cast %get3A_1730 : i32 to index
    %get3A_1735 = arith.constant 0 : index
    %get3A_1736 = vector.load %arg6[%get3A_1734, %get3A_1735] : memref<2048x768xf32, #tpu.memory_space<vmem>>, vector<1x768xf32>
    %slice3A_1737 = vector.extract_strided_slice %add3A_1615 {offsets = [7, 0], sizes = [1, 768], strides = [1, 1]} : vector<32x768xf32> to vector<1x768xf32>
    %mul3A_1738 = vector.broadcast %get3A_1733 : f32 to vector<1x768xf32>
    %mul3A_1739 = arith.mulf %slice3A_1737, %mul3A_1738 : vector<1x768xf32>
    %add3A_1740 = arith.addf %get3A_1736, %mul3A_1739 : vector<1x768xf32>
    %swap3A_1741 = arith.index_cast %get3A_1730 : i32 to index
    %swap3A_1742 = arith.constant 0 : index
    %swap3A_1743 = vector.load %arg6[%swap3A_1741, %swap3A_1742] : memref<2048x768xf32, #tpu.memory_space<vmem>>, vector<1x768xf32>
    tpu.vector_store %arg6[%swap3A_1741, %swap3A_1742], %add3A_1740 {strides = array<i32>} : memref<2048x768xf32, #tpu.memory_space<vmem>>, vector<1x768xf32>,
    %get3A_1744 = arith.constant 8 : index
    %get3A_1745 = arith.index_cast %add3A_1598 : i32 to index
    %get3A_1746 = memref.load %arg1[%get3A_1744, %get3A_1745] : memref<32x64xi32, #tpu.memory_space<smem>>
    %get3A_1747 = arith.constant 8 : index
    %get3A_1748 = arith.index_cast %add3A_1598 : i32 to index
    %get3A_1749 = memref.load %arg2[%get3A_1747, %get3A_1748] : memref<32x64xf32, #tpu.memory_space<smem>>
    %get3A_1750 = arith.index_cast %get3A_1746 : i32 to index
    %get3A_1751 = arith.constant 0 : index
    %get3A_1752 = vector.load %arg6[%get3A_1750, %get3A_1751] : memref<2048x768xf32, #tpu.memory_space<vmem>>, vector<1x768xf32>
    %slice3A_1753 = vector.extract_strided_slice %add3A_1615 {offsets = [8, 0], sizes = [1, 768], strides = [1, 1]} : vector<32x768xf32> to vector<1x768xf32>
    %mul3A_1754 = vector.broadcast %get3A_1749 : f32 to vector<1x768xf32>
    %mul3A_1755 = arith.mulf %slice3A_1753, %mul3A_1754 : vector<1x768xf32>
    %add3A_1756 = arith.addf %get3A_1752, %mul3A_1755 : vector<1x768xf32>
    %swap3A_1757 = arith.index_cast %get3A_1746 : i32 to index
    %swap3A_1758 = arith.constant 0 : index
    %swap3A_1759 = vector.load %arg6[%swap3A_1757, %swap3A_1758] : memref<2048x768xf32, #tpu.memory_space<vmem>>, vector<1x768xf32>
    tpu.vector_store %arg6[%swap3A_1757, %swap3A_1758], %add3A_1756 {strides = array<i32>} : memref<2048x768xf32, #tpu.memory_space<vmem>>, vector<1x768xf32>,
    %get3A_1760 = arith.constant 9 : index
    %get3A_1761 = arith.index_cast %add3A_1598 : i32 to index
    %get3A_1762 = memref.load %arg1[%get3A_1760, %get3A_1761] : memref<32x64xi32, #tpu.memory_space<smem>>
    %get3A_1763 = arith.constant 9 : index
    %get3A_1764 = arith.index_cast %add3A_1598 : i32 to index
    %get3A_1765 = memref.load %arg2[%get3A_1763, %get3A_1764] : memref<32x64xf32, #tpu.memory_space<smem>>
    %get3A_1766 = arith.index_cast %get3A_1762 : i32 to index
    %get3A_1767 = arith.constant 0 : index
    %get3A_1768 = vector.load %arg6[%get3A_1766, %get3A_1767] : memref<2048x768xf32, #tpu.memory_space<vmem>>, vector<1x768xf32>
    %slice3A_1769 = vector.extract_strided_slice %add3A_1615 {offsets = [9, 0], sizes = [1, 768], strides = [1, 1]} : vector<32x768xf32> to vector<1x768xf32>
    %mul3A_1770 = vector.broadcast %get3A_1765 : f32 to vector<1x768xf32>
    %mul3A_1771 = arith.mulf %slice3A_1769, %mul3A_1770 : vector<1x768xf32>
    %add3A_1772 = arith.addf %get3A_1768, %mul3A_1771 : vector<1x768xf32>
    %swap3A_1773 = arith.index_cast %get3A_1762 : i32 to index
    %swap3A_1774 = arith.constant 0 : index
    %swap3A_1775 = vector.load %arg6[%swap3A_1773, %swap3A_1774] : memref<2048x768xf32, #tpu.memory_space<vmem>>, vector<1x768xf32>
    tpu.vector_store %arg6[%swap3A_1773, %swap3A_1774], %add3A_1772 {strides = array<i32>} : memref<2048x768xf32, #tpu.memory_space<vmem>>, vector<1x768xf32>,
    %get3A_1776 = arith.constant 10 : index
    %get3A_1777 = arith.index_cast %add3A_1598 : i32 to index
    %get3A_1778 = memref.load %arg1[%get3A_1776, %get3A_1777] : memref<32x64xi32, #tpu.memory_space<smem>>
    %get3A_1779 = arith.constant 10 : index
    %get3A_1780 = arith.index_cast %add3A_1598 : i32 to index
    %get3A_1781 = memref.load %arg2[%get3A_1779, %get3A_1780] : memref<32x64xf32, #tpu.memory_space<smem>>
    %get3A_1782 = arith.index_cast %get3A_1778 : i32 to index
    %get3A_1783 = arith.constant 0 : index
    %get3A_1784 = vector.load %arg6[%get3A_1782, %get3A_1783] : memref<2048x768xf32, #tpu.memory_space<vmem>>, vector<1x768xf32>
    %slice3A_1785 = vector.extract_strided_slice %add3A_1615 {offsets = [10, 0], sizes = [1, 768], strides = [1, 1]} : vector<32x768xf32> to vector<1x768xf32>
    %mul3A_1786 = vector.broadcast %get3A_1781 : f32 to vector<1x768xf32>
    %mul3A_1787 = arith.mulf %slice3A_1785, %mul3A_1786 : vector<1x768xf32>
    %add3A_1788 = arith.addf %get3A_1784, %mul3A_1787 : vector<1x768xf32>
    %swap3A_1789 = arith.index_cast %get3A_1778 : i32 to index
    %swap3A_1790 = arith.constant 0 : index
    %swap3A_1791 = vector.load %arg6[%swap3A_1789, %swap3A_1790] : memref<2048x768xf32, #tpu.memory_space<vmem>>, vector<1x768xf32>
    tpu.vector_store %arg6[%swap3A_1789, %swap3A_1790], %add3A_1788 {strides = array<i32>} : memref<2048x768xf32, #tpu.memory_space<vmem>>, vector<1x768xf32>,
    %get3A_1792 = arith.constant 11 : index
    %get3A_1793 = arith.index_cast %add3A_1598 : i32 to index
    %get3A_1794 = memref.load %arg1[%get3A_1792, %get3A_1793] : memref<32x64xi32, #tpu.memory_space<smem>>
    %get3A_1795 = arith.constant 11 : index
    %get3A_1796 = arith.index_cast %add3A_1598 : i32 to index
    %get3A_1797 = memref.load %arg2[%get3A_1795, %get3A_1796] : memref<32x64xf32, #tpu.memory_space<smem>>
    %get3A_1798 = arith.index_cast %get3A_1794 : i32 to index
    %get3A_1799 = arith.constant 0 : index
    %get3A_1800 = vector.load %arg6[%get3A_1798, %get3A_1799] : memref<2048x768xf32, #tpu.memory_space<vmem>>, vector<1x768xf32>
    %slice3A_1801 = vector.extract_strided_slice %add3A_1615 {offsets = [11, 0], sizes = [1, 768], strides = [1, 1]} : vector<32x768xf32> to vector<1x768xf32>
    %mul3A_1802 = vector.broadcast %get3A_1797 : f32 to vector<1x768xf32>
    %mul3A_1803 = arith.mulf %slice3A_1801, %mul3A_1802 : vector<1x768xf32>
    %add3A_1804 = arith.addf %get3A_1800, %mul3A_1803 : vector<1x768xf32>
    %swap3A_1805 = arith.index_cast %get3A_1794 : i32 to index
    %swap3A_1806 = arith.constant 0 : index
    %swap3A_1807 = vector.load %arg6[%swap3A_1805, %swap3A_1806] : memref<2048x768xf32, #tpu.memory_space<vmem>>, vector<1x768xf32>
    tpu.vector_store %arg6[%swap3A_1805, %swap3A_1806], %add3A_1804 {strides = array<i32>} : memref<2048x768xf32, #tpu.memory_space<vmem>>, vector<1x768xf32>,
    %get3A_1808 = arith.constant 12 : index
    %get3A_1809 = arith.index_cast %add3A_1598 : i32 to index
    %get3A_1810 = memref.load %arg1[%get3A_1808, %get3A_1809] : memref<32x64xi32, #tpu.memory_space<smem>>
    %get3A_1811 = arith.constant 12 : index
    %get3A_1812 = arith.index_cast %add3A_1598 : i32 to index
    %get3A_1813 = memref.load %arg2[%get3A_1811, %get3A_1812] : memref<32x64xf32, #tpu.memory_space<smem>>
    %get3A_1814 = arith.index_cast %get3A_1810 : i32 to index
    %get3A_1815 = arith.constant 0 : index
    %get3A_1816 = vector.load %arg6[%get3A_1814, %get3A_1815] : memref<2048x768xf32, #tpu.memory_space<vmem>>, vector<1x768xf32>
    %slice3A_1817 = vector.extract_strided_slice %add3A_1615 {offsets = [12, 0], sizes = [1, 768], strides = [1, 1]} : vector<32x768xf32> to vector<1x768xf32>
    %mul3A_1818 = vector.broadcast %get3A_1813 : f32 to vector<1x768xf32>
    %mul3A_1819 = arith.mulf %slice3A_1817, %mul3A_1818 : vector<1x768xf32>
    %add3A_1820 = arith.addf %get3A_1816, %mul3A_1819 : vector<1x768xf32>
    %swap3A_1821 = arith.index_cast %get3A_1810 : i32 to index
    %swap3A_1822 = arith.constant 0 : index
    %swap3A_1823 = vector.load %arg6[%swap3A_1821, %swap3A_1822] : memref<2048x768xf32, #tpu.memory_space<vmem>>, vector<1x768xf32>
    tpu.vector_store %arg6[%swap3A_1821, %swap3A_1822], %add3A_1820 {strides = array<i32>} : memref<2048x768xf32, #tpu.memory_space<vmem>>, vector<1x768xf32>,
    %get3A_1824 = arith.constant 13 : index
    %get3A_1825 = arith.index_cast %add3A_1598 : i32 to index
    %get3A_1826 = memref.load %arg1[%get3A_1824, %get3A_1825] : memref<32x64xi32, #tpu.memory_space<smem>>
    %get3A_1827 = arith.constant 13 : index
    %get3A_1828 = arith.index_cast %add3A_1598 : i32 to index
    %get3A_1829 = memref.load %arg2[%get3A_1827, %get3A_1828] : memref<32x64xf32, #tpu.memory_space<smem>>
    %get3A_1830 = arith.index_cast %get3A_1826 : i32 to index
    %get3A_1831 = arith.constant 0 : index
    %get3A_1832 = vector.load %arg6[%get3A_1830, %get3A_1831] : memref<2048x768xf32, #tpu.memory_space<vmem>>, vector<1x768xf32>
    %slice3A_1833 = vector.extract_strided_slice %add3A_1615 {offsets = [13, 0], sizes = [1, 768], strides = [1, 1]} : vector<32x768xf32> to vector<1x768xf32>
    %mul3A_1834 = vector.broadcast %get3A_1829 : f32 to vector<1x768xf32>
    %mul3A_1835 = arith.mulf %slice3A_1833, %mul3A_1834 : vector<1x768xf32>
    %add3A_1836 = arith.addf %get3A_1832, %mul3A_1835 : vector<1x768xf32>
    %swap3A_1837 = arith.index_cast %get3A_1826 : i32 to index
    %swap3A_1838 = arith.constant 0 : index
    %swap3A_1839 = vector.load %arg6[%swap3A_1837, %swap3A_1838] : memref<2048x768xf32, #tpu.memory_space<vmem>>, vector<1x768xf32>
    tpu.vector_store %arg6[%swap3A_1837, %swap3A_1838], %add3A_1836 {strides = array<i32>} : memref<2048x768xf32, #tpu.memory_space<vmem>>, vector<1x768xf32>,
    %get3A_1840 = arith.constant 14 : index
    %get3A_1841 = arith.index_cast %add3A_1598 : i32 to index
    %get3A_1842 = memref.load %arg1[%get3A_1840, %get3A_1841] : memref<32x64xi32, #tpu.memory_space<smem>>
    %get3A_1843 = arith.constant 14 : index
    %get3A_1844 = arith.index_cast %add3A_1598 : i32 to index
    %get3A_1845 = memref.load %arg2[%get3A_1843, %get3A_1844] : memref<32x64xf32, #tpu.memory_space<smem>>
    %get3A_1846 = arith.index_cast %get3A_1842 : i32 to index
    %get3A_1847 = arith.constant 0 : index
    %get3A_1848 = vector.load %arg6[%get3A_1846, %get3A_1847] : memref<2048x768xf32, #tpu.memory_space<vmem>>, vector<1x768xf32>
    %slice3A_1849 = vector.extract_strided_slice %add3A_1615 {offsets = [14, 0], sizes = [1, 768], strides = [1, 1]} : vector<32x768xf32> to vector<1x768xf32>
    %mul3A_1850 = vector.broadcast %get3A_1845 : f32 to vector<1x768xf32>
    %mul3A_1851 = arith.mulf %slice3A_1849, %mul3A_1850 : vector<1x768xf32>
    %add3A_1852 = arith.addf %get3A_1848, %mul3A_1851 : vector<1x768xf32>
    %swap3A_1853 = arith.index_cast %get3A_1842 : i32 to index
    %swap3A_1854 = arith.constant 0 : index
    %swap3A_1855 = vector.load %arg6[%swap3A_1853, %swap3A_1854] : memref<2048x768xf32, #tpu.memory_space<vmem>>, vector<1x768xf32>
    tpu.vector_store %arg6[%swap3A_1853, %swap3A_1854], %add3A_1852 {strides = array<i32>} : memref<2048x768xf32, #tpu.memory_space<vmem>>, vector<1x768xf32>,
    %get3A_1856 = arith.constant 15 : index
    %get3A_1857 = arith.index_cast %add3A_1598 : i32 to index
    %get3A_1858 = memref.load %arg1[%get3A_1856, %get3A_1857] : memref<32x64xi32, #tpu.memory_space<smem>>
    %get3A_1859 = arith.constant 15 : index
    %get3A_1860 = arith.index_cast %add3A_1598 : i32 to index
    %get3A_1861 = memref.load %arg2[%get3A_1859, %get3A_1860] : memref<32x64xf32, #tpu.memory_space<smem>>
    %get3A_1862 = arith.index_cast %get3A_1858 : i32 to index
    %get3A_1863 = arith.constant 0 : index
    %get3A_1864 = vector.load %arg6[%get3A_1862, %get3A_1863] : memref<2048x768xf32, #tpu.memory_space<vmem>>, vector<1x768xf32>
    %slice3A_1865 = vector.extract_strided_slice %add3A_1615 {offsets = [15, 0], sizes = [1, 768], strides = [1, 1]} : vector<32x768xf32> to vector<1x768xf32>
    %mul3A_1866 = vector.broadcast %get3A_1861 : f32 to vector<1x768xf32>
    %mul3A_1867 = arith.mulf %slice3A_1865, %mul3A_1866 : vector<1x768xf32>
    %add3A_1868 = arith.addf %get3A_1864, %mul3A_1867 : vector<1x768xf32>
    %swap3A_1869 = arith.index_cast %get3A_1858 : i32 to index
    %swap3A_1870 = arith.constant 0 : index
    %swap3A_1871 = vector.load %arg6[%swap3A_1869, %swap3A_1870] : memref<2048x768xf32, #tpu.memory_space<vmem>>, vector<1x768xf32>
    tpu.vector_store %arg6[%swap3A_1869, %swap3A_1870], %add3A_1868 {strides = array<i32>} : memref<2048x768xf32, #tpu.memory_space<vmem>>, vector<1x768xf32>,
    %get3A_1872 = arith.constant 16 : index
    %get3A_1873 = arith.index_cast %add3A_1598 : i32 to index
    %get3A_1874 = memref.load %arg1[%get3A_1872, %get3A_1873] : memref<32x64xi32, #tpu.memory_space<smem>>
    %get3A_1875 = arith.constant 16 : index
    %get3A_1876 = arith.index_cast %add3A_1598 : i32 to index
    %get3A_1877 = memref.load %arg2[%get3A_1875, %get3A_1876] : memref<32x64xf32, #tpu.memory_space<smem>>
    %get3A_1878 = arith.index_cast %get3A_1874 : i32 to index
    %get3A_1879 = arith.constant 0 : index
    %get3A_1880 = vector.load %arg6[%get3A_1878, %get3A_1879] : memref<2048x768xf32, #tpu.memory_space<vmem>>, vector<1x768xf32>
    %slice3A_1881 = vector.extract_strided_slice %add3A_1615 {offsets = [16, 0], sizes = [1, 768], strides = [1, 1]} : vector<32x768xf32> to vector<1x768xf32>
    %mul3A_1882 = vector.broadcast %get3A_1877 : f32 to vector<1x768xf32>
    %mul3A_1883 = arith.mulf %slice3A_1881, %mul3A_1882 : vector<1x768xf32>
    %add3A_1884 = arith.addf %get3A_1880, %mul3A_1883 : vector<1x768xf32>
    %swap3A_1885 = arith.index_cast %get3A_1874 : i32 to index
    %swap3A_1886 = arith.constant 0 : index
    %swap3A_1887 = vector.load %arg6[%swap3A_1885, %swap3A_1886] : memref<2048x768xf32, #tpu.memory_space<vmem>>, vector<1x768xf32>
    tpu.vector_store %arg6[%swap3A_1885, %swap3A_1886], %add3A_1884 {strides = array<i32>} : memref<2048x768xf32, #tpu.memory_space<vmem>>, vector<1x768xf32>,
    %get3A_1888 = arith.constant 17 : index
    %get3A_1889 = arith.index_cast %add3A_1598 : i32 to index
    %get3A_1890 = memref.load %arg1[%get3A_1888, %get3A_1889] : memref<32x64xi32, #tpu.memory_space<smem>>
    %get3A_1891 = arith.constant 17 : index
    %get3A_1892 = arith.index_cast %add3A_1598 : i32 to index
    %get3A_1893 = memref.load %arg2[%get3A_1891, %get3A_1892] : memref<32x64xf32, #tpu.memory_space<smem>>
    %get3A_1894 = arith.index_cast %get3A_1890 : i32 to index
    %get3A_1895 = arith.constant 0 : index
    %get3A_1896 = vector.load %arg6[%get3A_1894, %get3A_1895] : memref<2048x768xf32, #tpu.memory_space<vmem>>, vector<1x768xf32>
    %slice3A_1897 = vector.extract_strided_slice %add3A_1615 {offsets = [17, 0], sizes = [1, 768], strides = [1, 1]} : vector<32x768xf32> to vector<1x768xf32>
    %mul3A_1898 = vector.broadcast %get3A_1893 : f32 to vector<1x768xf32>
    %mul3A_1899 = arith.mulf %slice3A_1897, %mul3A_1898 : vector<1x768xf32>
    %add3A_1900 = arith.addf %get3A_1896, %mul3A_1899 : vector<1x768xf32>
    %swap3A_1901 = arith.index_cast %get3A_1890 : i32 to index
    %swap3A_1902 = arith.constant 0 : index
    %swap3A_1903 = vector.load %arg6[%swap3A_1901, %swap3A_1902] : memref<2048x768xf32, #tpu.memory_space<vmem>>, vector<1x768xf32>
    tpu.vector_store %arg6[%swap3A_1901, %swap3A_1902], %add3A_1900 {strides = array<i32>} : memref<2048x768xf32, #tpu.memory_space<vmem>>, vector<1x768xf32>,
    %get3A_1904 = arith.constant 18 : index
    %get3A_1905 = arith.index_cast %add3A_1598 : i32 to index
    %get3A_1906 = memref.load %arg1[%get3A_1904, %get3A_1905] : memref<32x64xi32, #tpu.memory_space<smem>>
    %get3A_1907 = arith.constant 18 : index
    %get3A_1908 = arith.index_cast %add3A_1598 : i32 to index
    %get3A_1909 = memref.load %arg2[%get3A_1907, %get3A_1908] : memref<32x64xf32, #tpu.memory_space<smem>>
    %get3A_1910 = arith.index_cast %get3A_1906 : i32 to index
    %get3A_1911 = arith.constant 0 : index
    %get3A_1912 = vector.load %arg6[%get3A_1910, %get3A_1911] : memref<2048x768xf32, #tpu.memory_space<vmem>>, vector<1x768xf32>
    %slice3A_1913 = vector.extract_strided_slice %add3A_1615 {offsets = [18, 0], sizes = [1, 768], strides = [1, 1]} : vector<32x768xf32> to vector<1x768xf32>
    %mul3A_1914 = vector.broadcast %get3A_1909 : f32 to vector<1x768xf32>
    %mul3A_1915 = arith.mulf %slice3A_1913, %mul3A_1914 : vector<1x768xf32>
    %add3A_1916 = arith.addf %get3A_1912, %mul3A_1915 : vector<1x768xf32>
    %swap3A_1917 = arith.index_cast %get3A_1906 : i32 to index
    %swap3A_1918 = arith.constant 0 : index
    %swap3A_1919 = vector.load %arg6[%swap3A_1917, %swap3A_1918] : memref<2048x768xf32, #tpu.memory_space<vmem>>, vector<1x768xf32>
    tpu.vector_store %arg6[%swap3A_1917, %swap3A_1918], %add3A_1916 {strides = array<i32>} : memref<2048x768xf32, #tpu.memory_space<vmem>>, vector<1x768xf32>,
    %get3A_1920 = arith.constant 19 : index
    %get3A_1921 = arith.index_cast %add3A_1598 : i32 to index
    %get3A_1922 = memref.load %arg1[%get3A_1920, %get3A_1921] : memref<32x64xi32, #tpu.memory_space<smem>>
    %get3A_1923 = arith.constant 19 : index
    %get3A_1924 = arith.index_cast %add3A_1598 : i32 to index
    %get3A_1925 = memref.load %arg2[%get3A_1923, %get3A_1924] : memref<32x64xf32, #tpu.memory_space<smem>>
    %get3A_1926 = arith.index_cast %get3A_1922 : i32 to index
    %get3A_1927 = arith.constant 0 : index
    %get3A_1928 = vector.load %arg6[%get3A_1926, %get3A_1927] : memref<2048x768xf32, #tpu.memory_space<vmem>>, vector<1x768xf32>
    %slice3A_1929 = vector.extract_strided_slice %add3A_1615 {offsets = [19, 0], sizes = [1, 768], strides = [1, 1]} : vector<32x768xf32> to vector<1x768xf32>
    %mul3A_1930 = vector.broadcast %get3A_1925 : f32 to vector<1x768xf32>
    %mul3A_1931 = arith.mulf %slice3A_1929, %mul3A_1930 : vector<1x768xf32>
    %add3A_1932 = arith.addf %get3A_1928, %mul3A_1931 : vector<1x768xf32>
    %swap3A_1933 = arith.index_cast %get3A_1922 : i32 to index
    %swap3A_1934 = arith.constant 0 : index
    %swap3A_1935 = vector.load %arg6[%swap3A_1933, %swap3A_1934] : memref<2048x768xf32, #tpu.memory_space<vmem>>, vector<1x768xf32>
    tpu.vector_store %arg6[%swap3A_1933, %swap3A_1934], %add3A_1932 {strides = array<i32>} : memref<2048x768xf32, #tpu.memory_space<vmem>>, vector<1x768xf32>,
    %get3A_1936 = arith.constant 20 : index
    %get3A_1937 = arith.index_cast %add3A_1598 : i32 to index
    %get3A_1938 = memref.load %arg1[%get3A_1936, %get3A_1937] : memref<32x64xi32, #tpu.memory_space<smem>>
    %get3A_1939 = arith.constant 20 : index
    %get3A_1940 = arith.index_cast %add3A_1598 : i32 to index
    %get3A_1941 = memref.load %arg2[%get3A_1939, %get3A_1940] : memref<32x64xf32, #tpu.memory_space<smem>>
    %get3A_1942 = arith.index_cast %get3A_1938 : i32 to index
    %get3A_1943 = arith.constant 0 : index
    %get3A_1944 = vector.load %arg6[%get3A_1942, %get3A_1943] : memref<2048x768xf32, #tpu.memory_space<vmem>>, vector<1x768xf32>
    %slice3A_1945 = vector.extract_strided_slice %add3A_1615 {offsets = [20, 0], sizes = [1, 768], strides = [1, 1]} : vector<32x768xf32> to vector<1x768xf32>
    %mul3A_1946 = vector.broadcast %get3A_1941 : f32 to vector<1x768xf32>
    %mul3A_1947 = arith.mulf %slice3A_1945, %mul3A_1946 : vector<1x768xf32>
    %add3A_1948 = arith.addf %get3A_1944, %mul3A_1947 : vector<1x768xf32>
    %swap3A_1949 = arith.index_cast %get3A_1938 : i32 to index
    %swap3A_1950 = arith.constant 0 : index
    %swap3A_1951 = vector.load %arg6[%swap3A_1949, %swap3A_1950] : memref<2048x768xf32, #tpu.memory_space<vmem>>, vector<1x768xf32>
    tpu.vector_store %arg6[%swap3A_1949, %swap3A_1950], %add3A_1948 {strides = array<i32>} : memref<2048x768xf32, #tpu.memory_space<vmem>>, vector<1x768xf32>,
    %get3A_1952 = arith.constant 21 : index
    %get3A_1953 = arith.index_cast %add3A_1598 : i32 to index
    %get3A_1954 = memref.load %arg1[%get3A_1952, %get3A_1953] : memref<32x64xi32, #tpu.memory_space<smem>>
    %get3A_1955 = arith.constant 21 : index
    %get3A_1956 = arith.index_cast %add3A_1598 : i32 to index
    %get3A_1957 = memref.load %arg2[%get3A_1955, %get3A_1956] : memref<32x64xf32, #tpu.memory_space<smem>>
    %get3A_1958 = arith.index_cast %get3A_1954 : i32 to index
    %get3A_1959 = arith.constant 0 : index
    %get3A_1960 = vector.load %arg6[%get3A_1958, %get3A_1959] : memref<2048x768xf32, #tpu.memory_space<vmem>>, vector<1x768xf32>
    %slice3A_1961 = vector.extract_strided_slice %add3A_1615 {offsets = [21, 0], sizes = [1, 768], strides = [1, 1]} : vector<32x768xf32> to vector<1x768xf32>
    %mul3A_1962 = vector.broadcast %get3A_1957 : f32 to vector<1x768xf32>
    %mul3A_1963 = arith.mulf %slice3A_1961, %mul3A_1962 : vector<1x768xf32>
    %add3A_1964 = arith.addf %get3A_1960, %mul3A_1963 : vector<1x768xf32>
    %swap3A_1965 = arith.index_cast %get3A_1954 : i32 to index
    %swap3A_1966 = arith.constant 0 : index
    %swap3A_1967 = vector.load %arg6[%swap3A_1965, %swap3A_1966] : memref<2048x768xf32, #tpu.memory_space<vmem>>, vector<1x768xf32>
    tpu.vector_store %arg6[%swap3A_1965, %swap3A_1966], %add3A_1964 {strides = array<i32>} : memref<2048x768xf32, #tpu.memory_space<vmem>>, vector<1x768xf32>,
    %get3A_1968 = arith.constant 22 : index
    %get3A_1969 = arith.index_cast %add3A_1598 : i32 to index
    %get3A_1970 = memref.load %arg1[%get3A_1968, %get3A_1969] : memref<32x64xi32, #tpu.memory_space<smem>>
    %get3A_1971 = arith.constant 22 : index
    %get3A_1972 = arith.index_cast %add3A_1598 : i32 to index
    %get3A_1973 = memref.load %arg2[%get3A_1971, %get3A_1972] : memref<32x64xf32, #tpu.memory_space<smem>>
    %get3A_1974 = arith.index_cast %get3A_1970 : i32 to index
    %get3A_1975 = arith.constant 0 : index
    %get3A_1976 = vector.load %arg6[%get3A_1974, %get3A_1975] : memref<2048x768xf32, #tpu.memory_space<vmem>>, vector<1x768xf32>
    %slice3A_1977 = vector.extract_strided_slice %add3A_1615 {offsets = [22, 0], sizes = [1, 768], strides = [1, 1]} : vector<32x768xf32> to vector<1x768xf32>
    %mul3A_1978 = vector.broadcast %get3A_1973 : f32 to vector<1x768xf32>
    %mul3A_1979 = arith.mulf %slice3A_1977, %mul3A_1978 : vector<1x768xf32>
    %add3A_1980 = arith.addf %get3A_1976, %mul3A_1979 : vector<1x768xf32>
    %swap3A_1981 = arith.index_cast %get3A_1970 : i32 to index
    %swap3A_1982 = arith.constant 0 : index
    %swap3A_1983 = vector.load %arg6[%swap3A_1981, %swap3A_1982] : memref<2048x768xf32, #tpu.memory_space<vmem>>, vector<1x768xf32>
    tpu.vector_store %arg6[%swap3A_1981, %swap3A_1982], %add3A_1980 {strides = array<i32>} : memref<2048x768xf32, #tpu.memory_space<vmem>>, vector<1x768xf32>,
    %get3A_1984 = arith.constant 23 : index
    %get3A_1985 = arith.index_cast %add3A_1598 : i32 to index
    %get3A_1986 = memref.load %arg1[%get3A_1984, %get3A_1985] : memref<32x64xi32, #tpu.memory_space<smem>>
    %get3A_1987 = arith.constant 23 : index
    %get3A_1988 = arith.index_cast %add3A_1598 : i32 to index
    %get3A_1989 = memref.load %arg2[%get3A_1987, %get3A_1988] : memref<32x64xf32, #tpu.memory_space<smem>>
    %get3A_1990 = arith.index_cast %get3A_1986 : i32 to index
    %get3A_1991 = arith.constant 0 : index
    %get3A_1992 = vector.load %arg6[%get3A_1990, %get3A_1991] : memref<2048x768xf32, #tpu.memory_space<vmem>>, vector<1x768xf32>
    %slice3A_1993 = vector.extract_strided_slice %add3A_1615 {offsets = [23, 0], sizes = [1, 768], strides = [1, 1]} : vector<32x768xf32> to vector<1x768xf32>
    %mul3A_1994 = vector.broadcast %get3A_1989 : f32 to vector<1x768xf32>
    %mul3A_1995 = arith.mulf %slice3A_1993, %mul3A_1994 : vector<1x768xf32>
    %add3A_1996 = arith.addf %get3A_1992, %mul3A_1995 : vector<1x768xf32>
    %swap3A_1997 = arith.index_cast %get3A_1986 : i32 to index
    %swap3A_1998 = arith.constant 0 : index
    %swap3A_1999 = vector.load %arg6[%swap3A_1997, %swap3A_1998] : memref<2048x768xf32, #tpu.memory_space<vmem>>, vector<1x768xf32>
    tpu.vector_store %arg6[%swap3A_1997, %swap3A_1998], %add3A_1996 {strides = array<i32>} : memref<2048x768xf32, #tpu.memory_space<vmem>>, vector<1x768xf32>,
    %get3A_2000 = arith.constant 24 : index
    %get3A_2001 = arith.index_cast %add3A_1598 : i32 to index
    %get3A_2002 = memref.load %arg1[%get3A_2000, %get3A_2001] : memref<32x64xi32, #tpu.memory_space<smem>>
    %get3A_2003 = arith.constant 24 : index
    %get3A_2004 = arith.index_cast %add3A_1598 : i32 to index
    %get3A_2005 = memref.load %arg2[%get3A_2003, %get3A_2004] : memref<32x64xf32, #tpu.memory_space<smem>>
    %get3A_2006 = arith.index_cast %get3A_2002 : i32 to index
    %get3A_2007 = arith.constant 0 : index
    %get3A_2008 = vector.load %arg6[%get3A_2006, %get3A_2007] : memref<2048x768xf32, #tpu.memory_space<vmem>>, vector<1x768xf32>
    %slice3A_2009 = vector.extract_strided_slice %add3A_1615 {offsets = [24, 0], sizes = [1, 768], strides = [1, 1]} : vector<32x768xf32> to vector<1x768xf32>
    %mul3A_2010 = vector.broadcast %get3A_2005 : f32 to vector<1x768xf32>
    %mul3A_2011 = arith.mulf %slice3A_2009, %mul3A_2010 : vector<1x768xf32>
    %add3A_2012 = arith.addf %get3A_2008, %mul3A_2011 : vector<1x768xf32>
    %swap3A_2013 = arith.index_cast %get3A_2002 : i32 to index
    %swap3A_2014 = arith.constant 0 : index
    %swap3A_2015 = vector.load %arg6[%swap3A_2013, %swap3A_2014] : memref<2048x768xf32, #tpu.memory_space<vmem>>, vector<1x768xf32>
    tpu.vector_store %arg6[%swap3A_2013, %swap3A_2014], %add3A_2012 {strides = array<i32>} : memref<2048x768xf32, #tpu.memory_space<vmem>>, vector<1x768xf32>,
    %get3A_2016 = arith.constant 25 : index
    %get3A_2017 = arith.index_cast %add3A_1598 : i32 to index
    %get3A_2018 = memref.load %arg1[%get3A_2016, %get3A_2017] : memref<32x64xi32, #tpu.memory_space<smem>>
    %get3A_2019 = arith.constant 25 : index
    %get3A_2020 = arith.index_cast %add3A_1598 : i32 to index
    %get3A_2021 = memref.load %arg2[%get3A_2019, %get3A_2020] : memref<32x64xf32, #tpu.memory_space<smem>>
    %get3A_2022 = arith.index_cast %get3A_2018 : i32 to index
    %get3A_2023 = arith.constant 0 : index
    %get3A_2024 = vector.load %arg6[%get3A_2022, %get3A_2023] : memref<2048x768xf32, #tpu.memory_space<vmem>>, vector<1x768xf32>
    %slice3A_2025 = vector.extract_strided_slice %add3A_1615 {offsets = [25, 0], sizes = [1, 768], strides = [1, 1]} : vector<32x768xf32> to vector<1x768xf32>
    %mul3A_2026 = vector.broadcast %get3A_2021 : f32 to vector<1x768xf32>
    %mul3A_2027 = arith.mulf %slice3A_2025, %mul3A_2026 : vector<1x768xf32>
    %add3A_2028 = arith.addf %get3A_2024, %mul3A_2027 : vector<1x768xf32>
    %swap3A_2029 = arith.index_cast %get3A_2018 : i32 to index
    %swap3A_2030 = arith.constant 0 : index
    %swap3A_2031 = vector.load %arg6[%swap3A_2029, %swap3A_2030] : memref<2048x768xf32, #tpu.memory_space<vmem>>, vector<1x768xf32>
    tpu.vector_store %arg6[%swap3A_2029, %swap3A_2030], %add3A_2028 {strides = array<i32>} : memref<2048x768xf32, #tpu.memory_space<vmem>>, vector<1x768xf32>,
    %get3A_2032 = arith.constant 26 : index
    %get3A_2033 = arith.index_cast %add3A_1598 : i32 to index
    %get3A_2034 = memref.load %arg1[%get3A_2032, %get3A_2033] : memref<32x64xi32, #tpu.memory_space<smem>>
    %get3A_2035 = arith.constant 26 : index
    %get3A_2036 = arith.index_cast %add3A_1598 : i32 to index
    %get3A_2037 = memref.load %arg2[%get3A_2035, %get3A_2036] : memref<32x64xf32, #tpu.memory_space<smem>>
    %get3A_2038 = arith.index_cast %get3A_2034 : i32 to index
    %get3A_2039 = arith.constant 0 : index
    %get3A_2040 = vector.load %arg6[%get3A_2038, %get3A_2039] : memref<2048x768xf32, #tpu.memory_space<vmem>>, vector<1x768xf32>
    %slice3A_2041 = vector.extract_strided_slice %add3A_1615 {offsets = [26, 0], sizes = [1, 768], strides = [1, 1]} : vector<32x768xf32> to vector<1x768xf32>
    %mul3A_2042 = vector.broadcast %get3A_2037 : f32 to vector<1x768xf32>
    %mul3A_2043 = arith.mulf %slice3A_2041, %mul3A_2042 : vector<1x768xf32>
    %add3A_2044 = arith.addf %get3A_2040, %mul3A_2043 : vector<1x768xf32>
    %swap3A_2045 = arith.index_cast %get3A_2034 : i32 to index
    %swap3A_2046 = arith.constant 0 : index
    %swap3A_2047 = vector.load %arg6[%swap3A_2045, %swap3A_2046] : memref<2048x768xf32, #tpu.memory_space<vmem>>, vector<1x768xf32>
    tpu.vector_store %arg6[%swap3A_2045, %swap3A_2046], %add3A_2044 {strides = array<i32>} : memref<2048x768xf32, #tpu.memory_space<vmem>>, vector<1x768xf32>,
    %get3A_2048 = arith.constant 27 : index
    %get3A_2049 = arith.index_cast %add3A_1598 : i32 to index
    %get3A_2050 = memref.load %arg1[%get3A_2048, %get3A_2049] : memref<32x64xi32, #tpu.memory_space<smem>>
    %get3A_2051 = arith.constant 27 : index
    %get3A_2052 = arith.index_cast %add3A_1598 : i32 to index
    %get3A_2053 = memref.load %arg2[%get3A_2051, %get3A_2052] : memref<32x64xf32, #tpu.memory_space<smem>>
    %get3A_2054 = arith.index_cast %get3A_2050 : i32 to index
    %get3A_2055 = arith.constant 0 : index
    %get3A_2056 = vector.load %arg6[%get3A_2054, %get3A_2055] : memref<2048x768xf32, #tpu.memory_space<vmem>>, vector<1x768xf32>
    %slice3A_2057 = vector.extract_strided_slice %add3A_1615 {offsets = [27, 0], sizes = [1, 768], strides = [1, 1]} : vector<32x768xf32> to vector<1x768xf32>
    %mul3A_2058 = vector.broadcast %get3A_2053 : f32 to vector<1x768xf32>
    %mul3A_2059 = arith.mulf %slice3A_2057, %mul3A_2058 : vector<1x768xf32>
    %add3A_2060 = arith.addf %get3A_2056, %mul3A_2059 : vector<1x768xf32>
    %swap3A_2061 = arith.index_cast %get3A_2050 : i32 to index
    %swap3A_2062 = arith.constant 0 : index
    %swap3A_2063 = vector.load %arg6[%swap3A_2061, %swap3A_2062] : memref<2048x768xf32, #tpu.memory_space<vmem>>, vector<1x768xf32>
    tpu.vector_store %arg6[%swap3A_2061, %swap3A_2062], %add3A_2060 {strides = array<i32>} : memref<2048x768xf32, #tpu.memory_space<vmem>>, vector<1x768xf32>,
    %get3A_2064 = arith.constant 28 : index
    %get3A_2065 = arith.index_cast %add3A_1598 : i32 to index
    %get3A_2066 = memref.load %arg1[%get3A_2064, %get3A_2065] : memref<32x64xi32, #tpu.memory_space<smem>>
    %get3A_2067 = arith.constant 28 : index
    %get3A_2068 = arith.index_cast %add3A_1598 : i32 to index
    %get3A_2069 = memref.load %arg2[%get3A_2067, %get3A_2068] : memref<32x64xf32, #tpu.memory_space<smem>>
    %get3A_2070 = arith.index_cast %get3A_2066 : i32 to index
    %get3A_2071 = arith.constant 0 : index
    %get3A_2072 = vector.load %arg6[%get3A_2070, %get3A_2071] : memref<2048x768xf32, #tpu.memory_space<vmem>>, vector<1x768xf32>
    %slice3A_2073 = vector.extract_strided_slice %add3A_1615 {offsets = [28, 0], sizes = [1, 768], strides = [1, 1]} : vector<32x768xf32> to vector<1x768xf32>
    %mul3A_2074 = vector.broadcast %get3A_2069 : f32 to vector<1x768xf32>
    %mul3A_2075 = arith.mulf %slice3A_2073, %mul3A_2074 : vector<1x768xf32>
    %add3A_2076 = arith.addf %get3A_2072, %mul3A_2075 : vector<1x768xf32>
    %swap3A_2077 = arith.index_cast %get3A_2066 : i32 to index
    %swap3A_2078 = arith.constant 0 : index
    %swap3A_2079 = vector.load %arg6[%swap3A_2077, %swap3A_2078] : memref<2048x768xf32, #tpu.memory_space<vmem>>, vector<1x768xf32>
    tpu.vector_store %arg6[%swap3A_2077, %swap3A_2078], %add3A_2076 {strides = array<i32>} : memref<2048x768xf32, #tpu.memory_space<vmem>>, vector<1x768xf32>,
    %get3A_2080 = arith.constant 29 : index
    %get3A_2081 = arith.index_cast %add3A_1598 : i32 to index
    %get3A_2082 = memref.load %arg1[%get3A_2080, %get3A_2081] : memref<32x64xi32, #tpu.memory_space<smem>>
    %get3A_2083 = arith.constant 29 : index
    %get3A_2084 = arith.index_cast %add3A_1598 : i32 to index
    %get3A_2085 = memref.load %arg2[%get3A_2083, %get3A_2084] : memref<32x64xf32, #tpu.memory_space<smem>>
    %get3A_2086 = arith.index_cast %get3A_2082 : i32 to index
    %get3A_2087 = arith.constant 0 : index
    %get3A_2088 = vector.load %arg6[%get3A_2086, %get3A_2087] : memref<2048x768xf32, #tpu.memory_space<vmem>>, vector<1x768xf32>
    %slice3A_2089 = vector.extract_strided_slice %add3A_1615 {offsets = [29, 0], sizes = [1, 768], strides = [1, 1]} : vector<32x768xf32> to vector<1x768xf32>
    %mul3A_2090 = vector.broadcast %get3A_2085 : f32 to vector<1x768xf32>
    %mul3A_2091 = arith.mulf %slice3A_2089, %mul3A_2090 : vector<1x768xf32>
    %add3A_2092 = arith.addf %get3A_2088, %mul3A_2091 : vector<1x768xf32>
    %swap3A_2093 = arith.index_cast %get3A_2082 : i32 to index
    %swap3A_2094 = arith.constant 0 : index
    %swap3A_2095 = vector.load %arg6[%swap3A_2093, %swap3A_2094] : memref<2048x768xf32, #tpu.memory_space<vmem>>, vector<1x768xf32>
    tpu.vector_store %arg6[%swap3A_2093, %swap3A_2094], %add3A_2092 {strides = array<i32>} : memref<2048x768xf32, #tpu.memory_space<vmem>>, vector<1x768xf32>,
    %get3A_2096 = arith.constant 30 : index
    %get3A_2097 = arith.index_cast %add3A_1598 : i32 to index
    %get3A_2098 = memref.load %arg1[%get3A_2096, %get3A_2097] : memref<32x64xi32, #tpu.memory_space<smem>>
    %get3A_2099 = arith.constant 30 : index
    %get3A_2100 = arith.index_cast %add3A_1598 : i32 to index
    %get3A_2101 = memref.load %arg2[%get3A_2099, %get3A_2100] : memref<32x64xf32, #tpu.memory_space<smem>>
    %get3A_2102 = arith.index_cast %get3A_2098 : i32 to index
    %get3A_2103 = arith.constant 0 : index
    %get3A_2104 = vector.load %arg6[%get3A_2102, %get3A_2103] : memref<2048x768xf32, #tpu.memory_space<vmem>>, vector<1x768xf32>
    %slice3A_2105 = vector.extract_strided_slice %add3A_1615 {offsets = [30, 0], sizes = [1, 768], strides = [1, 1]} : vector<32x768xf32> to vector<1x768xf32>
    %mul3A_2106 = vector.broadcast %get3A_2101 : f32 to vector<1x768xf32>
    %mul3A_2107 = arith.mulf %slice3A_2105, %mul3A_2106 : vector<1x768xf32>
    %add3A_2108 = arith.addf %get3A_2104, %mul3A_2107 : vector<1x768xf32>
    %swap3A_2109 = arith.index_cast %get3A_2098 : i32 to index
    %swap3A_2110 = arith.constant 0 : index
    %swap3A_2111 = vector.load %arg6[%swap3A_2109, %swap3A_2110] : memref<2048x768xf32, #tpu.memory_space<vmem>>, vector<1x768xf32>
    tpu.vector_store %arg6[%swap3A_2109, %swap3A_2110], %add3A_2108 {strides = array<i32>} : memref<2048x768xf32, #tpu.memory_space<vmem>>, vector<1x768xf32>,
    %get3A_2112 = arith.constant 31 : index
    %get3A_2113 = arith.index_cast %add3A_1598 : i32 to index
    %get3A_2114 = memref.load %arg1[%get3A_2112, %get3A_2113] : memref<32x64xi32, #tpu.memory_space<smem>>
    %get3A_2115 = arith.constant 31 : index
    %get3A_2116 = arith.index_cast %add3A_1598 : i32 to index
    %get3A_2117 = memref.load %arg2[%get3A_2115, %get3A_2116] : memref<32x64xf32, #tpu.memory_space<smem>>
    %get3A_2118 = arith.index_cast %get3A_2114 : i32 to index
    %get3A_2119 = arith.constant 0 : index
    %get3A_2120 = vector.load %arg6[%get3A_2118, %get3A_2119] : memref<2048x768xf32, #tpu.memory_space<vmem>>, vector<1x768xf32>
    %slice3A_2121 = vector.extract_strided_slice %add3A_1615 {offsets = [31, 0], sizes = [1, 768], strides = [1, 1]} : vector<32x768xf32> to vector<1x768xf32>
    %mul3A_2122 = vector.broadcast %get3A_2117 : f32 to vector<1x768xf32>
    %mul3A_2123 = arith.mulf %slice3A_2121, %mul3A_2122 : vector<1x768xf32>
    %add3A_2124 = arith.addf %get3A_2120, %mul3A_2123 : vector<1x768xf32>
    %swap3A_2125 = arith.index_cast %get3A_2114 : i32 to index
    %swap3A_2126 = arith.constant 0 : index
    %swap3A_2127 = vector.load %arg6[%swap3A_2125, %swap3A_2126] : memref<2048x768xf32, #tpu.memory_space<vmem>>, vector<1x768xf32>
    tpu.vector_store %arg6[%swap3A_2125, %swap3A_2126], %add3A_2124 {strides = array<i32>} : memref<2048x768xf32, #tpu.memory_space<vmem>>, vector<1x768xf32>,
    return
  }
  func.func @transform_0(%arg0: i32, %arg1: memref<32x64xi32, #tpu.memory_space<smem>>, %arg2: memref<32x64xf32, #tpu.memory_space<smem>>) -> (i32, i32) {
    %c0_i32 = arith.constant 0 : i32
    %c0_i32_0 = arith.constant 0 : i32
    return %arg0, %c0_i32 : i32, i32
  }
  func.func @transform_1(%arg0: i32, %arg1: memref<32x64xi32, #tpu.memory_space<smem>>, %arg2: memref<32x64xf32, #tpu.memory_space<smem>>) -> (i32, i32, i32) {
    %c0_i32 = arith.constant 0 : i32
    %c0_i32_0 = arith.constant 0 : i32
    %c0_i32_1 = arith.constant 0 : i32
    return %arg0, %c0_i32, %c0_i32_0 : i32, i32, i32
  }
  func.func @transform_2(%arg0: i32, %arg1: memref<32x64xi32, #tpu.memory_space<smem>>, %arg2: memref<32x64xf32, #tpu.memory_space<smem>>) -> (i32, i32, i32) {
    %c0_i32 = arith.constant 0 : i32
    %c0_i32_0 = arith.constant 0 : i32
    %c0_i32_1 = arith.constant 0 : i32
    return %arg0, %c0_i32, %c0_i32_0 : i32, i32, i32
  }
  func.func @transform_3(%arg0: i32, %arg1: memref<32x64xi32, #tpu.memory_space<smem>>, %arg2: memref<32x64xf32, #tpu.memory_space<smem>>) -> (i32, i32) {
    %c0_i32 = arith.constant 0 : i32
    %c0_i32_0 = arith.constant 0 : i32
    %c0_i32_1 = arith.constant 0 : i32
    return %c0_i32, %c0_i32_0 : i32, i32
  }
}

</mosaic_0001>

<sc_bundles>
// kernel: kernel.5.cloned.1.call-start
scs
__scs_entry_jumppad:
0x0: {  	(pc) =	sbr.rel $0x88, $3  }
0x1: {  	(tag) =	ssettag $0x0;
	lr =	simm.s32 $0x1  }
0x2: {  	[smem:$0x3F98] =	sst lr;
	_ =	strace $0xD0000000  }
0x3: {  	_ = 	snop  }
0x4: {  	_ = 	snop  }
0x5: {  	_ = 	snop  }
0x6: {  	_ = 	snop  }
0x7: {  	_ = 	snop  }
__scs_overlays_trampoline_lowered:
0x8: {  	[smem:$0x3FA7] =	sst s0  }
0x9: {  	[smem:$0x3FA8] =	sst s1  }
0xa: {  	[smem:$0x3FA9] =	sst s2  }
0xb: {  	[smem:$0x3FAA] =	sst s3  }
0xc: {  	[smem:$0x3FAB] =	sst s4  }
0xd: {  	[smem:$0x3FAC] =	sst s5  }
0xe: {  	[smem:$0x3FAD] =	sst s6  }
0xf: {  	[smem:$0x3FAE] =	sst s7  }
0x10: {  	[smem:$0x3FAF] =	sst s8  }
0x11: {  	[smem:$0x3FB0] =	sst s9;
	s0 =	simm.s32 @!p0 $0x0  }
0x12: {  	s1 =	sld [smem:$0x3F96];
	s0 =	simm.s32 @p0 $0x1  }
0x13: {  	[smem:$0x3FB1] =	sst s0;
	s0 =	simm.s32 @!p1 $0x0  }
0x14: {  	s2 =	sld [smem:$0x3F95];
	s0 =	simm.s32 @p1 $0x1  }
0x15: {  	[smem:$0x3FB2] =	sst s0;
	s0 =	simm.s32 @!p2 $0x0  }
0x16: {  	s3 =	sld [smem:$0x3FDB];
	s0 =	simm.s32 @p2 $0x1  }
0x17: {  	s4 =	simm.s32 $0x1BF5;
	[smem:$0x3FB4] =	sst s0  }
0x18: {  	s0 =	sld [smem:$0x3F97];
	_ =	swait.ge [sflag:s4], $0x0  }
0x19: {  	s7 =	sld [smem:$0x3F98]  }
0x1a: {  	s8 =	sadd.s32 $0xFFFFE003, lr  }
0x1b: {  	s9 =	sadd.s32 $0xFFFFFEF7, lr;
	s5 =	simm.s32 $0xFFFFFFFF;
	p2 =	slt.u32 s8, $0xFFFFF086  }
0x1c: {  	p1 =	slt.u32 s9, $0xF7A;
	s5 =	simm.s32 @!p2 $0x0  }
0x1d: {  	s5 =	simm.s32 @p1 $0x1;
	p0 =	seq.s32 s7, s2  }
0x1e: {  	s7 =	smul.u32 @!p0 $0xF7A, s2;
	p2 =	seq.s32 @!p0 s5, $0x0  }
0x1f: {  	s9 =	smul.u32 $0xF7A, s1;
	s8 =	simm.s32 @!p0 $0x1BF5;
	p2 =	por !p2, p0  }
0x20: {  	[sflag:s8] =	ssyncset.s32 @!p0 $0xFFFFF086;
	s6 =	sadd.s32 @!p0 s3, s7;
	s7 =	simm.s32 @!p0 $0x108  }
0x21: {  	s3 =	sadd.s32 s3, s9;
	s6 =	sadd.s32 @!p0 $0x88, s6;
	s7 =	simm.s32 @p2 $0x1082  }
0x22: {  	[simem:s7], [sflag:s8] =	dma.local @!p0 [hbm:s6], $0xF7A  }
0x23: {  	s9 =	sor.u32 $0xD0000000, s2;
	s6 =	simm.s32 $0x108;
	_ =	swait.ge @!p0 [sflag:s8], $0x0  }
0x24: {  	s3 =	sadd.s32 $0x88, s3;
	s6 =	simm.s32 @!p1 $0x1082;
	[sflag:s4] =	ssyncset.s32 $0xFFFFF086  }
0x25: {  	[simem:s6], [sflag:s4] =	dma.local [hbm:s3], $0xF7A  }
0x26: {  	[smem:$0x3F98] =	sst s1;
	(tag) =	ssettag s2;
	_ =	strace s9  }
0x27: {  	s1 =	sld [smem:$0x3FA8]  }
0x28: {  	s2 =	sld [smem:$0x3FA9]  }
0x29: {  	s4 =	sld [smem:$0x3FAB]  }
0x2a: {  	p0 =	seq.s32 s5, $0x0;
	s5 =	sld [smem:$0x3FAC]  }
0x2b: {  	s6 =	sld [smem:$0x3FAD]  }
0x2c: {  	s7 =	sld [smem:$0x3FAE]  }
0x2d: {  	s3 =	simm.s32 $0x108;
	s8 =	sld [smem:$0x3FAF]  }
0x2e: {  	s3 =	simm.s32 @!p0 $0x1082;
	s9 =	sld [smem:$0x3FB0]  }
0x2f: {  	lr =	sadd.s32 s0, s3;
	s0 =	sld [smem:$0x3FA7]  }
0x30: {  	s3 =	sld [smem:$0x3FAA]  }
0x31: {  	[smem:$0x3FB3] =	sst s10  }
0x32: {  	s10 =	sld [smem:$0x3FB1];
	_ =	sdelay $0x3  }
0x33: {  	p0 =	seq.s32 s10, $0x1;
	s10 =	sld [smem:$0x3FB3];
	_ =	sdelay $0x3  }
0x34: {  	[smem:$0x3FB3] =	sst s10  }
0x35: {  	s10 =	sld [smem:$0x3FB2];
	_ =	sdelay $0x3  }
0x36: {  	p1 =	seq.s32 s10, $0x1;
	s10 =	sld [smem:$0x3FB3];
	_ =	sdelay $0x3  }
0x37: {  	[smem:$0x3FB3] =	sst s10  }
0x38: {  	s10 =	sld [smem:$0x3FB4]  }
0x39: {  	_ = 	snop;
	(pc) =	sbr.ind lr, $3  }
0x3a: {  	_ = 	snop  }
0x3b: {  	_ = 	snop  }
0x3c: {  	p2 =	seq.s32 s10, $0x1;
	s10 =	sld [smem:$0x3FB3]  }
0x3d: {  	_ =	shalt  }
0x3e: {  	_ =	shalt  }
0x3f: {  	_ =	shalt  }
0x40: {  	_ =	shalt  }
0x41: {  	_ =	shalt  }
0x42: {  	_ =	shalt  }
0x43: {  	_ =	shalt  }
0x44: {  	_ =	shalt  }
0x45: {  	_ =	shalt  }
0x46: {  	_ =	shalt  }
0x47: {  	_ =	shalt  }
0x48: {  	_ =	shalt  }
0x49: {  	_ =	shalt  }
0x4a: {  	_ =	shalt  }
0x4b: {  	_ =	shalt  }
0x4c: {  	_ =	shalt  }
0x4d: {  	_ =	shalt  }
0x4e: {  	_ =	shalt  }
0x4f: {  	_ =	shalt  }
0x50: {  	_ =	shalt  }
0x51: {  	_ =	shalt  }
0x52: {  	_ =	shalt  }
0x53: {  	_ =	shalt  }
0x54: {  	_ =	shalt  }
0x55: {  	_ =	shalt  }
0x56: {  	_ =	shalt  }
0x57: {  	_ =	shalt  }
0x58: {  	_ =	shalt  }
0x59: {  	_ =	shalt  }
0x5a: {  	_ =	shalt  }
0x5b: {  	_ =	shalt  }
0x5c: {  	_ =	shalt  }
0x5d: {  	_ =	shalt  }
0x5e: {  	_ =	shalt  }
0x5f: {  	_ =	shalt  }
0x60: {  	_ =	shalt  }
0x61: {  	_ =	shalt  }
0x62: {  	_ =	shalt  }
0x63: {  	_ =	shalt  }
0x64: {  	_ =	shalt  }
0x65: {  	_ =	shalt  }
0x66: {  	_ =	shalt  }
0x67: {  	_ =	shalt  }
0x68: {  	_ =	shalt  }
0x69: {  	_ =	shalt  }
0x6a: {  	_ =	shalt  }
0x6b: {  	_ =	shalt  }
0x6c: {  	_ =	shalt  }
0x6d: {  	_ =	shalt  }
0x6e: {  	_ =	shalt  }
0x6f: {  	_ =	shalt  }
0x70: {  	_ =	shalt  }
0x71: {  	_ =	shalt  }
0x72: {  	_ =	shalt  }
0x73: {  	_ =	shalt  }
0x74: {  	_ =	shalt  }
0x75: {  	_ =	shalt  }
0x76: {  	_ =	shalt  }
0x77: {  	_ =	shalt  }
0x78: {  	_ =	shalt  }
0x79: {  	_ =	shalt  }
0x7a: {  	_ =	shalt  }
0x7b: {  	_ =	shalt  }
0x7c: {  	_ =	shalt  }
0x7d: {  	_ =	shalt  }
0x7e: {  	_ =	shalt  }
0x7f: {  	_ =	shalt  }
0x80: {  	_ =	shalt  }
0x81: {  	_ =	shalt  }
0x82: {  	_ =	shalt  }
0x83: {  	_ =	shalt  }
0x84: {  	_ =	shalt  }
0x85: {  	_ =	shalt  }
0x86: {  	_ =	shalt  }
0x87: {  	_ =	shalt  }
.Lfunc_end0:
.L_simem_size_0:
called_computation_lowered:
.L_overlay_start_0:
0x88: {  	s2 =	sld [smem:$0x3FD9]  }
0x89: {  	s3 =	sld [smem:$0x3FFE];
	_ =	sdelay $0x1  }
0x8a: {  	s1 =	srdreg.scid  }
0x8b: {  	s0 =	sand.u32 $0x1, s1  }
0x8c: {  	s14 =	sshll.u32 s0, $0xA;
	s2 =	sadd.s32 s3, s2  }
0x8d: {  	s2 =	sadd.s32 s2, s14  }
0x8e: {  	[smem:$0x3FBF] =	sst s2  }
0x8f: {  	_ = 	snop  }
0x90: {  	s2 =	sld [smem:$0x3FD0];
	_ =	sdelay $0x2  }
0x91: {  	s4 =	simm.s32 $0xA;
	s5 =	simm.s32 $0x10;
	s15 =	sld [smem:$0x3FC9]  }
0x92: {  	[smem:s5], [sflag:s4] =	dma.local [hbm:s2], $0x1  }
0x93: {  	_ =	swait.eq [sflag:s4], $0x1  }
0x94: {  	[sflag:s4] =	ssyncset.done $0x0  }
0x95: {  	[sflag:s4] =	ssyncadd.s32 $0xFFFFFFFF  }
0x96: {  	s16 =	sld [smem:$0x10];
	(tm) =	ssettm $0x1  }
0x97: {  	s17 =	sld [smem:$0x3FFB];
	_ =	sdelay $0x3  }
0x98: {  	_ =	strace s17  }
0x99: {  	s4 =	sld [smem:$0x3FFC];
	_ =	sdelay $0x3  }
0x9a: {  	_ =	strace s4  }
0x9b: {  	s4 =	sld [smem:$0x3FFD];
	_ =	sdelay $0x3  }
0x9c: {  	_ =	strace s4  }
0x9d: {  	_ =	strace $0x8FFFFFFF  }
0x9e: {  	s18 =	sld [smem:$0x3FDB];
	_ =	sdelay $0x1  }
0x9f: {  	s19 =	simm.s32 $_scs_section_size  }
0xa0: {  	s6 =	simm.s32 $_size__tile_overlayer_lowered;
	s7 =	simm.s32 $_tile_overlayer_lowered  }
0xa1: {  	s22 =	simm.s32 $0x1BFF;
	s21 =	sshll.u32 s7, $0x1;
	s4 =	sadd.s32 s19, s18  }
0xa2: {  	s8 =	simm.s32 $0x0;
	s20 =	sshll.u32 s6, $0x1;
	s6 =	sadd.s32 s21, s4  }
0xa3: {  	[timem:s8], [sflag:s22] =	dma.local [hbm:s6], s20  }
0xa4: {  	_ =	swait.ge [sflag:s22], s20  }
0xa5: {  	s5 =	ssub.s32 $0x0, s20;
	[sflag:s22] =	ssyncset.done $0x0  }
0xa6: {  	[sflag:s22] =	ssyncadd.s32 s5;
	_ =	sdelay $0x1  }
0xa7: {  	s23 =	simm.s32 $0x1B8B  }
0xa8: {  	_ =	swait.ge [sflag:s23], $0x1  }
0xa9: {  	[sflag:s23] =	ssyncset.done $0x0  }
0xaa: {  	s25 =	simm.s32 $0x1B8E;
	s24 =	sld [smem:$0x3FFE];
	[sflag:s23] =	ssyncadd.s32 $0xFFFFFFFF  }
0xab: {  	s26 =	simm.s32 $execute0_lowered;
	[smem:$0x3FD2] =	sst s25  }
0xac: {  	s6 =	sshll.u32 s26, $0x1;
	_ =	strace $0x80000046;
	[dreg:$0x1] =	wrdreg $0xFFFFFFFF  }
0xad: {  	s28 =	simm.s32 $_size_execute0_lowered;
	s4 =	sadd.s32 s4, s6;
	[dreg:$0x0] =	wrdreg $0x0  }
0xae: {  	s6 =	sshll.u32 s28, $0x1;
	[dreg:$0x2] =	wrdreg s4  }
0xaf: {  	[dreg:$0x3] =	wrdreg s6  }
0xb0: {  	[dreg:$0x4] =	wrdreg $0xC0  }
0xb1: {  	_ =	task [dreg:s8], $0x5FFFF  }
0xb2: {  	[dreg:$0x1] =	wrdreg $0xFFFFFFFF  }
0xb3: {  	[dreg:$0x0] =	wrdreg $0x60  }
0xb4: {  	[dreg:$0x2] =	wrdreg s15  }
0xb5: {  	[dreg:$0x3] =	wrdreg s24  }
0xb6: {  	[dreg:$0x4] =	wrdreg s16  }
0xb7: {  	[dreg:$0x5] =	wrdreg $0x9  }
0xb8: {  	_ =	task.clear_ibuf [dreg:s8], $0x6FFFF;
	_ =	strace $0x90000046  }
0xb9: {  	s29 =	simm.s32 $0x9;
	_ =	strace $0x80000048  }
0xba: {  	_ =	swait.ge [sflag:s29], $0x1  }
0xbb: {  	[sflag:s29] =	ssyncadd.s32 $0xFFFFFFFF  }
0xbc: {  	_ =	strace $0x90000048  }
0xbd: {  	_ =	sfence  }
0xbe: {  	s30 =	sld [smem:$0x0];
	_ =	sdelay $0x2  }
0xbf: {  	s31 =	sshll.u32 s1, $0xD;
	s1 =	sshrl.u32 s1, $0x2  }
0xc0: {  	s3 =	sand.u32 $0x4000, s31;
	s1 =	sadd.s32 s1, s30  }
0xc1: {  	s0 =	sor.u32 s3, s0;
	s1 =	sshll.u32 s1, $0x11  }
0xc2: {  	s0 =	sor.u32 s1, s0  }
0xc3: {  	s0 =	sadd.s32 $0x8F2B, s0  }
0xc4: {  	[sflag:s0] =	ssyncadd.remote.s32 $0x1  }
0xc5: {  	_ =	sfence.sel $0xFFFF  }
0xc6: {  	[dreg:$0x0] =	wrdreg $0xFFFFFFFF;
	(pc) =	sbr.abs _section_cstart, $3  }
0xc7: {  	[dreg:$0x1] =	wrdreg $0xFFFFFFFF  }
0xc8: {  	_ =	task.clear_ibuf [dreg:s8], $0x2FFFF;
	_ =	strace $0x9FFFFFFF  }
0xc9: {  	(tm) =	ssettm $0x7FFFFFFF  }
tec
execute0_lowered:
.L_overlay_start_1:
0x0: {  	(tag) =	ssettag $0x1  }
0x1: {  	s1 =	rddreg [dreg:$0x0]  }
0x2: {  	s0 =	rddreg [dreg:$0x1]  }
0x3: {  	s5 =	rddreg [dreg:$0x2]  }
0x4: {  	s3 =	srdreg.scid;
	s2 =	stileid.u32;
	s8 =	simm.s32 $0x80  }
0x5: {  	s26 =	simm.s32 $0x880;
	s9 =	simm.s32 $0x1080;
	s10 =	simm.s32 $0x1880  }
0x6: {  	s11 =	simm.s32 $0x2080;
	s12 =	simm.s32 $0x2880;
	s13 =	simm.s32 $0x3080  }
0x7: {  	s14 =	simm.s32 $0x3880;
	s15 =	simm.s32 $0x4080;
	s16 =	simm.s32 $0x4880  }
0x8: {  	s17 =	simm.s32 $0x5080;
	s18 =	simm.s32 $0x5880;
	s19 =	simm.s32 $0x6080  }
0x9: {  	s20 =	simm.s32 $0x6880;
	s21 =	simm.s32 $0x7080;
	s22 =	simm.s32 $0x7880  }
0xa: {  	s23 =	simm.s32 $0x8080;
	s28 =	simm.s32 $0xA080;
	s29 =	simm.s32 $0xA880  }
0xb: {  	s30 =	simm.s32 $0xB080;
	s31 =	simm.s32 $0xB880;
	s4 =	sand.u32 $0x1, s3  }
0xc: {  	s3 =	simm.s32 $0x0;
	s6 =	sshll.u32 s2, $0x4;
	s7 =	sshll.u32 s4, $0x3  }
0xd: {  	[smem:$0x7FF] =	sst s3;
	s4 =	ssub.s32 $0x2, s4;
	s6 =	sor.u32 s7, s6  }
0xe: {  	s24 =	sshrl.u32 s4, $0x1;
	_ =	strace $0x80000047;
	[dreg:$0x6] =	wrdreg s26  }
0xf: {  	s26 =	simm.s32 $0x9880;
	s0 =	sadd.s32 s6, s0;
	s6 =	smul.u32 $0x300, s6  }
0x10: {  	s7 =	ssub.s32 s4, s24;
	s4 =	sadd.s32 $0x100, s1;
	s0 =	sadd.s32 $0x1200, s0  }
0x11: {  	v2 =	vlaneseq.u32;
	s24 =	simm.s32 $0x8880;
	[dreg:$0x4] =	wrdreg s0;
	s25 =	sadd.s32 s5, s6  }
0x12: {  	vm0 =	vmmov $0xffff;
	v1 =	vshrl.u32 v2, $0x3;
	s5 =	sadd.s32 $0x200, s1;
	s6 =	smax.u32 s7, $0x1;
	s7 =	simm.s32 $0x2  }
0x13: {  	v0 =	vand.u32 $0x7, v2;
	v2 =	vor.u32 $0x8, v2;
	v1 =	vmul.u32 $0x8, v1;
	s0 =	simm.s32 $0x1;
	[dreg:$0x5] =	wrdreg s25;
	s25 =	simm.s32 $0x9080  }
.LBB2_1:
0x14: {  	s2 =	rddreg [dreg:$0x4]  }
0x15: {  	[tilespmem:s3], [sflag:$0x2] =	stream.linear.gather [hbm4b:s2+s3], $0x40, $0x38;
	[tilespmem:$0xC080] =	vst v63  }
0x16: {  	_ =	swait.ge [sflag:s7], $0x40  }
0x17: {  	[sflag:s7] =	ssyncset.done $0x0  }
0x18: {  	[sflag:s7] =	ssyncadd.s32 $0xFFFFFFC0  }
0x19: {  	v3 =	vld [tilespmem:$0x0];
	_ =	sdelay $0x4  }
0x1a: {  	v4 =	vshrl.u32 v3, $0x3  }
0x1b: {  	v4 =	vmul.u32 $0x30, v4  }
0x1c: {  	v3 =	vand.u32 $0x7, v3  }
0x1d: {  	v3 =	vor.u32 v3, v4  }
0x1e: {  	v4 =	vperm.xlane v3, v0;
	_ =	sdelay $0x1  }
0x1f: {  	v4 =	vadd.s32 v1, v4;
	_ =	sdelay $0x3  }
0x20: {  	v3 =	vperm.xlane v3, v2  }
0x21: {  	[tilespmem:s8], [sflag:$0x1] =	stream.indirect_vreg.gather [hbm4b:s1+s3], $0x80, v4, vm0, $0xb8;
	[tilespmem:$0xC080] =	vst v63  }
0x22: {  	s2 =	rddreg [dreg:$0x6];
	v3 =	vadd.s32 v1, v3  }
0x23: {  	[tilespmem:s2], [sflag:$0x1] =	stream.indirect_vreg.gather [hbm4b:s4+s3], $0x80, v4, vm0, $0xb8;
	[tilespmem:$0xC080] =	vst v63  }
0x24: {  	_ = 	snop  }
0x25: {  	[tilespmem:s9], [sflag:$0x1] =	stream.indirect_vreg.gather [hbm4b:s5+s3], $0x80, v4, vm0, $0xb8;
	[tilespmem:$0xC080] =	vst v63  }
0x26: {  	_ = 	snop  }
0x27: {  	[tilespmem:s10], [sflag:$0x1] =	stream.indirect_vreg.gather [hbm4b:s1+s3], $0x80, v3, vm0, $0xb8;
	[tilespmem:$0xC080] =	vst v63  }
0x28: {  	_ = 	snop  }
0x29: {  	[tilespmem:s11], [sflag:$0x1] =	stream.indirect_vreg.gather [hbm4b:s4+s3], $0x80, v3, vm0, $0xb8;
	[tilespmem:$0xC080] =	vst v63  }
0x2a: {  	_ = 	snop  }
0x2b: {  	[tilespmem:s12], [sflag:$0x1] =	stream.indirect_vreg.gather [hbm4b:s5+s3], $0x80, v3, vm0, $0xb8;
	[tilespmem:$0xC080] =	vst v63  }
0x2c: {  	v3 =	vld [tilespmem:$0x10];
	_ =	sdelay $0x4  }
0x2d: {  	v61 =	vshrl.u32 v3, $0x3  }
0x2e: {  	v4 =	vmul.u32 $0x30, v61  }
0x2f: {  	v3 =	vand.u32 $0x7, v3  }
0x30: {  	v3 =	vor.u32 v3, v4  }
0x31: {  	v4 =	vperm.xlane v3, v0;
	_ =	sdelay $0x1  }
0x32: {  	v4 =	vadd.s32 v1, v4;
	_ =	sdelay $0x3  }
0x33: {  	v3 =	vperm.xlane v3, v2  }
0x34: {  	[tilespmem:s13], [sflag:$0x1] =	stream.indirect_vreg.gather [hbm4b:s1+s3], $0x80, v4, vm0, $0xb8;
	[tilespmem:$0xC080] =	vst v63  }
0x35: {  	v3 =	vadd.s32 v1, v3  }
0x36: {  	[tilespmem:s14], [sflag:$0x1] =	stream.indirect_vreg.gather [hbm4b:s4+s3], $0x80, v4, vm0, $0xb8;
	[tilespmem:$0xC080] =	vst v63  }
0x37: {  	_ = 	snop  }
0x38: {  	[tilespmem:s15], [sflag:$0x1] =	stream.indirect_vreg.gather [hbm4b:s5+s3], $0x80, v4, vm0, $0xb8;
	[tilespmem:$0xC080] =	vst v63  }
0x39: {  	_ = 	snop  }
0x3a: {  	[tilespmem:s16], [sflag:$0x1] =	stream.indirect_vreg.gather [hbm4b:s1+s3], $0x80, v3, vm0, $0xb8;
	[tilespmem:$0xC080] =	vst v63  }
0x3b: {  	_ = 	snop  }
0x3c: {  	[tilespmem:s17], [sflag:$0x1] =	stream.indirect_vreg.gather [hbm4b:s4+s3], $0x80, v3, vm0, $0xb8;
	[tilespmem:$0xC080] =	vst v63  }
0x3d: {  	_ = 	snop  }
0x3e: {  	[tilespmem:s18], [sflag:$0x1] =	stream.indirect_vreg.gather [hbm4b:s5+s3], $0x80, v3, vm0, $0xb8;
	[tilespmem:$0xC080] =	vst v63  }
0x3f: {  	v3 =	vld [tilespmem:$0x20];
	_ =	sdelay $0x4  }
0x40: {  	v62 =	vshrl.u32 v3, $0x3  }
0x41: {  	v4 =	vmul.u32 $0x30, v62  }
0x42: {  	v3 =	vand.u32 $0x7, v3  }
0x43: {  	v3 =	vor.u32 v3, v4  }
0x44: {  	v4 =	vperm.xlane v3, v0;
	_ =	sdelay $0x1  }
0x45: {  	v4 =	vadd.s32 v1, v4;
	_ =	sdelay $0x3  }
0x46: {  	v3 =	vperm.xlane v3, v2  }
0x47: {  	[tilespmem:s19], [sflag:$0x1] =	stream.indirect_vreg.gather [hbm4b:s1+s3], $0x80, v4, vm0, $0xb8;
	[tilespmem:$0xC080] =	vst v63  }
0x48: {  	v3 =	vadd.s32 v1, v3  }
0x49: {  	[tilespmem:s20], [sflag:$0x1] =	stream.indirect_vreg.gather [hbm4b:s4+s3], $0x80, v4, vm0, $0xb8;
	[tilespmem:$0xC080] =	vst v63  }
0x4a: {  	_ = 	snop  }
0x4b: {  	[tilespmem:s21], [sflag:$0x1] =	stream.indirect_vreg.gather [hbm4b:s5+s3], $0x80, v4, vm0, $0xb8;
	[tilespmem:$0xC080] =	vst v63  }
0x4c: {  	_ = 	snop  }
0x4d: {  	[tilespmem:s22], [sflag:$0x1] =	stream.indirect_vreg.gather [hbm4b:s1+s3], $0x80, v3, vm0, $0xb8;
	[tilespmem:$0xC080] =	vst v63  }
0x4e: {  	_ = 	snop  }
0x4f: {  	[tilespmem:s23], [sflag:$0x1] =	stream.indirect_vreg.gather [hbm4b:s4+s3], $0x80, v3, vm0, $0xb8;
	[tilespmem:$0xC080] =	vst v63  }
0x50: {  	_ = 	snop  }
0x51: {  	[tilespmem:s24], [sflag:$0x1] =	stream.indirect_vreg.gather [hbm4b:s5+s3], $0x80, v3, vm0, $0xb8;
	[tilespmem:$0xC080] =	vst v63  }
0x52: {  	v3 =	vld [tilespmem:$0x30];
	_ =	sdelay $0x4  }
0x53: {  	v63 =	vshrl.u32 v3, $0x3  }
0x54: {  	v4 =	vmul.u32 $0x30, v63  }
0x55: {  	v3 =	vand.u32 $0x7, v3  }
0x56: {  	v3 =	vor.u32 v3, v4  }
0x57: {  	v4 =	vperm.xlane v3, v0;
	_ =	sdelay $0x1  }
0x58: {  	v4 =	vadd.s32 v1, v4;
	_ =	sdelay $0x3  }
0x59: {  	v3 =	vperm.xlane v3, v2  }
0x5a: {  	[tilespmem:s25], [sflag:$0x1] =	stream.indirect_vreg.gather [hbm4b:s1+s3], $0x80, v4, vm0, $0xb8;
	[tilespmem:$0xC080] =	vst v63  }
0x5b: {  	v3 =	vadd.s32 v1, v3  }
0x5c: {  	[tilespmem:s26], [sflag:$0x1] =	stream.indirect_vreg.gather [hbm4b:s4+s3], $0x80, v4, vm0, $0xb8;
	[tilespmem:$0xC080] =	vst v63  }
0x5d: {  	_ = 	snop  }
0x5e: {  	[tilespmem:s28], [sflag:$0x1] =	stream.indirect_vreg.gather [hbm4b:s5+s3], $0x80, v4, vm0, $0xb8;
	[tilespmem:$0xC080] =	vst v63  }
0x5f: {  	_ = 	snop  }
0x60: {  	[tilespmem:s29], [sflag:$0x1] =	stream.indirect_vreg.gather [hbm4b:s1+s3], $0x80, v3, vm0, $0xb8;
	[tilespmem:$0xC080] =	vst v63  }
0x61: {  	_ = 	snop  }
0x62: {  	[tilespmem:s30], [sflag:$0x1] =	stream.indirect_vreg.gather [hbm4b:s4+s3], $0x80, v3, vm0, $0xb8;
	[tilespmem:$0xC080] =	vst v63  }
0x63: {  	_ = 	snop  }
0x64: {  	[tilespmem:s31], [sflag:$0x1] =	stream.indirect_vreg.gather [hbm4b:s5+s3], $0x80, v3, vm0, $0xb8;
	[tilespmem:$0xC080] =	vst v63  }
0x65: {  	_ =	swait.ge [sflag:s0], $0xC000  }
0x66: {  	p0 =	sne.s32 s6, $0x1;
	[sflag:s0] =	ssyncset.done $0x0  }
.Ltmp0:
0x67: {  	s2 =	rddreg [dreg:$0x5];
	[sflag:s0] =	ssyncadd.s32 $0xFFFF4000;
	(pc) =	sbr.rel @p0 .LBB2_1-.Ltmp0, $4  }
0x68: {  	[hbm4b:s2+s3] =	stream.linear.scatter [tilespmem:s8], [sflag:$0x2], $0xC000, $0x38;
	[tilespmem:$0xC080] =	vst v63  }
0x69: {  	_ =	swait.ge [sflag:s7], $0xC000  }
0x6a: {  	[sflag:s7] =	ssyncset.done $0x0  }
0x6b: {  	s6 =	sadd.s32 $0xFFFFFFFF, s6;
	[sflag:s7] =	ssyncadd.s32 $0xFFFF4000  }
0x6c: {  	_ =	sfence.sel $0x180000  }
0x6d: {  	[bflag:$0x0] =	sbarrier.arrive $0xFFFF  }
0x6e: {  	_ =	strace $0x90000047  }
0x6f: {  	s0 =	stileid.u32;
	[bflag:$0x2] =	sbarrier.arrive $0xFFFF  }
0x70: {  	p0 =	sne.s32 s0, $0x0;
	s0 =	rddreg [dreg:$0x3]  }
0x71: {  	s0 =	sadd.s32 @!p0 $0x100000, s0  }
0x72: {  	[sflag:s0] =	ssyncadd.tile.s32 @!p0 $0x1;
	_ =	shalt  }
.Lfunc_end2:
_tile_overlayer_lowered:
.L_overlay_start_2:
0x73: {  	(tag) =	ssettag $0x2  }
0x74: {  	s0 =	rddreg [dreg:$0x0];
	s2 =	stileid.u32  }
0x75: {  	s1 =	rddreg [dreg:$0x1];
	p0 =	sne.s32 s2, $0x0  }
0x76: {  	s3 =	rddreg [dreg:$0x2];
	[bflag:$0x3] =	sbarrier.arrive $0xFFFF;
	s2 =	simm.s32 @!p0 $0x1C02  }
0x77: {  	[timem:s3], [sflag:s2] =	dma.local @!p0 [hbm:s0], s1  }
0x78: {  	s0 =	simm.s32 @!p0 $0x2  }
0x79: {  	_ =	swait.ge @!p0 [sflag:s0], s1  }
0x7a: {  	s1 =	ssub.s32 @!p0 $0x0, s1;
	[sflag:s0] =	ssyncset.done @!p0 $0x0  }
0x7b: {  	[sflag:s0] =	ssyncadd.s32 @!p0 s1  }
0x7c: {  	[bflag:$0x3] =	sbarrier.arrive $0xFFFF  }
0x7d: {  	_ =	shalt  }

</sc_bundles>
